<compile_context>
chip_gen: v7x
topology: tpu7x:2x2x1
jax: 0.10.2.dev20260603
libtpu: 0.0.44.dev20260713+nightly
codegen_flags: <defaults>
</compile_context>

<pallas_src>
import functools
import math

import jax
import jax.numpy as jnp
import numpy as np
from jax import lax
from jax.experimental import pallas as pl
from jax.experimental.pallas import tpu as pltpu
from jax.experimental.pallas import tpu_sc as plsc

VOCAB = 1000000
D = 64
SEQ = 200
B = 4096
SCALE = math.sqrt(D)
L = 16

NC = 2
NS = 16
NW = NC * NS

CBB = 256
NBQ = B // CBB
CPW = SEQ * NBQ // NW
GRP = 5
COLS2 = (B // 128) * 8 * 128


def _pe_const() -> np.ndarray:
    position = np.arange(SEQ, dtype=np.float32)[:, None]
    num_even = D // 2 + D % 2
    div_term = np.exp(
        np.arange(0, num_even, dtype=np.float32) * (-math.log(10000.0) / D)
    )
    pe = np.zeros((SEQ, D), dtype=np.float32)
    pe[:, 0::2] = np.sin(position * div_term[:num_even])
    pe[:, 1::2] = np.cos(position * div_term[: D // 2])
    return pe


def _sc_embed(xt, table, pe):
    mesh = plsc.VectorSubcoreMesh(
        core_axis_name="c", subcore_axis_name="s", num_cores=NC, num_subcores=NS
    )

    @functools.partial(
        pl.kernel,
        out_type=jax.ShapeDtypeStruct((SEQ, D // 8, B // 128, 8, 128),
                                      jnp.float32),
        mesh=mesh,
        compiler_params=pltpu.CompilerParams(use_tc_tiling_on_sc=False,
                                             needs_layout_passes=False),
        scratch_types=[
            pltpu.VMEM((CBB // 128, 128), jnp.int32),
            pltpu.VMEM((CBB // 128, 128), jnp.int32),
            pltpu.VMEM((CBB, D), jnp.float32),
            pltpu.VMEM((CBB, D), jnp.float32),
            pltpu.VMEM((D // 8, CBB // 128, 8, 128), jnp.float32),
            pltpu.VMEM((D // 8, CBB // 128, 8, 128), jnp.float32),
            pltpu.VMEM((SEQ, D), jnp.float32),
            pltpu.SemaphoreType.DMA,
            pltpu.SemaphoreType.DMA,
            pltpu.SemaphoreType.DMA,
            pltpu.SemaphoreType.DMA,
            pltpu.SemaphoreType.DMA,
            pltpu.SemaphoreType.DMA,
        ],
    )
    def k(xt_hbm, table_hbm, pe_hbm, out_hbm,
          idx0, idx1, rows0, rows1, tb0, tb1, pe_v,
          sg0, sg1, sw0, sw1, si0, si1):
        idxs = (idx0, idx1)
        rows = (rows0, rows1)
        tbs = (tb0, tb1)
        sg = (sg0, sg1)
        sw = (sw0, sw1)
        si = (si0, si1)

        wid = lax.axis_index("s") * NC + lax.axis_index("c")
        g0 = wid * CPW
        pltpu.sync_copy(pe_hbm, pe_v)

        def idx_src(g):
            s = g // NBQ
            bq = g % NBQ
            return xt_hbm.at[s // 8, pl.ds(bq * (CBB // 128), CBB // 128),
                             s % 8, pl.ds(0, 128)]

        def start_idx(p, g):
            pltpu.async_copy(idx_src(g), idxs[p], si[p])

        def wait_idx(p, g):
            pltpu.make_async_copy(idx_src(g), idxs[p], si[p]).wait()

        def start_gather(b, p):
            for t in range(CBB // 128):
                pltpu.async_copy(table_hbm.at[idxs[p].at[t]],
                                 rows[b].at[pl.ds(t * 128, 128)], sg[b])

        def wait_gather(b, p):
            for t in range(CBB // 128):
                pltpu.make_async_copy(table_hbm.at[idxs[p].at[t]],
                                      rows[b].at[pl.ds(t * 128, 128)],
                                      sg[b]).wait()

        def out_slice(g):
            s = g // NBQ
            bq = g % NBQ
            return out_hbm.at[s, pl.ds(0, D // 8),
                              pl.ds(bq * (CBB // 128), CBB // 128),
                              pl.ds(0, 8), pl.ds(0, 128)]

        def start_write(b, g):
            pltpu.async_copy(tbs[b], out_slice(g), sw[b])

        def wait_write(b, g):
            pltpu.make_async_copy(tbs[b], out_slice(g), sw[b]).wait()

        start_idx(0, g0)
        start_idx(1, g0 + 1)
        wait_idx(0, g0)
        start_gather(0, 0)

        iota16 = lax.broadcasted_iota(jnp.int32, (L,), 0)

        @pl.loop(0, CPW, step=2)
        def _outer(c0):
            for b in range(2):
                c = c0 + b
                g = g0 + c
                s = g // NBQ

                wait_gather(b, b)

                @pl.when(c + 2 < CPW)
                def _():
                    start_idx(b, g + 2)

                @pl.when(c + 1 < CPW)
                def _():
                    wait_idx(1 - b, g + 1)
                    start_gather(1 - b, 1 - b)

                @pl.when(c >= 2)
                def _():
                    wait_write(b, g - 2)

                rbuf = rows[b]
                tbuf = tbs[b]
                s_vec = jnp.full((L,), s, jnp.int32)

                @plsc.parallel_loop(0, D, unroll=4)
                def _d(d):
                    d_vec = jnp.full((L,), d, jnp.int32)
                    pe_vec = plsc.load_gather(pe_v, [s_vec, d_vec])
                    dB = d // 8
                    di = d % 8
                    for kk in range(CBB // L):
                        ib = iota16 + (kk * L)
                        vals = plsc.load_gather(rbuf, [ib, d_vec])
                        res = vals * SCALE + pe_vec
                        tbuf[dB, kk // 8, di, pl.ds((kk % 8) * L, L)] = res

                start_write(b, g)

        wait_write(0, g0 + CPW - 2)
        wait_write(1, g0 + CPW - 1)

    return k(xt, table, pe)


def kernel(x, table):
    xt = (x.astype(jnp.int32).T
          .reshape(SEQ // 8, 8, B // 128, 128)
          .transpose(0, 2, 1, 3))
    pe = jnp.asarray(_pe_const())
    out5 = _sc_embed(xt, table, pe)
    return jnp.transpose(out5, (2, 4, 0, 1, 3)).reshape(B, SEQ, D)

# --- scband reference (transcript-rebuilt; emitter-appended) ---
"""Pipeline reference for scband-pretrained-transformer-embedding-16827681865884 (READ-ONLY COPY).

The authoritative reference and input builder live on the scoring server;
editing this copy changes nothing except your own understanding.
"""

import jax, jax.numpy as jnp
import numpy as np
import math

VOCAB = 1000000
D_MODEL = 64
MAX_SEQ = 5000

def _positional_encoding(max_seq_length, d_model):
    pe = jnp.zeros((max_seq_length, d_model), dtype=jnp.float32)
    position = jnp.arange(0, max_seq_length, dtype=jnp.float32)[:, None]
    num_even = d_model // 2 + d_model % 2
    num_odd = d_model // 2
    div_term = jnp.exp(jnp.arange(0, num_even, dtype=jnp.float32) * (-math.log(10000.0) / d_model))
    pe = pe.at[:, 0::2].set(jnp.sin(position * div_term[:num_even]))
    if d_model > 1:
        pe = pe.at[:, 1::2].set(jnp.cos(position * div_term[:num_odd]))
    return pe[None, :, :]  # (1, max_seq, d_model)

def setup_inputs(seed: int = 0) -> dict:
    key = jax.random.key(seed)
    k1, k2 = jax.random.split(key)
    x = jax.random.randint(k1, (4096, 200), 0, VOCAB, dtype=jnp.int64) if jax.config.jax_enable_x64 else jax.random.randint(k1, (4096, 200), 0, VOCAB, dtype=jnp.int32)
    table = jax.random.normal(k2, (VOCAB, D_MODEL), dtype=jnp.float32)
    return {"x": x, "table": table}

def reference(x, table):
    seq_length = x.shape[1]
    pe = _positional_encoding(MAX_SEQ, D_MODEL)
    token_embeddings = jnp.take(table, x, axis=0)
    token_embeddings = token_embeddings * math.sqrt(D_MODEL)
    embeddings = token_embeddings + pe[:, :seq_length, :]
    # dropout p=0.0 -> identity
    return embeddings

if __name__ == "__main__":
    import jax
    _d = setup_inputs()
    print(jax.jit(kernel)(*tuple(_d.values())))

</pallas_src>

<mosaic_0001>
#map = affine_map<(d0, d1) -> (0, 0, 0, 0)>
#map1 = affine_map<(d0, d1) -> (0, 0)>
#map2 = affine_map<(d0, d1) -> (0, 0, 0, 0, 0)>
module attributes {stable_mosaic.version = 14 : i64} {
  func.func @k(%arg0: i32, %arg1: i32, %arg2: memref<25x32x8x128xi32, #tpu.memory_space<hbm>>, %arg3: memref<1000000x64xf32, #tpu.memory_space<hbm>>, %arg4: memref<200x64xf32, #tpu.memory_space<hbm>>, %arg5: memref<200x8x32x8x128xf32, #tpu.memory_space<hbm>>, %arg6: memref<2x128xi32, #tpu.memory_space<vmem>>, %arg7: memref<2x128xi32, #tpu.memory_space<vmem>>, %arg8: memref<256x64xf32, #tpu.memory_space<vmem>>, %arg9: memref<256x64xf32, #tpu.memory_space<vmem>>, %arg10: memref<8x2x8x128xf32, #tpu.memory_space<vmem>>, %arg11: memref<8x2x8x128xf32, #tpu.memory_space<vmem>>, %arg12: memref<200x64xf32, #tpu.memory_space<vmem>>, %arg13: memref<!tpu.dma_semaphore, #tpu.memory_space<semaphore_mem>>, %arg14: memref<!tpu.dma_semaphore, #tpu.memory_space<semaphore_mem>>, %arg15: memref<!tpu.dma_semaphore, #tpu.memory_space<semaphore_mem>>, %arg16: memref<!tpu.dma_semaphore, #tpu.memory_space<semaphore_mem>>, %arg17: memref<!tpu.dma_semaphore, #tpu.memory_space<semaphore_mem>>, %arg18: memref<!tpu.dma_semaphore, #tpu.memory_space<semaphore_mem>>) attributes {dimension_semantics = [#tpu.dimension_semantics<core_parallel>, #tpu.dimension_semantics<subcore_parallel>], iteration_bounds = array<i64: 2, 16>, scalar_prefetch = 0 : i64, scratch_operands = 13 : i64, tpu.core_type = #tpu.core_type<sc_vector_subcore>, window_params = [{transform_indices = #map}, {transform_indices = #map1}, {transform_indices = #map1}, {transform_indices = #map2}]} {
    %mul3A = arith.constant 2 : i32
    %mul3A_0 = arith.muli %arg1, %mul3A : i32
    %add3A = arith.addi %mul3A_0, %arg0 : i32
    %mul3A_1 = arith.constant 100 : i32
    %mul3A_2 = arith.muli %add3A, %mul3A_1 : i32
    "tpu.region"() ({
      %run_scoped3A = tpu.sem_alloc : memref<!tpu.dma_semaphore, #tpu.memory_space<semaphore_mem>>
      tpu.enqueue_dma source(%arg4 : memref<200x64xf32, #tpu.memory_space<hbm>>) target(%arg12 : memref<200x64xf32, #tpu.memory_space<vmem>>) target_semaphore(%run_scoped3A : memref<!tpu.dma_semaphore, #tpu.memory_space<semaphore_mem>>)
      tpu.wait_dma2 semaphore(%run_scoped3A : memref<!tpu.dma_semaphore, #tpu.memory_space<semaphore_mem>>) src(%arg4 : memref<200x64xf32, #tpu.memory_space<hbm>>) dst(%arg12 : memref<200x64xf32, #tpu.memory_space<vmem>>)
      tpu.yield
    }) : () -> ()
    %jit3A = arith.constant 16 : i32
    %div3A = arith.divsi %mul3A_2, %jit3A : i32
    %sign3A = arith.constant 0 : i32
    %sign3A_3 = arith.cmpi sgt, %mul3A_2, %sign3A : i32
    %sign3A_4 = arith.extui %sign3A_3 : i1 to i32
    %sign3A_5 = arith.constant 0 : i32
    %sign3A_6 = arith.cmpi slt, %mul3A_2, %sign3A_5 : i32
    %sign3A_7 = arith.extui %sign3A_6 : i1 to i32
    %sign3A_8 = arith.subi %sign3A_4, %sign3A_7 : i32
    %sign3A_9 = arith.constant 0 : i32
    %sign3A_10 = arith.cmpi sgt, %jit3A, %sign3A_9 : i32
    %sign3A_11 = arith.extui %sign3A_10 : i1 to i32
    %sign3A_12 = arith.constant 0 : i32
    %sign3A_13 = arith.cmpi slt, %jit3A, %sign3A_12 : i32
    %sign3A_14 = arith.extui %sign3A_13 : i1 to i32
    %sign3A_15 = arith.subi %sign3A_11, %sign3A_14 : i32
    %ne3A = arith.cmpi ne, %sign3A_8, %sign3A_15 : i32
    %rem3A = arith.remsi %mul3A_2, %jit3A : i32
    %ne3A_16 = arith.constant 0 : i32
    %ne3A_17 = arith.cmpi ne, %rem3A, %ne3A_16 : i32
    %and3A = arith.andi %ne3A, %ne3A_17 : i1
    %sub3A = arith.constant 1 : i32
    %sub3A_18 = arith.subi %div3A, %sub3A : i32
    %select_n3A = arith.select %and3A, %sub3A_18, %div3A : i32
    %jit3A_19 = arith.constant 16 : i32
    %eq3A = arith.constant 0 : i32
    %eq3A_20 = arith.cmpi eq, %jit3A_19, %eq3A : i32
    %jit3A_21 = arith.constant 1 : i32
    %select_n3A_22 = arith.select %eq3A_20, %jit3A_21, %jit3A_19 : i32
    %rem3A_23 = arith.remsi %mul3A_2, %select_n3A_22 : i32
    %ne3A_24 = arith.constant 0 : i32
    %ne3A_25 = arith.cmpi ne, %rem3A_23, %ne3A_24 : i32
    %lt3A = arith.constant 0 : i32
    %lt3A_26 = arith.cmpi slt, %rem3A_23, %lt3A : i32
    %lt3A_27 = arith.constant 0 : i32
    %lt3A_28 = arith.cmpi slt, %select_n3A_22, %lt3A_27 : i32
    %ne3A_29 = arith.xori %lt3A_26, %lt3A_28 : i1
    %and3A_30 = arith.andi %ne3A_29, %ne3A_25 : i1
    %add3A_31 = arith.addi %rem3A_23, %select_n3A_22 : i32
    %select_n3A_32 = arith.select %and3A_30, %add3A_31, %rem3A_23 : i32
    %jit3A_33 = arith.constant 8 : i32
    %div3A_34 = arith.divsi %select_n3A, %jit3A_33 : i32
    %sign3A_35 = arith.constant 0 : i32
    %sign3A_36 = arith.cmpi sgt, %select_n3A, %sign3A_35 : i32
    %sign3A_37 = arith.extui %sign3A_36 : i1 to i32
    %sign3A_38 = arith.constant 0 : i32
    %sign3A_39 = arith.cmpi slt, %select_n3A, %sign3A_38 : i32
    %sign3A_40 = arith.extui %sign3A_39 : i1 to i32
    %sign3A_41 = arith.subi %sign3A_37, %sign3A_40 : i32
    %sign3A_42 = arith.constant 0 : i32
    %sign3A_43 = arith.cmpi sgt, %jit3A_33, %sign3A_42 : i32
    %sign3A_44 = arith.extui %sign3A_43 : i1 to i32
    %sign3A_45 = arith.constant 0 : i32
    %sign3A_46 = arith.cmpi slt, %jit3A_33, %sign3A_45 : i32
    %sign3A_47 = arith.extui %sign3A_46 : i1 to i32
    %sign3A_48 = arith.subi %sign3A_44, %sign3A_47 : i32
    %ne3A_49 = arith.cmpi ne, %sign3A_41, %sign3A_48 : i32
    %rem3A_50 = arith.remsi %select_n3A, %jit3A_33 : i32
    %ne3A_51 = arith.constant 0 : i32
    %ne3A_52 = arith.cmpi ne, %rem3A_50, %ne3A_51 : i32
    %and3A_53 = arith.andi %ne3A_49, %ne3A_52 : i1
    %sub3A_54 = arith.constant 1 : i32
    %sub3A_55 = arith.subi %div3A_34, %sub3A_54 : i32
    %select_n3A_56 = arith.select %and3A_53, %sub3A_55, %div3A_34 : i32
    %mul3A_57 = arith.constant 2 : i32
    %mul3A_58 = arith.muli %select_n3A_32, %mul3A_57 : i32
    %jit3A_59 = arith.constant 8 : i32
    %eq3A_60 = arith.constant 0 : i32
    %eq3A_61 = arith.cmpi eq, %jit3A_59, %eq3A_60 : i32
    %jit3A_62 = arith.constant 1 : i32
    %select_n3A_63 = arith.select %eq3A_61, %jit3A_62, %jit3A_59 : i32
    %rem3A_64 = arith.remsi %select_n3A, %select_n3A_63 : i32
    %ne3A_65 = arith.constant 0 : i32
    %ne3A_66 = arith.cmpi ne, %rem3A_64, %ne3A_65 : i32
    %lt3A_67 = arith.constant 0 : i32
    %lt3A_68 = arith.cmpi slt, %rem3A_64, %lt3A_67 : i32
    %lt3A_69 = arith.constant 0 : i32
    %lt3A_70 = arith.cmpi slt, %select_n3A_63, %lt3A_69 : i32
    %ne3A_71 = arith.xori %lt3A_68, %lt3A_70 : i1
    %and3A_72 = arith.andi %ne3A_71, %ne3A_66 : i1
    %add3A_73 = arith.addi %rem3A_64, %select_n3A_63 : i32
    %select_n3A_74 = arith.select %and3A_72, %add3A_73, %rem3A_64 : i32
    %dma_start3A = arith.constant 0 : i32
    %dma_start3A_75 = tpu.memref_slice %arg2[%select_n3A_56, %mul3A_58, %select_n3A_74, %dma_start3A] : memref<25x32x8x128xi32, #tpu.memory_space<hbm>> -> memref<1x2x1x128xi32, #tpu.memory_space<hbm>>
    %dma_start3A_76 = tpu.memref_squeeze %dma_start3A_75 : memref<1x2x1x128xi32, #tpu.memory_space<hbm>> -> memref<2x128xi32, #tpu.memory_space<hbm>>
    %dma_start3A_77 = arith.constant 0 : i32
    %dma_start3A_78 = tpu.memref_slice %arg2[%select_n3A_56, %mul3A_58, %select_n3A_74, %dma_start3A_77] : memref<25x32x8x128xi32, #tpu.memory_space<hbm>> -> memref<1x2x1x128xi32, #tpu.memory_space<hbm>>
    %dma_start3A_79 = tpu.memref_squeeze %dma_start3A_78 : memref<1x2x1x128xi32, #tpu.memory_space<hbm>> -> memref<2x128xi32, #tpu.memory_space<hbm>>
    tpu.enqueue_dma source(%dma_start3A_79 : memref<2x128xi32, #tpu.memory_space<hbm>>) target(%arg6 : memref<2x128xi32, #tpu.memory_space<vmem>>) target_semaphore(%arg17 : memref<!tpu.dma_semaphore, #tpu.memory_space<semaphore_mem>>)
    %add3A_80 = arith.constant 1 : i32
    %add3A_81 = arith.addi %mul3A_2, %add3A_80 : i32
    %jit3A_82 = arith.constant 16 : i32
    %div3A_83 = arith.divsi %add3A_81, %jit3A_82 : i32
    %sign3A_84 = arith.constant 0 : i32
    %sign3A_85 = arith.cmpi sgt, %add3A_81, %sign3A_84 : i32
    %sign3A_86 = arith.extui %sign3A_85 : i1 to i32
    %sign3A_87 = arith.constant 0 : i32
    %sign3A_88 = arith.cmpi slt, %add3A_81, %sign3A_87 : i32
    %sign3A_89 = arith.extui %sign3A_88 : i1 to i32
    %sign3A_90 = arith.subi %sign3A_86, %sign3A_89 : i32
    %sign3A_91 = arith.constant 0 : i32
    %sign3A_92 = arith.cmpi sgt, %jit3A_82, %sign3A_91 : i32
    %sign3A_93 = arith.extui %sign3A_92 : i1 to i32
    %sign3A_94 = arith.constant 0 : i32
    %sign3A_95 = arith.cmpi slt, %jit3A_82, %sign3A_94 : i32
    %sign3A_96 = arith.extui %sign3A_95 : i1 to i32
    %sign3A_97 = arith.subi %sign3A_93, %sign3A_96 : i32
    %ne3A_98 = arith.cmpi ne, %sign3A_90, %sign3A_97 : i32
    %rem3A_99 = arith.remsi %add3A_81, %jit3A_82 : i32
    %ne3A_100 = arith.constant 0 : i32
    %ne3A_101 = arith.cmpi ne, %rem3A_99, %ne3A_100 : i32
    %and3A_102 = arith.andi %ne3A_98, %ne3A_101 : i1
    %sub3A_103 = arith.constant 1 : i32
    %sub3A_104 = arith.subi %div3A_83, %sub3A_103 : i32
    %select_n3A_105 = arith.select %and3A_102, %sub3A_104, %div3A_83 : i32
    %jit3A_106 = arith.constant 16 : i32
    %eq3A_107 = arith.constant 0 : i32
    %eq3A_108 = arith.cmpi eq, %jit3A_106, %eq3A_107 : i32
    %jit3A_109 = arith.constant 1 : i32
    %select_n3A_110 = arith.select %eq3A_108, %jit3A_109, %jit3A_106 : i32
    %rem3A_111 = arith.remsi %add3A_81, %select_n3A_110 : i32
    %ne3A_112 = arith.constant 0 : i32
    %ne3A_113 = arith.cmpi ne, %rem3A_111, %ne3A_112 : i32
    %lt3A_114 = arith.constant 0 : i32
    %lt3A_115 = arith.cmpi slt, %rem3A_111, %lt3A_114 : i32
    %lt3A_116 = arith.constant 0 : i32
    %lt3A_117 = arith.cmpi slt, %select_n3A_110, %lt3A_116 : i32
    %ne3A_118 = arith.xori %lt3A_115, %lt3A_117 : i1
    %and3A_119 = arith.andi %ne3A_118, %ne3A_113 : i1
    %add3A_120 = arith.addi %rem3A_111, %select_n3A_110 : i32
    %select_n3A_121 = arith.select %and3A_119, %add3A_120, %rem3A_111 : i32
    %jit3A_122 = arith.constant 8 : i32
    %div3A_123 = arith.divsi %select_n3A_105, %jit3A_122 : i32
    %sign3A_124 = arith.constant 0 : i32
    %sign3A_125 = arith.cmpi sgt, %select_n3A_105, %sign3A_124 : i32
    %sign3A_126 = arith.extui %sign3A_125 : i1 to i32
    %sign3A_127 = arith.constant 0 : i32
    %sign3A_128 = arith.cmpi slt, %select_n3A_105, %sign3A_127 : i32
    %sign3A_129 = arith.extui %sign3A_128 : i1 to i32
    %sign3A_130 = arith.subi %sign3A_126, %sign3A_129 : i32
    %sign3A_131 = arith.constant 0 : i32
    %sign3A_132 = arith.cmpi sgt, %jit3A_122, %sign3A_131 : i32
    %sign3A_133 = arith.extui %sign3A_132 : i1 to i32
    %sign3A_134 = arith.constant 0 : i32
    %sign3A_135 = arith.cmpi slt, %jit3A_122, %sign3A_134 : i32
    %sign3A_136 = arith.extui %sign3A_135 : i1 to i32
    %sign3A_137 = arith.subi %sign3A_133, %sign3A_136 : i32
    %ne3A_138 = arith.cmpi ne, %sign3A_130, %sign3A_137 : i32
    %rem3A_139 = arith.remsi %select_n3A_105, %jit3A_122 : i32
    %ne3A_140 = arith.constant 0 : i32
    %ne3A_141 = arith.cmpi ne, %rem3A_139, %ne3A_140 : i32
    %and3A_142 = arith.andi %ne3A_138, %ne3A_141 : i1
    %sub3A_143 = arith.constant 1 : i32
    %sub3A_144 = arith.subi %div3A_123, %sub3A_143 : i32
    %select_n3A_145 = arith.select %and3A_142, %sub3A_144, %div3A_123 : i32
    %mul3A_146 = arith.constant 2 : i32
    %mul3A_147 = arith.muli %select_n3A_121, %mul3A_146 : i32
    %jit3A_148 = arith.constant 8 : i32
    %eq3A_149 = arith.constant 0 : i32
    %eq3A_150 = arith.cmpi eq, %jit3A_148, %eq3A_149 : i32
    %jit3A_151 = arith.constant 1 : i32
    %select_n3A_152 = arith.select %eq3A_150, %jit3A_151, %jit3A_148 : i32
    %rem3A_153 = arith.remsi %select_n3A_105, %select_n3A_152 : i32
    %ne3A_154 = arith.constant 0 : i32
    %ne3A_155 = arith.cmpi ne, %rem3A_153, %ne3A_154 : i32
    %lt3A_156 = arith.constant 0 : i32
    %lt3A_157 = arith.cmpi slt, %rem3A_153, %lt3A_156 : i32
    %lt3A_158 = arith.constant 0 : i32
    %lt3A_159 = arith.cmpi slt, %select_n3A_152, %lt3A_158 : i32
    %ne3A_160 = arith.xori %lt3A_157, %lt3A_159 : i1
    %and3A_161 = arith.andi %ne3A_160, %ne3A_155 : i1
    %add3A_162 = arith.addi %rem3A_153, %select_n3A_152 : i32
    %select_n3A_163 = arith.select %and3A_161, %add3A_162, %rem3A_153 : i32
    %dma_start3A_164 = arith.constant 0 : i32
    %dma_start3A_165 = tpu.memref_slice %arg2[%select_n3A_145, %mul3A_147, %select_n3A_163, %dma_start3A_164] : memref<25x32x8x128xi32, #tpu.memory_space<hbm>> -> memref<1x2x1x128xi32, #tpu.memory_space<hbm>>
    %dma_start3A_166 = tpu.memref_squeeze %dma_start3A_165 : memref<1x2x1x128xi32, #tpu.memory_space<hbm>> -> memref<2x128xi32, #tpu.memory_space<hbm>>
    %dma_start3A_167 = arith.constant 0 : i32
    %dma_start3A_168 = tpu.memref_slice %arg2[%select_n3A_145, %mul3A_147, %select_n3A_163, %dma_start3A_167] : memref<25x32x8x128xi32, #tpu.memory_space<hbm>> -> memref<1x2x1x128xi32, #tpu.memory_space<hbm>>
    %dma_start3A_169 = tpu.memref_squeeze %dma_start3A_168 : memref<1x2x1x128xi32, #tpu.memory_space<hbm>> -> memref<2x128xi32, #tpu.memory_space<hbm>>
    tpu.enqueue_dma source(%dma_start3A_169 : memref<2x128xi32, #tpu.memory_space<hbm>>) target(%arg7 : memref<2x128xi32, #tpu.memory_space<vmem>>) target_semaphore(%arg18 : memref<!tpu.dma_semaphore, #tpu.memory_space<semaphore_mem>>)
    %jit3A_170 = arith.constant 16 : i32
    %div3A_171 = arith.divsi %mul3A_2, %jit3A_170 : i32
    %sign3A_172 = arith.constant 0 : i32
    %sign3A_173 = arith.cmpi sgt, %mul3A_2, %sign3A_172 : i32
    %sign3A_174 = arith.extui %sign3A_173 : i1 to i32
    %sign3A_175 = arith.constant 0 : i32
    %sign3A_176 = arith.cmpi slt, %mul3A_2, %sign3A_175 : i32
    %sign3A_177 = arith.extui %sign3A_176 : i1 to i32
    %sign3A_178 = arith.subi %sign3A_174, %sign3A_177 : i32
    %sign3A_179 = arith.constant 0 : i32
    %sign3A_180 = arith.cmpi sgt, %jit3A_170, %sign3A_179 : i32
    %sign3A_181 = arith.extui %sign3A_180 : i1 to i32
    %sign3A_182 = arith.constant 0 : i32
    %sign3A_183 = arith.cmpi slt, %jit3A_170, %sign3A_182 : i32
    %sign3A_184 = arith.extui %sign3A_183 : i1 to i32
    %sign3A_185 = arith.subi %sign3A_181, %sign3A_184 : i32
    %ne3A_186 = arith.cmpi ne, %sign3A_178, %sign3A_185 : i32
    %rem3A_187 = arith.remsi %mul3A_2, %jit3A_170 : i32
    %ne3A_188 = arith.constant 0 : i32
    %ne3A_189 = arith.cmpi ne, %rem3A_187, %ne3A_188 : i32
    %and3A_190 = arith.andi %ne3A_186, %ne3A_189 : i1
    %sub3A_191 = arith.constant 1 : i32
    %sub3A_192 = arith.subi %div3A_171, %sub3A_191 : i32
    %select_n3A_193 = arith.select %and3A_190, %sub3A_192, %div3A_171 : i32
    %jit3A_194 = arith.constant 16 : i32
    %eq3A_195 = arith.constant 0 : i32
    %eq3A_196 = arith.cmpi eq, %jit3A_194, %eq3A_195 : i32
    %jit3A_197 = arith.constant 1 : i32
    %select_n3A_198 = arith.select %eq3A_196, %jit3A_197, %jit3A_194 : i32
    %rem3A_199 = arith.remsi %mul3A_2, %select_n3A_198 : i32
    %ne3A_200 = arith.constant 0 : i32
    %ne3A_201 = arith.cmpi ne, %rem3A_199, %ne3A_200 : i32
    %lt3A_202 = arith.constant 0 : i32
    %lt3A_203 = arith.cmpi slt, %rem3A_199, %lt3A_202 : i32
    %lt3A_204 = arith.constant 0 : i32
    %lt3A_205 = arith.cmpi slt, %select_n3A_198, %lt3A_204 : i32
    %ne3A_206 = arith.xori %lt3A_203, %lt3A_205 : i1
    %and3A_207 = arith.andi %ne3A_206, %ne3A_201 : i1
    %add3A_208 = arith.addi %rem3A_199, %select_n3A_198 : i32
    %select_n3A_209 = arith.select %and3A_207, %add3A_208, %rem3A_199 : i32
    %jit3A_210 = arith.constant 8 : i32
    %div3A_211 = arith.divsi %select_n3A_193, %jit3A_210 : i32
    %sign3A_212 = arith.constant 0 : i32
    %sign3A_213 = arith.cmpi sgt, %select_n3A_193, %sign3A_212 : i32
    %sign3A_214 = arith.extui %sign3A_213 : i1 to i32
    %sign3A_215 = arith.constant 0 : i32
    %sign3A_216 = arith.cmpi slt, %select_n3A_193, %sign3A_215 : i32
    %sign3A_217 = arith.extui %sign3A_216 : i1 to i32
    %sign3A_218 = arith.subi %sign3A_214, %sign3A_217 : i32
    %sign3A_219 = arith.constant 0 : i32
    %sign3A_220 = arith.cmpi sgt, %jit3A_210, %sign3A_219 : i32
    %sign3A_221 = arith.extui %sign3A_220 : i1 to i32
    %sign3A_222 = arith.constant 0 : i32
    %sign3A_223 = arith.cmpi slt, %jit3A_210, %sign3A_222 : i32
    %sign3A_224 = arith.extui %sign3A_223 : i1 to i32
    %sign3A_225 = arith.subi %sign3A_221, %sign3A_224 : i32
    %ne3A_226 = arith.cmpi ne, %sign3A_218, %sign3A_225 : i32
    %rem3A_227 = arith.remsi %select_n3A_193, %jit3A_210 : i32
    %ne3A_228 = arith.constant 0 : i32
    %ne3A_229 = arith.cmpi ne, %rem3A_227, %ne3A_228 : i32
    %and3A_230 = arith.andi %ne3A_226, %ne3A_229 : i1
    %sub3A_231 = arith.constant 1 : i32
    %sub3A_232 = arith.subi %div3A_211, %sub3A_231 : i32
    %select_n3A_233 = arith.select %and3A_230, %sub3A_232, %div3A_211 : i32
    %mul3A_234 = arith.constant 2 : i32
    %mul3A_235 = arith.muli %select_n3A_209, %mul3A_234 : i32
    %jit3A_236 = arith.constant 8 : i32
    %eq3A_237 = arith.constant 0 : i32
    %eq3A_238 = arith.cmpi eq, %jit3A_236, %eq3A_237 : i32
    %jit3A_239 = arith.constant 1 : i32
    %select_n3A_240 = arith.select %eq3A_238, %jit3A_239, %jit3A_236 : i32
    %rem3A_241 = arith.remsi %select_n3A_193, %select_n3A_240 : i32
    %ne3A_242 = arith.constant 0 : i32
    %ne3A_243 = arith.cmpi ne, %rem3A_241, %ne3A_242 : i32
    %lt3A_244 = arith.constant 0 : i32
    %lt3A_245 = arith.cmpi slt, %rem3A_241, %lt3A_244 : i32
    %lt3A_246 = arith.constant 0 : i32
    %lt3A_247 = arith.cmpi slt, %select_n3A_240, %lt3A_246 : i32
    %ne3A_248 = arith.xori %lt3A_245, %lt3A_247 : i1
    %and3A_249 = arith.andi %ne3A_248, %ne3A_243 : i1
    %add3A_250 = arith.addi %rem3A_241, %select_n3A_240 : i32
    %select_n3A_251 = arith.select %and3A_249, %add3A_250, %rem3A_241 : i32
    %dma_wait3A = arith.constant 0 : i32
    %dma_wait3A_252 = tpu.memref_slice %arg2[%select_n3A_233, %mul3A_235, %select_n3A_251, %dma_wait3A] : memref<25x32x8x128xi32, #tpu.memory_space<hbm>> -> memref<1x2x1x128xi32, #tpu.memory_space<hbm>>
    %dma_wait3A_253 = tpu.memref_squeeze %dma_wait3A_252 : memref<1x2x1x128xi32, #tpu.memory_space<hbm>> -> memref<2x128xi32, #tpu.memory_space<hbm>>
    %dma_wait3A_254 = arith.constant 0 : i32
    %dma_wait3A_255 = tpu.memref_slice %arg2[%select_n3A_233, %mul3A_235, %select_n3A_251, %dma_wait3A_254] : memref<25x32x8x128xi32, #tpu.memory_space<hbm>> -> memref<1x2x1x128xi32, #tpu.memory_space<hbm>>
    %dma_wait3A_256 = tpu.memref_squeeze %dma_wait3A_255 : memref<1x2x1x128xi32, #tpu.memory_space<hbm>> -> memref<2x128xi32, #tpu.memory_space<hbm>>
    tpu.wait_dma2 semaphore(%arg17 : memref<!tpu.dma_semaphore, #tpu.memory_space<semaphore_mem>>) src(%dma_wait3A_256 : memref<2x128xi32, #tpu.memory_space<hbm>>) dst(%arg6 : memref<2x128xi32, #tpu.memory_space<vmem>>)
    %dma_start3A_257 = arith.constant 0 : i32
    %dma_start3A_258 = arith.constant 0 : i32
    %dma_start3A_259 = arith.constant 0 : i32
    %dma_start3A_260 = tpu.memref_slice %arg8[%dma_start3A_258, %dma_start3A_259] : memref<256x64xf32, #tpu.memory_space<vmem>> -> memref<128x64xf32, #tpu.memory_space<vmem>>
    %dma_start3A_261 = arith.constant 0 : i32
    %dma_start3A_262 = tpu.memref_slice %arg6[%dma_start3A_257, %dma_start3A_261] : memref<2x128xi32, #tpu.memory_space<vmem>> -> memref<1x128xi32, #tpu.memory_space<vmem>>
    %dma_start3A_263 = tpu.memref_squeeze %dma_start3A_262 : memref<1x128xi32, #tpu.memory_space<vmem>> -> memref<128xi32, #tpu.memory_space<vmem>>
    %dma_start3A_264 = arith.constant 0 : i32
    %dma_start3A_265 = arith.constant 0 : i32
    %dma_start3A_266 = tpu.memref_slice %arg3[%dma_start3A_264, %dma_start3A_265] : memref<1000000x64xf32, #tpu.memory_space<hbm>> -> memref<1000000x64xf32, #tpu.memory_space<hbm>>
    tpu.enqueue_indirect_dma source(%dma_start3A_266 : memref<1000000x64xf32, #tpu.memory_space<hbm>>) target(%dma_start3A_260 : memref<128x64xf32, #tpu.memory_space<vmem>>) offsets(%dma_start3A_263 : memref<128xi32, #tpu.memory_space<vmem>>) semaphore(%arg13 : memref<!tpu.dma_semaphore, #tpu.memory_space<semaphore_mem>>)
    %dma_start3A_267 = arith.constant 1 : i32
    %dma_start3A_268 = arith.constant 128 : i32
    %dma_start3A_269 = arith.constant 0 : i32
    %dma_start3A_270 = tpu.memref_slice %arg8[%dma_start3A_268, %dma_start3A_269] : memref<256x64xf32, #tpu.memory_space<vmem>> -> memref<128x64xf32, #tpu.memory_space<vmem>>
    %dma_start3A_271 = arith.constant 0 : i32
    %dma_start3A_272 = tpu.memref_slice %arg6[%dma_start3A_267, %dma_start3A_271] : memref<2x128xi32, #tpu.memory_space<vmem>> -> memref<1x128xi32, #tpu.memory_space<vmem>>
    %dma_start3A_273 = tpu.memref_squeeze %dma_start3A_272 : memref<1x128xi32, #tpu.memory_space<vmem>> -> memref<128xi32, #tpu.memory_space<vmem>>
    %dma_start3A_274 = arith.constant 0 : i32
    %dma_start3A_275 = arith.constant 0 : i32
    %dma_start3A_276 = tpu.memref_slice %arg3[%dma_start3A_274, %dma_start3A_275] : memref<1000000x64xf32, #tpu.memory_space<hbm>> -> memref<1000000x64xf32, #tpu.memory_space<hbm>>
    tpu.enqueue_indirect_dma source(%dma_start3A_276 : memref<1000000x64xf32, #tpu.memory_space<hbm>>) target(%dma_start3A_270 : memref<128x64xf32, #tpu.memory_space<vmem>>) offsets(%dma_start3A_273 : memref<128xi32, #tpu.memory_space<vmem>>) semaphore(%arg13 : memref<!tpu.dma_semaphore, #tpu.memory_space<semaphore_mem>>)
    %iota3A = tpu.iota {dimensions = array<i32: 0>} : vector<16xi32>
    %scan3A = arith.constant 0 : i32
    %scan3A_277 = arith.constant 50 : i32
    %scan3A_278 = arith.addi %scan3A, %scan3A_277 : i32
    %scan3A_279 = arith.constant 1 : i32
    scf.for %scan3A_393 = %scan3A to %scan3A_278 step %scan3A_279  : i32 {
      %mul3A_394 = arith.constant 2 : i32
      %mul3A_395 = arith.muli %scan3A_393, %mul3A_394 : i32
      %add3A_396 = arith.constant 0 : i32
      %add3A_397 = arith.addi %add3A_396, %mul3A_395 : i32
      %add3A_398 = arith.constant 0 : i32
      %add3A_399 = arith.addi %add3A_397, %add3A_398 : i32
      %add3A_400 = arith.addi %mul3A_2, %add3A_399 : i32
      %jit3A_401 = arith.constant 16 : i32
      %div3A_402 = arith.divsi %add3A_400, %jit3A_401 : i32
      %sign3A_403 = arith.constant 0 : i32
      %sign3A_404 = arith.cmpi sgt, %add3A_400, %sign3A_403 : i32
      %sign3A_405 = arith.extui %sign3A_404 : i1 to i32
      %sign3A_406 = arith.constant 0 : i32
      %sign3A_407 = arith.cmpi slt, %add3A_400, %sign3A_406 : i32
      %sign3A_408 = arith.extui %sign3A_407 : i1 to i32
      %sign3A_409 = arith.subi %sign3A_405, %sign3A_408 : i32
      %sign3A_410 = arith.constant 0 : i32
      %sign3A_411 = arith.cmpi sgt, %jit3A_401, %sign3A_410 : i32
      %sign3A_412 = arith.extui %sign3A_411 : i1 to i32
      %sign3A_413 = arith.constant 0 : i32
      %sign3A_414 = arith.cmpi slt, %jit3A_401, %sign3A_413 : i32
      %sign3A_415 = arith.extui %sign3A_414 : i1 to i32
      %sign3A_416 = arith.subi %sign3A_412, %sign3A_415 : i32
      %ne3A_417 = arith.cmpi ne, %sign3A_409, %sign3A_416 : i32
      %rem3A_418 = arith.remsi %add3A_400, %jit3A_401 : i32
      %ne3A_419 = arith.constant 0 : i32
      %ne3A_420 = arith.cmpi ne, %rem3A_418, %ne3A_419 : i32
      %and3A_421 = arith.andi %ne3A_417, %ne3A_420 : i1
      %sub3A_422 = arith.constant 1 : i32
      %sub3A_423 = arith.subi %div3A_402, %sub3A_422 : i32
      %select_n3A_424 = arith.select %and3A_421, %sub3A_423, %div3A_402 : i32
      %dma_wait3A_425 = arith.constant 0 : i32
      %dma_wait3A_426 = arith.constant 0 : i32
      %dma_wait3A_427 = arith.constant 0 : i32
      %dma_wait3A_428 = tpu.memref_slice %arg8[%dma_wait3A_426, %dma_wait3A_427] : memref<256x64xf32, #tpu.memory_space<vmem>> -> memref<128x64xf32, #tpu.memory_space<vmem>>
      %dma_wait3A_429 = arith.constant 0 : i32
      %dma_wait3A_430 = tpu.memref_slice %arg6[%dma_wait3A_425, %dma_wait3A_429] : memref<2x128xi32, #tpu.memory_space<vmem>> -> memref<1x128xi32, #tpu.memory_space<vmem>>
      %dma_wait3A_431 = tpu.memref_squeeze %dma_wait3A_430 : memref<1x128xi32, #tpu.memory_space<vmem>> -> memref<128xi32, #tpu.memory_space<vmem>>
      %dma_wait3A_432 = arith.constant 0 : i32
      %dma_wait3A_433 = arith.constant 0 : i32
      %dma_wait3A_434 = tpu.memref_slice %arg3[%dma_wait3A_432, %dma_wait3A_433] : memref<1000000x64xf32, #tpu.memory_space<hbm>> -> memref<1000000x64xf32, #tpu.memory_space<hbm>>
      tpu.wait_indirect_dma semaphore(%arg13 : memref<!tpu.dma_semaphore, #tpu.memory_space<semaphore_mem>>) src(%dma_wait3A_434 : memref<1000000x64xf32, #tpu.memory_space<hbm>>) dst(%dma_wait3A_428 : memref<128x64xf32, #tpu.memory_space<vmem>>)
      %dma_wait3A_435 = arith.constant 1 : i32
      %dma_wait3A_436 = arith.constant 128 : i32
      %dma_wait3A_437 = arith.constant 0 : i32
      %dma_wait3A_438 = tpu.memref_slice %arg8[%dma_wait3A_436, %dma_wait3A_437] : memref<256x64xf32, #tpu.memory_space<vmem>> -> memref<128x64xf32, #tpu.memory_space<vmem>>
      %dma_wait3A_439 = arith.constant 0 : i32
      %dma_wait3A_440 = tpu.memref_slice %arg6[%dma_wait3A_435, %dma_wait3A_439] : memref<2x128xi32, #tpu.memory_space<vmem>> -> memref<1x128xi32, #tpu.memory_space<vmem>>
      %dma_wait3A_441 = tpu.memref_squeeze %dma_wait3A_440 : memref<1x128xi32, #tpu.memory_space<vmem>> -> memref<128xi32, #tpu.memory_space<vmem>>
      %dma_wait3A_442 = arith.constant 0 : i32
      %dma_wait3A_443 = arith.constant 0 : i32
      %dma_wait3A_444 = tpu.memref_slice %arg3[%dma_wait3A_442, %dma_wait3A_443] : memref<1000000x64xf32, #tpu.memory_space<hbm>> -> memref<1000000x64xf32, #tpu.memory_space<hbm>>
      tpu.wait_indirect_dma semaphore(%arg13 : memref<!tpu.dma_semaphore, #tpu.memory_space<semaphore_mem>>) src(%dma_wait3A_444 : memref<1000000x64xf32, #tpu.memory_space<hbm>>) dst(%dma_wait3A_438 : memref<128x64xf32, #tpu.memory_space<vmem>>)
      %add3A_445 = arith.constant 2 : i32
      %add3A_446 = arith.addi %add3A_399, %add3A_445 : i32
      %lt3A_447 = arith.constant 100 : i32
      %lt3A_448 = arith.cmpi slt, %add3A_446, %lt3A_447 : i32
      %convert_element_type3A = arith.extui %lt3A_448 : i1 to i32
      %cond3A = arith.constant 0 : i32
      %cond3A_449 = arith.cmpi ne, %convert_element_type3A, %cond3A : i32
      scf.if %cond3A_449 {
        %add3A_637 = arith.constant 2 : i32
        %add3A_638 = arith.addi %add3A_400, %add3A_637 : i32
        %jit3A_639 = arith.constant 16 : i32
        %div3A_640 = arith.divsi %add3A_638, %jit3A_639 : i32
        %sign3A_641 = arith.constant 0 : i32
        %sign3A_642 = arith.cmpi sgt, %add3A_638, %sign3A_641 : i32
        %sign3A_643 = arith.extui %sign3A_642 : i1 to i32
        %sign3A_644 = arith.constant 0 : i32
        %sign3A_645 = arith.cmpi slt, %add3A_638, %sign3A_644 : i32
        %sign3A_646 = arith.extui %sign3A_645 : i1 to i32
        %sign3A_647 = arith.subi %sign3A_643, %sign3A_646 : i32
        %sign3A_648 = arith.constant 0 : i32
        %sign3A_649 = arith.cmpi sgt, %jit3A_639, %sign3A_648 : i32
        %sign3A_650 = arith.extui %sign3A_649 : i1 to i32
        %sign3A_651 = arith.constant 0 : i32
        %sign3A_652 = arith.cmpi slt, %jit3A_639, %sign3A_651 : i32
        %sign3A_653 = arith.extui %sign3A_652 : i1 to i32
        %sign3A_654 = arith.subi %sign3A_650, %sign3A_653 : i32
        %ne3A_655 = arith.cmpi ne, %sign3A_647, %sign3A_654 : i32
        %rem3A_656 = arith.remsi %add3A_638, %jit3A_639 : i32
        %ne3A_657 = arith.constant 0 : i32
        %ne3A_658 = arith.cmpi ne, %rem3A_656, %ne3A_657 : i32
        %and3A_659 = arith.andi %ne3A_655, %ne3A_658 : i1
        %sub3A_660 = arith.constant 1 : i32
        %sub3A_661 = arith.subi %div3A_640, %sub3A_660 : i32
        %select_n3A_662 = arith.select %and3A_659, %sub3A_661, %div3A_640 : i32
        %jit3A_663 = arith.constant 16 : i32
        %eq3A_664 = arith.constant 0 : i32
        %eq3A_665 = arith.cmpi eq, %jit3A_663, %eq3A_664 : i32
        %jit3A_666 = arith.constant 1 : i32
        %select_n3A_667 = arith.select %eq3A_665, %jit3A_666, %jit3A_663 : i32
        %rem3A_668 = arith.remsi %add3A_638, %select_n3A_667 : i32
        %ne3A_669 = arith.constant 0 : i32
        %ne3A_670 = arith.cmpi ne, %rem3A_668, %ne3A_669 : i32
        %lt3A_671 = arith.constant 0 : i32
        %lt3A_672 = arith.cmpi slt, %rem3A_668, %lt3A_671 : i32
        %lt3A_673 = arith.constant 0 : i32
        %lt3A_674 = arith.cmpi slt, %select_n3A_667, %lt3A_673 : i32
        %ne3A_675 = arith.xori %lt3A_672, %lt3A_674 : i1
        %and3A_676 = arith.andi %ne3A_675, %ne3A_670 : i1
        %add3A_677 = arith.addi %rem3A_668, %select_n3A_667 : i32
        %select_n3A_678 = arith.select %and3A_676, %add3A_677, %rem3A_668 : i32
        %jit3A_679 = arith.constant 8 : i32
        %div3A_680 = arith.divsi %select_n3A_662, %jit3A_679 : i32
        %sign3A_681 = arith.constant 0 : i32
        %sign3A_682 = arith.cmpi sgt, %select_n3A_662, %sign3A_681 : i32
        %sign3A_683 = arith.extui %sign3A_682 : i1 to i32
        %sign3A_684 = arith.constant 0 : i32
        %sign3A_685 = arith.cmpi slt, %select_n3A_662, %sign3A_684 : i32
        %sign3A_686 = arith.extui %sign3A_685 : i1 to i32
        %sign3A_687 = arith.subi %sign3A_683, %sign3A_686 : i32
        %sign3A_688 = arith.constant 0 : i32
        %sign3A_689 = arith.cmpi sgt, %jit3A_679, %sign3A_688 : i32
        %sign3A_690 = arith.extui %sign3A_689 : i1 to i32
        %sign3A_691 = arith.constant 0 : i32
        %sign3A_692 = arith.cmpi slt, %jit3A_679, %sign3A_691 : i32
        %sign3A_693 = arith.extui %sign3A_692 : i1 to i32
        %sign3A_694 = arith.subi %sign3A_690, %sign3A_693 : i32
        %ne3A_695 = arith.cmpi ne, %sign3A_687, %sign3A_694 : i32
        %rem3A_696 = arith.remsi %select_n3A_662, %jit3A_679 : i32
        %ne3A_697 = arith.constant 0 : i32
        %ne3A_698 = arith.cmpi ne, %rem3A_696, %ne3A_697 : i32
        %and3A_699 = arith.andi %ne3A_695, %ne3A_698 : i1
        %sub3A_700 = arith.constant 1 : i32
        %sub3A_701 = arith.subi %div3A_680, %sub3A_700 : i32
        %select_n3A_702 = arith.select %and3A_699, %sub3A_701, %div3A_680 : i32
        %mul3A_703 = arith.constant 2 : i32
        %mul3A_704 = arith.muli %select_n3A_678, %mul3A_703 : i32
        %jit3A_705 = arith.constant 8 : i32
        %eq3A_706 = arith.constant 0 : i32
        %eq3A_707 = arith.cmpi eq, %jit3A_705, %eq3A_706 : i32
        %jit3A_708 = arith.constant 1 : i32
        %select_n3A_709 = arith.select %eq3A_707, %jit3A_708, %jit3A_705 : i32
        %rem3A_710 = arith.remsi %select_n3A_662, %select_n3A_709 : i32
        %ne3A_711 = arith.constant 0 : i32
        %ne3A_712 = arith.cmpi ne, %rem3A_710, %ne3A_711 : i32
        %lt3A_713 = arith.constant 0 : i32
        %lt3A_714 = arith.cmpi slt, %rem3A_710, %lt3A_713 : i32
        %lt3A_715 = arith.constant 0 : i32
        %lt3A_716 = arith.cmpi slt, %select_n3A_709, %lt3A_715 : i32
        %ne3A_717 = arith.xori %lt3A_714, %lt3A_716 : i1
        %and3A_718 = arith.andi %ne3A_717, %ne3A_712 : i1
        %add3A_719 = arith.addi %rem3A_710, %select_n3A_709 : i32
        %select_n3A_720 = arith.select %and3A_718, %add3A_719, %rem3A_710 : i32
        %dma_start3A_721 = arith.constant 0 : i32
        %dma_start3A_722 = tpu.memref_slice %arg2[%select_n3A_702, %mul3A_704, %select_n3A_720, %dma_start3A_721] : memref<25x32x8x128xi32, #tpu.memory_space<hbm>> -> memref<1x2x1x128xi32, #tpu.memory_space<hbm>>
        %dma_start3A_723 = tpu.memref_squeeze %dma_start3A_722 : memref<1x2x1x128xi32, #tpu.memory_space<hbm>> -> memref<2x128xi32, #tpu.memory_space<hbm>>
        %dma_start3A_724 = arith.constant 0 : i32
        %dma_start3A_725 = tpu.memref_slice %arg2[%select_n3A_702, %mul3A_704, %select_n3A_720, %dma_start3A_724] : memref<25x32x8x128xi32, #tpu.memory_space<hbm>> -> memref<1x2x1x128xi32, #tpu.memory_space<hbm>>
        %dma_start3A_726 = tpu.memref_squeeze %dma_start3A_725 : memref<1x2x1x128xi32, #tpu.memory_space<hbm>> -> memref<2x128xi32, #tpu.memory_space<hbm>>
        tpu.enqueue_dma source(%dma_start3A_726 : memref<2x128xi32, #tpu.memory_space<hbm>>) target(%arg6 : memref<2x128xi32, #tpu.memory_space<vmem>>) target_semaphore(%arg17 : memref<!tpu.dma_semaphore, #tpu.memory_space<semaphore_mem>>)
      } else {
      }
      %add3A_450 = arith.constant 1 : i32
      %add3A_451 = arith.addi %add3A_399, %add3A_450 : i32
      %lt3A_452 = arith.constant 100 : i32
      %lt3A_453 = arith.cmpi slt, %add3A_451, %lt3A_452 : i32
      %convert_element_type3A_454 = arith.extui %lt3A_453 : i1 to i32
      %cond3A_455 = arith.constant 0 : i32
      %cond3A_456 = arith.cmpi ne, %convert_element_type3A_454, %cond3A_455 : i32
      scf.if %cond3A_456 {
        %add3A_637 = arith.constant 1 : i32
        %add3A_638 = arith.addi %add3A_400, %add3A_637 : i32
        %jit3A_639 = arith.constant 16 : i32
        %div3A_640 = arith.divsi %add3A_638, %jit3A_639 : i32
        %sign3A_641 = arith.constant 0 : i32
        %sign3A_642 = arith.cmpi sgt, %add3A_638, %sign3A_641 : i32
        %sign3A_643 = arith.extui %sign3A_642 : i1 to i32
        %sign3A_644 = arith.constant 0 : i32
        %sign3A_645 = arith.cmpi slt, %add3A_638, %sign3A_644 : i32
        %sign3A_646 = arith.extui %sign3A_645 : i1 to i32
        %sign3A_647 = arith.subi %sign3A_643, %sign3A_646 : i32
        %sign3A_648 = arith.constant 0 : i32
        %sign3A_649 = arith.cmpi sgt, %jit3A_639, %sign3A_648 : i32
        %sign3A_650 = arith.extui %sign3A_649 : i1 to i32
        %sign3A_651 = arith.constant 0 : i32
        %sign3A_652 = arith.cmpi slt, %jit3A_639, %sign3A_651 : i32
        %sign3A_653 = arith.extui %sign3A_652 : i1 to i32
        %sign3A_654 = arith.subi %sign3A_650, %sign3A_653 : i32
        %ne3A_655 = arith.cmpi ne, %sign3A_647, %sign3A_654 : i32
        %rem3A_656 = arith.remsi %add3A_638, %jit3A_639 : i32
        %ne3A_657 = arith.constant 0 : i32
        %ne3A_658 = arith.cmpi ne, %rem3A_656, %ne3A_657 : i32
        %and3A_659 = arith.andi %ne3A_655, %ne3A_658 : i1
        %sub3A_660 = arith.constant 1 : i32
        %sub3A_661 = arith.subi %div3A_640, %sub3A_660 : i32
        %select_n3A_662 = arith.select %and3A_659, %sub3A_661, %div3A_640 : i32
        %jit3A_663 = arith.constant 16 : i32
        %eq3A_664 = arith.constant 0 : i32
        %eq3A_665 = arith.cmpi eq, %jit3A_663, %eq3A_664 : i32
        %jit3A_666 = arith.constant 1 : i32
        %select_n3A_667 = arith.select %eq3A_665, %jit3A_666, %jit3A_663 : i32
        %rem3A_668 = arith.remsi %add3A_638, %select_n3A_667 : i32
        %ne3A_669 = arith.constant 0 : i32
        %ne3A_670 = arith.cmpi ne, %rem3A_668, %ne3A_669 : i32
        %lt3A_671 = arith.constant 0 : i32
        %lt3A_672 = arith.cmpi slt, %rem3A_668, %lt3A_671 : i32
        %lt3A_673 = arith.constant 0 : i32
        %lt3A_674 = arith.cmpi slt, %select_n3A_667, %lt3A_673 : i32
        %ne3A_675 = arith.xori %lt3A_672, %lt3A_674 : i1
        %and3A_676 = arith.andi %ne3A_675, %ne3A_670 : i1
        %add3A_677 = arith.addi %rem3A_668, %select_n3A_667 : i32
        %select_n3A_678 = arith.select %and3A_676, %add3A_677, %rem3A_668 : i32
        %jit3A_679 = arith.constant 8 : i32
        %div3A_680 = arith.divsi %select_n3A_662, %jit3A_679 : i32
        %sign3A_681 = arith.constant 0 : i32
        %sign3A_682 = arith.cmpi sgt, %select_n3A_662, %sign3A_681 : i32
        %sign3A_683 = arith.extui %sign3A_682 : i1 to i32
        %sign3A_684 = arith.constant 0 : i32
        %sign3A_685 = arith.cmpi slt, %select_n3A_662, %sign3A_684 : i32
        %sign3A_686 = arith.extui %sign3A_685 : i1 to i32
        %sign3A_687 = arith.subi %sign3A_683, %sign3A_686 : i32
        %sign3A_688 = arith.constant 0 : i32
        %sign3A_689 = arith.cmpi sgt, %jit3A_679, %sign3A_688 : i32
        %sign3A_690 = arith.extui %sign3A_689 : i1 to i32
        %sign3A_691 = arith.constant 0 : i32
        %sign3A_692 = arith.cmpi slt, %jit3A_679, %sign3A_691 : i32
        %sign3A_693 = arith.extui %sign3A_692 : i1 to i32
        %sign3A_694 = arith.subi %sign3A_690, %sign3A_693 : i32
        %ne3A_695 = arith.cmpi ne, %sign3A_687, %sign3A_694 : i32
        %rem3A_696 = arith.remsi %select_n3A_662, %jit3A_679 : i32
        %ne3A_697 = arith.constant 0 : i32
        %ne3A_698 = arith.cmpi ne, %rem3A_696, %ne3A_697 : i32
        %and3A_699 = arith.andi %ne3A_695, %ne3A_698 : i1
        %sub3A_700 = arith.constant 1 : i32
        %sub3A_701 = arith.subi %div3A_680, %sub3A_700 : i32
        %select_n3A_702 = arith.select %and3A_699, %sub3A_701, %div3A_680 : i32
        %mul3A_703 = arith.constant 2 : i32
        %mul3A_704 = arith.muli %select_n3A_678, %mul3A_703 : i32
        %jit3A_705 = arith.constant 8 : i32
        %eq3A_706 = arith.constant 0 : i32
        %eq3A_707 = arith.cmpi eq, %jit3A_705, %eq3A_706 : i32
        %jit3A_708 = arith.constant 1 : i32
        %select_n3A_709 = arith.select %eq3A_707, %jit3A_708, %jit3A_705 : i32
        %rem3A_710 = arith.remsi %select_n3A_662, %select_n3A_709 : i32
        %ne3A_711 = arith.constant 0 : i32
        %ne3A_712 = arith.cmpi ne, %rem3A_710, %ne3A_711 : i32
        %lt3A_713 = arith.constant 0 : i32
        %lt3A_714 = arith.cmpi slt, %rem3A_710, %lt3A_713 : i32
        %lt3A_715 = arith.constant 0 : i32
        %lt3A_716 = arith.cmpi slt, %select_n3A_709, %lt3A_715 : i32
        %ne3A_717 = arith.xori %lt3A_714, %lt3A_716 : i1
        %and3A_718 = arith.andi %ne3A_717, %ne3A_712 : i1
        %add3A_719 = arith.addi %rem3A_710, %select_n3A_709 : i32
        %select_n3A_720 = arith.select %and3A_718, %add3A_719, %rem3A_710 : i32
        %dma_wait3A_721 = arith.constant 0 : i32
        %dma_wait3A_722 = tpu.memref_slice %arg2[%select_n3A_702, %mul3A_704, %select_n3A_720, %dma_wait3A_721] : memref<25x32x8x128xi32, #tpu.memory_space<hbm>> -> memref<1x2x1x128xi32, #tpu.memory_space<hbm>>
        %dma_wait3A_723 = tpu.memref_squeeze %dma_wait3A_722 : memref<1x2x1x128xi32, #tpu.memory_space<hbm>> -> memref<2x128xi32, #tpu.memory_space<hbm>>
        %dma_wait3A_724 = arith.constant 0 : i32
        %dma_wait3A_725 = tpu.memref_slice %arg2[%select_n3A_702, %mul3A_704, %select_n3A_720, %dma_wait3A_724] : memref<25x32x8x128xi32, #tpu.memory_space<hbm>> -> memref<1x2x1x128xi32, #tpu.memory_space<hbm>>
        %dma_wait3A_726 = tpu.memref_squeeze %dma_wait3A_725 : memref<1x2x1x128xi32, #tpu.memory_space<hbm>> -> memref<2x128xi32, #tpu.memory_space<hbm>>
        tpu.wait_dma2 semaphore(%arg18 : memref<!tpu.dma_semaphore, #tpu.memory_space<semaphore_mem>>) src(%dma_wait3A_726 : memref<2x128xi32, #tpu.memory_space<hbm>>) dst(%arg7 : memref<2x128xi32, #tpu.memory_space<vmem>>)
        %dma_start3A_727 = arith.constant 0 : i32
        %dma_start3A_728 = arith.constant 0 : i32
        %dma_start3A_729 = arith.constant 0 : i32
        %dma_start3A_730 = tpu.memref_slice %arg9[%dma_start3A_728, %dma_start3A_729] : memref<256x64xf32, #tpu.memory_space<vmem>> -> memref<128x64xf32, #tpu.memory_space<vmem>>
        %dma_start3A_731 = arith.constant 0 : i32
        %dma_start3A_732 = tpu.memref_slice %arg7[%dma_start3A_727, %dma_start3A_731] : memref<2x128xi32, #tpu.memory_space<vmem>> -> memref<1x128xi32, #tpu.memory_space<vmem>>
        %dma_start3A_733 = tpu.memref_squeeze %dma_start3A_732 : memref<1x128xi32, #tpu.memory_space<vmem>> -> memref<128xi32, #tpu.memory_space<vmem>>
        %dma_start3A_734 = arith.constant 0 : i32
        %dma_start3A_735 = arith.constant 0 : i32
        %dma_start3A_736 = tpu.memref_slice %arg3[%dma_start3A_734, %dma_start3A_735] : memref<1000000x64xf32, #tpu.memory_space<hbm>> -> memref<1000000x64xf32, #tpu.memory_space<hbm>>
        tpu.enqueue_indirect_dma source(%dma_start3A_736 : memref<1000000x64xf32, #tpu.memory_space<hbm>>) target(%dma_start3A_730 : memref<128x64xf32, #tpu.memory_space<vmem>>) offsets(%dma_start3A_733 : memref<128xi32, #tpu.memory_space<vmem>>) semaphore(%arg14 : memref<!tpu.dma_semaphore, #tpu.memory_space<semaphore_mem>>)
        %dma_start3A_737 = arith.constant 1 : i32
        %dma_start3A_738 = arith.constant 128 : i32
        %dma_start3A_739 = arith.constant 0 : i32
        %dma_start3A_740 = tpu.memref_slice %arg9[%dma_start3A_738, %dma_start3A_739] : memref<256x64xf32, #tpu.memory_space<vmem>> -> memref<128x64xf32, #tpu.memory_space<vmem>>
        %dma_start3A_741 = arith.constant 0 : i32
        %dma_start3A_742 = tpu.memref_slice %arg7[%dma_start3A_737, %dma_start3A_741] : memref<2x128xi32, #tpu.memory_space<vmem>> -> memref<1x128xi32, #tpu.memory_space<vmem>>
        %dma_start3A_743 = tpu.memref_squeeze %dma_start3A_742 : memref<1x128xi32, #tpu.memory_space<vmem>> -> memref<128xi32, #tpu.memory_space<vmem>>
        %dma_start3A_744 = arith.constant 0 : i32
        %dma_start3A_745 = arith.constant 0 : i32
        %dma_start3A_746 = tpu.memref_slice %arg3[%dma_start3A_744, %dma_start3A_745] : memref<1000000x64xf32, #tpu.memory_space<hbm>> -> memref<1000000x64xf32, #tpu.memory_space<hbm>>
        tpu.enqueue_indirect_dma source(%dma_start3A_746 : memref<1000000x64xf32, #tpu.memory_space<hbm>>) target(%dma_start3A_740 : memref<128x64xf32, #tpu.memory_space<vmem>>) offsets(%dma_start3A_743 : memref<128xi32, #tpu.memory_space<vmem>>) semaphore(%arg14 : memref<!tpu.dma_semaphore, #tpu.memory_space<semaphore_mem>>)
      } else {
      }
      %ge3A = arith.constant 2 : i32
      %ge3A_457 = arith.cmpi sge, %add3A_399, %ge3A : i32
      %convert_element_type3A_458 = arith.extui %ge3A_457 : i1 to i32
      %cond3A_459 = arith.constant 0 : i32
      %cond3A_460 = arith.cmpi ne, %convert_element_type3A_458, %cond3A_459 : i32
      scf.if %cond3A_460 {
        %sub3A_637 = arith.constant 2 : i32
        %sub3A_638 = arith.subi %add3A_400, %sub3A_637 : i32
        %jit3A_639 = arith.constant 16 : i32
        %div3A_640 = arith.divsi %sub3A_638, %jit3A_639 : i32
        %sign3A_641 = arith.constant 0 : i32
        %sign3A_642 = arith.cmpi sgt, %sub3A_638, %sign3A_641 : i32
        %sign3A_643 = arith.extui %sign3A_642 : i1 to i32
        %sign3A_644 = arith.constant 0 : i32
        %sign3A_645 = arith.cmpi slt, %sub3A_638, %sign3A_644 : i32
        %sign3A_646 = arith.extui %sign3A_645 : i1 to i32
        %sign3A_647 = arith.subi %sign3A_643, %sign3A_646 : i32
        %sign3A_648 = arith.constant 0 : i32
        %sign3A_649 = arith.cmpi sgt, %jit3A_639, %sign3A_648 : i32
        %sign3A_650 = arith.extui %sign3A_649 : i1 to i32
        %sign3A_651 = arith.constant 0 : i32
        %sign3A_652 = arith.cmpi slt, %jit3A_639, %sign3A_651 : i32
        %sign3A_653 = arith.extui %sign3A_652 : i1 to i32
        %sign3A_654 = arith.subi %sign3A_650, %sign3A_653 : i32
        %ne3A_655 = arith.cmpi ne, %sign3A_647, %sign3A_654 : i32
        %rem3A_656 = arith.remsi %sub3A_638, %jit3A_639 : i32
        %ne3A_657 = arith.constant 0 : i32
        %ne3A_658 = arith.cmpi ne, %rem3A_656, %ne3A_657 : i32
        %and3A_659 = arith.andi %ne3A_655, %ne3A_658 : i1
        %sub3A_660 = arith.constant 1 : i32
        %sub3A_661 = arith.subi %div3A_640, %sub3A_660 : i32
        %select_n3A_662 = arith.select %and3A_659, %sub3A_661, %div3A_640 : i32
        %jit3A_663 = arith.constant 16 : i32
        %eq3A_664 = arith.constant 0 : i32
        %eq3A_665 = arith.cmpi eq, %jit3A_663, %eq3A_664 : i32
        %jit3A_666 = arith.constant 1 : i32
        %select_n3A_667 = arith.select %eq3A_665, %jit3A_666, %jit3A_663 : i32
        %rem3A_668 = arith.remsi %sub3A_638, %select_n3A_667 : i32
        %ne3A_669 = arith.constant 0 : i32
        %ne3A_670 = arith.cmpi ne, %rem3A_668, %ne3A_669 : i32
        %lt3A_671 = arith.constant 0 : i32
        %lt3A_672 = arith.cmpi slt, %rem3A_668, %lt3A_671 : i32
        %lt3A_673 = arith.constant 0 : i32
        %lt3A_674 = arith.cmpi slt, %select_n3A_667, %lt3A_673 : i32
        %ne3A_675 = arith.xori %lt3A_672, %lt3A_674 : i1
        %and3A_676 = arith.andi %ne3A_675, %ne3A_670 : i1
        %add3A_677 = arith.addi %rem3A_668, %select_n3A_667 : i32
        %select_n3A_678 = arith.select %and3A_676, %add3A_677, %rem3A_668 : i32
        %mul3A_679 = arith.constant 2 : i32
        %mul3A_680 = arith.muli %select_n3A_678, %mul3A_679 : i32
        %dma_wait3A_681 = arith.constant 0 : i32
        %dma_wait3A_682 = arith.constant 0 : i32
        %dma_wait3A_683 = arith.constant 0 : i32
        %dma_wait3A_684 = tpu.memref_slice %arg5[%select_n3A_662, %dma_wait3A_681, %mul3A_680, %dma_wait3A_682, %dma_wait3A_683] : memref<200x8x32x8x128xf32, #tpu.memory_space<hbm>> -> memref<1x8x2x8x128xf32, #tpu.memory_space<hbm>>
        %dma_wait3A_685 = tpu.memref_squeeze %dma_wait3A_684 : memref<1x8x2x8x128xf32, #tpu.memory_space<hbm>> -> memref<8x2x8x128xf32, #tpu.memory_space<hbm>>
        %dma_wait3A_686 = arith.constant 0 : i32
        %dma_wait3A_687 = arith.constant 0 : i32
        %dma_wait3A_688 = arith.constant 0 : i32
        %dma_wait3A_689 = tpu.memref_slice %arg5[%select_n3A_662, %dma_wait3A_686, %mul3A_680, %dma_wait3A_687, %dma_wait3A_688] : memref<200x8x32x8x128xf32, #tpu.memory_space<hbm>> -> memref<1x8x2x8x128xf32, #tpu.memory_space<hbm>>
        %dma_wait3A_690 = tpu.memref_squeeze %dma_wait3A_689 : memref<1x8x2x8x128xf32, #tpu.memory_space<hbm>> -> memref<8x2x8x128xf32, #tpu.memory_space<hbm>>
        tpu.wait_dma2 semaphore(%arg15 : memref<!tpu.dma_semaphore, #tpu.memory_space<semaphore_mem>>) src(%arg10 : memref<8x2x8x128xf32, #tpu.memory_space<vmem>>) dst(%dma_wait3A_690 : memref<8x2x8x128xf32, #tpu.memory_space<hbm>>)
      } else {
      }
      %broadcast_in_dim3A = vector.broadcast %select_n3A_424 : i32 to vector<16xi32>
      %parallel_loop3A = arith.constant 0 : i32
      %parallel_loop3A_461 = arith.constant 64 : i32
      %parallel_loop3A_462 = arith.constant 1 : i32
      scf.for %parallel_loop3A_637 = %parallel_loop3A to %parallel_loop3A_461 step %parallel_loop3A_462  : i32 {
        %parallel_loop3A_638 = vector.broadcast %parallel_loop3A_637 : i32 to vector<16xi32>
        %parallel_loop3A_639 = tpu.vector_load_idx %arg12[%broadcast_in_dim3A, %parallel_loop3A_638] : memref<200x64xf32, #tpu.memory_space<vmem>>[vector<16xi32>, vector<16xi32>], vector<16xf32>,
        %parallel_loop3A_640 = arith.constant 8 : i32
        %parallel_loop3A_641 = arith.divsi %parallel_loop3A_637, %parallel_loop3A_640 : i32
        %parallel_loop3A_642 = arith.constant 0 : i32
        %parallel_loop3A_643 = arith.cmpi sgt, %parallel_loop3A_637, %parallel_loop3A_642 : i32
        %parallel_loop3A_644 = arith.extui %parallel_loop3A_643 : i1 to i32
        %parallel_loop3A_645 = arith.constant 0 : i32
        %parallel_loop3A_646 = arith.cmpi slt, %parallel_loop3A_637, %parallel_loop3A_645 : i32
        %parallel_loop3A_647 = arith.extui %parallel_loop3A_646 : i1 to i32
        %parallel_loop3A_648 = arith.subi %parallel_loop3A_644, %parallel_loop3A_647 : i32
        %parallel_loop3A_649 = arith.constant 0 : i32
        %parallel_loop3A_650 = arith.cmpi sgt, %parallel_loop3A_640, %parallel_loop3A_649 : i32
        %parallel_loop3A_651 = arith.extui %parallel_loop3A_650 : i1 to i32
        %parallel_loop3A_652 = arith.constant 0 : i32
        %parallel_loop3A_653 = arith.cmpi slt, %parallel_loop3A_640, %parallel_loop3A_652 : i32
        %parallel_loop3A_654 = arith.extui %parallel_loop3A_653 : i1 to i32
        %parallel_loop3A_655 = arith.subi %parallel_loop3A_651, %parallel_loop3A_654 : i32
        %parallel_loop3A_656 = arith.cmpi ne, %parallel_loop3A_648, %parallel_loop3A_655 : i32
        %parallel_loop3A_657 = arith.remsi %parallel_loop3A_637, %parallel_loop3A_640 : i32
        %parallel_loop3A_658 = arith.constant 0 : i32
        %parallel_loop3A_659 = arith.cmpi ne, %parallel_loop3A_657, %parallel_loop3A_658 : i32
        %parallel_loop3A_660 = arith.andi %parallel_loop3A_656, %parallel_loop3A_659 : i1
        %parallel_loop3A_661 = arith.constant 1 : i32
        %parallel_loop3A_662 = arith.subi %parallel_loop3A_641, %parallel_loop3A_661 : i32
        %parallel_loop3A_663 = arith.select %parallel_loop3A_660, %parallel_loop3A_662, %parallel_loop3A_641 : i32
        %parallel_loop3A_664 = arith.constant 8 : i32
        %parallel_loop3A_665 = arith.constant 0 : i32
        %parallel_loop3A_666 = arith.cmpi eq, %parallel_loop3A_664, %parallel_loop3A_665 : i32
        %parallel_loop3A_667 = arith.constant 1 : i32
        %parallel_loop3A_668 = arith.select %parallel_loop3A_666, %parallel_loop3A_667, %parallel_loop3A_664 : i32
        %parallel_loop3A_669 = arith.remsi %parallel_loop3A_637, %parallel_loop3A_668 : i32
        %parallel_loop3A_670 = arith.constant 0 : i32
        %parallel_loop3A_671 = arith.cmpi ne, %parallel_loop3A_669, %parallel_loop3A_670 : i32
        %parallel_loop3A_672 = arith.constant 0 : i32
        %parallel_loop3A_673 = arith.cmpi slt, %parallel_loop3A_669, %parallel_loop3A_672 : i32
        %parallel_loop3A_674 = arith.constant 0 : i32
        %parallel_loop3A_675 = arith.cmpi slt, %parallel_loop3A_668, %parallel_loop3A_674 : i32
        %parallel_loop3A_676 = arith.xori %parallel_loop3A_673, %parallel_loop3A_675 : i1
        %parallel_loop3A_677 = arith.andi %parallel_loop3A_676, %parallel_loop3A_671 : i1
        %parallel_loop3A_678 = arith.addi %parallel_loop3A_669, %parallel_loop3A_668 : i32
        %parallel_loop3A_679 = arith.select %parallel_loop3A_677, %parallel_loop3A_678, %parallel_loop3A_669 : i32
        %parallel_loop3A_680 = arith.constant 0 : i32
        %parallel_loop3A_681 = vector.broadcast %parallel_loop3A_680 : i32 to vector<16xi32>
        %parallel_loop3A_682 = arith.addi %iota3A, %parallel_loop3A_681 : vector<16xi32>
        %parallel_loop3A_683 = tpu.vector_load_idx %arg8[%parallel_loop3A_682, %parallel_loop3A_638] : memref<256x64xf32, #tpu.memory_space<vmem>>[vector<16xi32>, vector<16xi32>], vector<16xf32>,
        %parallel_loop3A_684 = arith.constant 8.000000e+00 : f32
        %parallel_loop3A_685 = vector.broadcast %parallel_loop3A_684 : f32 to vector<16xf32>
        %parallel_loop3A_686 = arith.mulf %parallel_loop3A_683, %parallel_loop3A_685 : vector<16xf32>
        %parallel_loop3A_687 = arith.addf %parallel_loop3A_686, %parallel_loop3A_639 : vector<16xf32>
        %parallel_loop3A_688 = arith.constant 0 : i32
        %parallel_loop3A_689 = arith.index_cast %parallel_loop3A_663 : i32 to index
        %parallel_loop3A_690 = arith.index_cast %parallel_loop3A_688 : i32 to index
        %parallel_loop3A_691 = arith.index_cast %parallel_loop3A_679 : i32 to index
        %parallel_loop3A_692 = arith.constant 0 : index
        %parallel_loop3A_693 = tpu.vector_load %arg10[%parallel_loop3A_689, %parallel_loop3A_690, %parallel_loop3A_691, %parallel_loop3A_692] {strides = array<i32>} : memref<8x2x8x128xf32, #tpu.memory_space<vmem>>, vector<16xf32>,
        tpu.vector_store %arg10[%parallel_loop3A_689, %parallel_loop3A_690, %parallel_loop3A_691, %parallel_loop3A_692], %parallel_loop3A_687 {strides = array<i32>} : memref<8x2x8x128xf32, #tpu.memory_space<vmem>>, vector<16xf32>,
        %parallel_loop3A_694 = arith.constant 16 : i32
        %parallel_loop3A_695 = vector.broadcast %parallel_loop3A_694 : i32 to vector<16xi32>
        %parallel_loop3A_696 = arith.addi %iota3A, %parallel_loop3A_695 : vector<16xi32>
        %parallel_loop3A_697 = tpu.vector_load_idx %arg8[%parallel_loop3A_696, %parallel_loop3A_638] : memref<256x64xf32, #tpu.memory_space<vmem>>[vector<16xi32>, vector<16xi32>], vector<16xf32>,
        %parallel_loop3A_698 = arith.constant 8.000000e+00 : f32
        %parallel_loop3A_699 = vector.broadcast %parallel_loop3A_698 : f32 to vector<16xf32>
        %parallel_loop3A_700 = arith.mulf %parallel_loop3A_697, %parallel_loop3A_699 : vector<16xf32>
        %parallel_loop3A_701 = arith.addf %parallel_loop3A_700, %parallel_loop3A_639 : vector<16xf32>
        %parallel_loop3A_702 = arith.constant 0 : i32
        %parallel_loop3A_703 = arith.index_cast %parallel_loop3A_663 : i32 to index
        %parallel_loop3A_704 = arith.index_cast %parallel_loop3A_702 : i32 to index
        %parallel_loop3A_705 = arith.index_cast %parallel_loop3A_679 : i32 to index
        %parallel_loop3A_706 = arith.constant 16 : index
        %parallel_loop3A_707 = tpu.vector_load %arg10[%parallel_loop3A_703, %parallel_loop3A_704, %parallel_loop3A_705, %parallel_loop3A_706] {strides = array<i32>} : memref<8x2x8x128xf32, #tpu.memory_space<vmem>>, vector<16xf32>,
        tpu.vector_store %arg10[%parallel_loop3A_703, %parallel_loop3A_704, %parallel_loop3A_705, %parallel_loop3A_706], %parallel_loop3A_701 {strides = array<i32>} : memref<8x2x8x128xf32, #tpu.memory_space<vmem>>, vector<16xf32>,
        %parallel_loop3A_708 = arith.constant 32 : i32
        %parallel_loop3A_709 = vector.broadcast %parallel_loop3A_708 : i32 to vector<16xi32>
        %parallel_loop3A_710 = arith.addi %iota3A, %parallel_loop3A_709 : vector<16xi32>
        %parallel_loop3A_711 = tpu.vector_load_idx %arg8[%parallel_loop3A_710, %parallel_loop3A_638] : memref<256x64xf32, #tpu.memory_space<vmem>>[vector<16xi32>, vector<16xi32>], vector<16xf32>,
        %parallel_loop3A_712 = arith.constant 8.000000e+00 : f32
        %parallel_loop3A_713 = vector.broadcast %parallel_loop3A_712 : f32 to vector<16xf32>
        %parallel_loop3A_714 = arith.mulf %parallel_loop3A_711, %parallel_loop3A_713 : vector<16xf32>
        %parallel_loop3A_715 = arith.addf %parallel_loop3A_714, %parallel_loop3A_639 : vector<16xf32>
        %parallel_loop3A_716 = arith.constant 0 : i32
        %parallel_loop3A_717 = arith.index_cast %parallel_loop3A_663 : i32 to index
        %parallel_loop3A_718 = arith.index_cast %parallel_loop3A_716 : i32 to index
        %parallel_loop3A_719 = arith.index_cast %parallel_loop3A_679 : i32 to index
        %parallel_loop3A_720 = arith.constant 32 : index
        %parallel_loop3A_721 = tpu.vector_load %arg10[%parallel_loop3A_717, %parallel_loop3A_718, %parallel_loop3A_719, %parallel_loop3A_720] {strides = array<i32>} : memref<8x2x8x128xf32, #tpu.memory_space<vmem>>, vector<16xf32>,
        tpu.vector_store %arg10[%parallel_loop3A_717, %parallel_loop3A_718, %parallel_loop3A_719, %parallel_loop3A_720], %parallel_loop3A_715 {strides = array<i32>} : memref<8x2x8x128xf32, #tpu.memory_space<vmem>>, vector<16xf32>,
        %parallel_loop3A_722 = arith.constant 48 : i32
        %parallel_loop3A_723 = vector.broadcast %parallel_loop3A_722 : i32 to vector<16xi32>
        %parallel_loop3A_724 = arith.addi %iota3A, %parallel_loop3A_723 : vector<16xi32>
        %parallel_loop3A_725 = tpu.vector_load_idx %arg8[%parallel_loop3A_724, %parallel_loop3A_638] : memref<256x64xf32, #tpu.memory_space<vmem>>[vector<16xi32>, vector<16xi32>], vector<16xf32>,
        %parallel_loop3A_726 = arith.constant 8.000000e+00 : f32
        %parallel_loop3A_727 = vector.broadcast %parallel_loop3A_726 : f32 to vector<16xf32>
        %parallel_loop3A_728 = arith.mulf %parallel_loop3A_725, %parallel_loop3A_727 : vector<16xf32>
        %parallel_loop3A_729 = arith.addf %parallel_loop3A_728, %parallel_loop3A_639 : vector<16xf32>
        %parallel_loop3A_730 = arith.constant 0 : i32
        %parallel_loop3A_731 = arith.index_cast %parallel_loop3A_663 : i32 to index
        %parallel_loop3A_732 = arith.index_cast %parallel_loop3A_730 : i32 to index
        %parallel_loop3A_733 = arith.index_cast %parallel_loop3A_679 : i32 to index
        %parallel_loop3A_734 = arith.constant 48 : index
        %parallel_loop3A_735 = tpu.vector_load %arg10[%parallel_loop3A_731, %parallel_loop3A_732, %parallel_loop3A_733, %parallel_loop3A_734] {strides = array<i32>} : memref<8x2x8x128xf32, #tpu.memory_space<vmem>>, vector<16xf32>,
        tpu.vector_store %arg10[%parallel_loop3A_731, %parallel_loop3A_732, %parallel_loop3A_733, %parallel_loop3A_734], %parallel_loop3A_729 {strides = array<i32>} : memref<8x2x8x128xf32, #tpu.memory_space<vmem>>, vector<16xf32>,
        %parallel_loop3A_736 = arith.constant 64 : i32
        %parallel_loop3A_737 = vector.broadcast %parallel_loop3A_736 : i32 to vector<16xi32>
        %parallel_loop3A_738 = arith.addi %iota3A, %parallel_loop3A_737 : vector<16xi32>
        %parallel_loop3A_739 = tpu.vector_load_idx %arg8[%parallel_loop3A_738, %parallel_loop3A_638] : memref<256x64xf32, #tpu.memory_space<vmem>>[vector<16xi32>, vector<16xi32>], vector<16xf32>,
        %parallel_loop3A_740 = arith.constant 8.000000e+00 : f32
        %parallel_loop3A_741 = vector.broadcast %parallel_loop3A_740 : f32 to vector<16xf32>
        %parallel_loop3A_742 = arith.mulf %parallel_loop3A_739, %parallel_loop3A_741 : vector<16xf32>
        %parallel_loop3A_743 = arith.addf %parallel_loop3A_742, %parallel_loop3A_639 : vector<16xf32>
        %parallel_loop3A_744 = arith.constant 0 : i32
        %parallel_loop3A_745 = arith.index_cast %parallel_loop3A_663 : i32 to index
        %parallel_loop3A_746 = arith.index_cast %parallel_loop3A_744 : i32 to index
        %parallel_loop3A_747 = arith.index_cast %parallel_loop3A_679 : i32 to index
        %parallel_loop3A_748 = arith.constant 64 : index
        %parallel_loop3A_749 = tpu.vector_load %arg10[%parallel_loop3A_745, %parallel_loop3A_746, %parallel_loop3A_747, %parallel_loop3A_748] {strides = array<i32>} : memref<8x2x8x128xf32, #tpu.memory_space<vmem>>, vector<16xf32>,
        tpu.vector_store %arg10[%parallel_loop3A_745, %parallel_loop3A_746, %parallel_loop3A_747, %parallel_loop3A_748], %parallel_loop3A_743 {strides = array<i32>} : memref<8x2x8x128xf32, #tpu.memory_space<vmem>>, vector<16xf32>,
        %parallel_loop3A_750 = arith.constant 80 : i32
        %parallel_loop3A_751 = vector.broadcast %parallel_loop3A_750 : i32 to vector<16xi32>
        %parallel_loop3A_752 = arith.addi %iota3A, %parallel_loop3A_751 : vector<16xi32>
        %parallel_loop3A_753 = tpu.vector_load_idx %arg8[%parallel_loop3A_752, %parallel_loop3A_638] : memref<256x64xf32, #tpu.memory_space<vmem>>[vector<16xi32>, vector<16xi32>], vector<16xf32>,
        %parallel_loop3A_754 = arith.constant 8.000000e+00 : f32
        %parallel_loop3A_755 = vector.broadcast %parallel_loop3A_754 : f32 to vector<16xf32>
        %parallel_loop3A_756 = arith.mulf %parallel_loop3A_753, %parallel_loop3A_755 : vector<16xf32>
        %parallel_loop3A_757 = arith.addf %parallel_loop3A_756, %parallel_loop3A_639 : vector<16xf32>
        %parallel_loop3A_758 = arith.constant 0 : i32
        %parallel_loop3A_759 = arith.index_cast %parallel_loop3A_663 : i32 to index
        %parallel_loop3A_760 = arith.index_cast %parallel_loop3A_758 : i32 to index
        %parallel_loop3A_761 = arith.index_cast %parallel_loop3A_679 : i32 to index
        %parallel_loop3A_762 = arith.constant 80 : index
        %parallel_loop3A_763 = tpu.vector_load %arg10[%parallel_loop3A_759, %parallel_loop3A_760, %parallel_loop3A_761, %parallel_loop3A_762] {strides = array<i32>} : memref<8x2x8x128xf32, #tpu.memory_space<vmem>>, vector<16xf32>,
        tpu.vector_store %arg10[%parallel_loop3A_759, %parallel_loop3A_760, %parallel_loop3A_761, %parallel_loop3A_762], %parallel_loop3A_757 {strides = array<i32>} : memref<8x2x8x128xf32, #tpu.memory_space<vmem>>, vector<16xf32>,
        %parallel_loop3A_764 = arith.constant 96 : i32
        %parallel_loop3A_765 = vector.broadcast %parallel_loop3A_764 : i32 to vector<16xi32>
        %parallel_loop3A_766 = arith.addi %iota3A, %parallel_loop3A_765 : vector<16xi32>
        %parallel_loop3A_767 = tpu.vector_load_idx %arg8[%parallel_loop3A_766, %parallel_loop3A_638] : memref<256x64xf32, #tpu.memory_space<vmem>>[vector<16xi32>, vector<16xi32>], vector<16xf32>,
        %parallel_loop3A_768 = arith.constant 8.000000e+00 : f32
        %parallel_loop3A_769 = vector.broadcast %parallel_loop3A_768 : f32 to vector<16xf32>
        %parallel_loop3A_770 = arith.mulf %parallel_loop3A_767, %parallel_loop3A_769 : vector<16xf32>
        %parallel_loop3A_771 = arith.addf %parallel_loop3A_770, %parallel_loop3A_639 : vector<16xf32>
        %parallel_loop3A_772 = arith.constant 0 : i32
        %parallel_loop3A_773 = arith.index_cast %parallel_loop3A_663 : i32 to index
        %parallel_loop3A_774 = arith.index_cast %parallel_loop3A_772 : i32 to index
        %parallel_loop3A_775 = arith.index_cast %parallel_loop3A_679 : i32 to index
        %parallel_loop3A_776 = arith.constant 96 : index
        %parallel_loop3A_777 = tpu.vector_load %arg10[%parallel_loop3A_773, %parallel_loop3A_774, %parallel_loop3A_775, %parallel_loop3A_776] {strides = array<i32>} : memref<8x2x8x128xf32, #tpu.memory_space<vmem>>, vector<16xf32>,
        tpu.vector_store %arg10[%parallel_loop3A_773, %parallel_loop3A_774, %parallel_loop3A_775, %parallel_loop3A_776], %parallel_loop3A_771 {strides = array<i32>} : memref<8x2x8x128xf32, #tpu.memory_space<vmem>>, vector<16xf32>,
        %parallel_loop3A_778 = arith.constant 112 : i32
        %parallel_loop3A_779 = vector.broadcast %parallel_loop3A_778 : i32 to vector<16xi32>
        %parallel_loop3A_780 = arith.addi %iota3A, %parallel_loop3A_779 : vector<16xi32>
        %parallel_loop3A_781 = tpu.vector_load_idx %arg8[%parallel_loop3A_780, %parallel_loop3A_638] : memref<256x64xf32, #tpu.memory_space<vmem>>[vector<16xi32>, vector<16xi32>], vector<16xf32>,
        %parallel_loop3A_782 = arith.constant 8.000000e+00 : f32
        %parallel_loop3A_783 = vector.broadcast %parallel_loop3A_782 : f32 to vector<16xf32>
        %parallel_loop3A_784 = arith.mulf %parallel_loop3A_781, %parallel_loop3A_783 : vector<16xf32>
        %parallel_loop3A_785 = arith.addf %parallel_loop3A_784, %parallel_loop3A_639 : vector<16xf32>
        %parallel_loop3A_786 = arith.constant 0 : i32
        %parallel_loop3A_787 = arith.index_cast %parallel_loop3A_663 : i32 to index
        %parallel_loop3A_788 = arith.index_cast %parallel_loop3A_786 : i32 to index
        %parallel_loop3A_789 = arith.index_cast %parallel_loop3A_679 : i32 to index
        %parallel_loop3A_790 = arith.constant 112 : index
        %parallel_loop3A_791 = tpu.vector_load %arg10[%parallel_loop3A_787, %parallel_loop3A_788, %parallel_loop3A_789, %parallel_loop3A_790] {strides = array<i32>} : memref<8x2x8x128xf32, #tpu.memory_space<vmem>>, vector<16xf32>,
        tpu.vector_store %arg10[%parallel_loop3A_787, %parallel_loop3A_788, %parallel_loop3A_789, %parallel_loop3A_790], %parallel_loop3A_785 {strides = array<i32>} : memref<8x2x8x128xf32, #tpu.memory_space<vmem>>, vector<16xf32>,
        %parallel_loop3A_792 = arith.constant 128 : i32
        %parallel_loop3A_793 = vector.broadcast %parallel_loop3A_792 : i32 to vector<16xi32>
        %parallel_loop3A_794 = arith.addi %iota3A, %parallel_loop3A_793 : vector<16xi32>
        %parallel_loop3A_795 = tpu.vector_load_idx %arg8[%parallel_loop3A_794, %parallel_loop3A_638] : memref<256x64xf32, #tpu.memory_space<vmem>>[vector<16xi32>, vector<16xi32>], vector<16xf32>,
        %parallel_loop3A_796 = arith.constant 8.000000e+00 : f32
        %parallel_loop3A_797 = vector.broadcast %parallel_loop3A_796 : f32 to vector<16xf32>
        %parallel_loop3A_798 = arith.mulf %parallel_loop3A_795, %parallel_loop3A_797 : vector<16xf32>
        %parallel_loop3A_799 = arith.addf %parallel_loop3A_798, %parallel_loop3A_639 : vector<16xf32>
        %parallel_loop3A_800 = arith.constant 1 : i32
        %parallel_loop3A_801 = arith.index_cast %parallel_loop3A_663 : i32 to index
        %parallel_loop3A_802 = arith.index_cast %parallel_loop3A_800 : i32 to index
        %parallel_loop3A_803 = arith.index_cast %parallel_loop3A_679 : i32 to index
        %parallel_loop3A_804 = arith.constant 0 : index
        %parallel_loop3A_805 = tpu.vector_load %arg10[%parallel_loop3A_801, %parallel_loop3A_802, %parallel_loop3A_803, %parallel_loop3A_804] {strides = array<i32>} : memref<8x2x8x128xf32, #tpu.memory_space<vmem>>, vector<16xf32>,
        tpu.vector_store %arg10[%parallel_loop3A_801, %parallel_loop3A_802, %parallel_loop3A_803, %parallel_loop3A_804], %parallel_loop3A_799 {strides = array<i32>} : memref<8x2x8x128xf32, #tpu.memory_space<vmem>>, vector<16xf32>,
        %parallel_loop3A_806 = arith.constant 144 : i32
        %parallel_loop3A_807 = vector.broadcast %parallel_loop3A_806 : i32 to vector<16xi32>
        %parallel_loop3A_808 = arith.addi %iota3A, %parallel_loop3A_807 : vector<16xi32>
        %parallel_loop3A_809 = tpu.vector_load_idx %arg8[%parallel_loop3A_808, %parallel_loop3A_638] : memref<256x64xf32, #tpu.memory_space<vmem>>[vector<16xi32>, vector<16xi32>], vector<16xf32>,
        %parallel_loop3A_810 = arith.constant 8.000000e+00 : f32
        %parallel_loop3A_811 = vector.broadcast %parallel_loop3A_810 : f32 to vector<16xf32>
        %parallel_loop3A_812 = arith.mulf %parallel_loop3A_809, %parallel_loop3A_811 : vector<16xf32>
        %parallel_loop3A_813 = arith.addf %parallel_loop3A_812, %parallel_loop3A_639 : vector<16xf32>
        %parallel_loop3A_814 = arith.constant 1 : i32
        %parallel_loop3A_815 = arith.index_cast %parallel_loop3A_663 : i32 to index
        %parallel_loop3A_816 = arith.index_cast %parallel_loop3A_814 : i32 to index
        %parallel_loop3A_817 = arith.index_cast %parallel_loop3A_679 : i32 to index
        %parallel_loop3A_818 = arith.constant 16 : index
        %parallel_loop3A_819 = tpu.vector_load %arg10[%parallel_loop3A_815, %parallel_loop3A_816, %parallel_loop3A_817, %parallel_loop3A_818] {strides = array<i32>} : memref<8x2x8x128xf32, #tpu.memory_space<vmem>>, vector<16xf32>,
        tpu.vector_store %arg10[%parallel_loop3A_815, %parallel_loop3A_816, %parallel_loop3A_817, %parallel_loop3A_818], %parallel_loop3A_813 {strides = array<i32>} : memref<8x2x8x128xf32, #tpu.memory_space<vmem>>, vector<16xf32>,
        %parallel_loop3A_820 = arith.constant 160 : i32
        %parallel_loop3A_821 = vector.broadcast %parallel_loop3A_820 : i32 to vector<16xi32>
        %parallel_loop3A_822 = arith.addi %iota3A, %parallel_loop3A_821 : vector<16xi32>
        %parallel_loop3A_823 = tpu.vector_load_idx %arg8[%parallel_loop3A_822, %parallel_loop3A_638] : memref<256x64xf32, #tpu.memory_space<vmem>>[vector<16xi32>, vector<16xi32>], vector<16xf32>,
        %parallel_loop3A_824 = arith.constant 8.000000e+00 : f32
        %parallel_loop3A_825 = vector.broadcast %parallel_loop3A_824 : f32 to vector<16xf32>
        %parallel_loop3A_826 = arith.mulf %parallel_loop3A_823, %parallel_loop3A_825 : vector<16xf32>
        %parallel_loop3A_827 = arith.addf %parallel_loop3A_826, %parallel_loop3A_639 : vector<16xf32>
        %parallel_loop3A_828 = arith.constant 1 : i32
        %parallel_loop3A_829 = arith.index_cast %parallel_loop3A_663 : i32 to index
        %parallel_loop3A_830 = arith.index_cast %parallel_loop3A_828 : i32 to index
        %parallel_loop3A_831 = arith.index_cast %parallel_loop3A_679 : i32 to index
        %parallel_loop3A_832 = arith.constant 32 : index
        %parallel_loop3A_833 = tpu.vector_load %arg10[%parallel_loop3A_829, %parallel_loop3A_830, %parallel_loop3A_831, %parallel_loop3A_832] {strides = array<i32>} : memref<8x2x8x128xf32, #tpu.memory_space<vmem>>, vector<16xf32>,
        tpu.vector_store %arg10[%parallel_loop3A_829, %parallel_loop3A_830, %parallel_loop3A_831, %parallel_loop3A_832], %parallel_loop3A_827 {strides = array<i32>} : memref<8x2x8x128xf32, #tpu.memory_space<vmem>>, vector<16xf32>,
        %parallel_loop3A_834 = arith.constant 176 : i32
        %parallel_loop3A_835 = vector.broadcast %parallel_loop3A_834 : i32 to vector<16xi32>
        %parallel_loop3A_836 = arith.addi %iota3A, %parallel_loop3A_835 : vector<16xi32>
        %parallel_loop3A_837 = tpu.vector_load_idx %arg8[%parallel_loop3A_836, %parallel_loop3A_638] : memref<256x64xf32, #tpu.memory_space<vmem>>[vector<16xi32>, vector<16xi32>], vector<16xf32>,
        %parallel_loop3A_838 = arith.constant 8.000000e+00 : f32
        %parallel_loop3A_839 = vector.broadcast %parallel_loop3A_838 : f32 to vector<16xf32>
        %parallel_loop3A_840 = arith.mulf %parallel_loop3A_837, %parallel_loop3A_839 : vector<16xf32>
        %parallel_loop3A_841 = arith.addf %parallel_loop3A_840, %parallel_loop3A_639 : vector<16xf32>
        %parallel_loop3A_842 = arith.constant 1 : i32
        %parallel_loop3A_843 = arith.index_cast %parallel_loop3A_663 : i32 to index
        %parallel_loop3A_844 = arith.index_cast %parallel_loop3A_842 : i32 to index
        %parallel_loop3A_845 = arith.index_cast %parallel_loop3A_679 : i32 to index
        %parallel_loop3A_846 = arith.constant 48 : index
        %parallel_loop3A_847 = tpu.vector_load %arg10[%parallel_loop3A_843, %parallel_loop3A_844, %parallel_loop3A_845, %parallel_loop3A_846] {strides = array<i32>} : memref<8x2x8x128xf32, #tpu.memory_space<vmem>>, vector<16xf32>,
        tpu.vector_store %arg10[%parallel_loop3A_843, %parallel_loop3A_844, %parallel_loop3A_845, %parallel_loop3A_846], %parallel_loop3A_841 {strides = array<i32>} : memref<8x2x8x128xf32, #tpu.memory_space<vmem>>, vector<16xf32>,
        %parallel_loop3A_848 = arith.constant 192 : i32
        %parallel_loop3A_849 = vector.broadcast %parallel_loop3A_848 : i32 to vector<16xi32>
        %parallel_loop3A_850 = arith.addi %iota3A, %parallel_loop3A_849 : vector<16xi32>
        %parallel_loop3A_851 = tpu.vector_load_idx %arg8[%parallel_loop3A_850, %parallel_loop3A_638] : memref<256x64xf32, #tpu.memory_space<vmem>>[vector<16xi32>, vector<16xi32>], vector<16xf32>,
        %parallel_loop3A_852 = arith.constant 8.000000e+00 : f32
        %parallel_loop3A_853 = vector.broadcast %parallel_loop3A_852 : f32 to vector<16xf32>
        %parallel_loop3A_854 = arith.mulf %parallel_loop3A_851, %parallel_loop3A_853 : vector<16xf32>
        %parallel_loop3A_855 = arith.addf %parallel_loop3A_854, %parallel_loop3A_639 : vector<16xf32>
        %parallel_loop3A_856 = arith.constant 1 : i32
        %parallel_loop3A_857 = arith.index_cast %parallel_loop3A_663 : i32 to index
        %parallel_loop3A_858 = arith.index_cast %parallel_loop3A_856 : i32 to index
        %parallel_loop3A_859 = arith.index_cast %parallel_loop3A_679 : i32 to index
        %parallel_loop3A_860 = arith.constant 64 : index
        %parallel_loop3A_861 = tpu.vector_load %arg10[%parallel_loop3A_857, %parallel_loop3A_858, %parallel_loop3A_859, %parallel_loop3A_860] {strides = array<i32>} : memref<8x2x8x128xf32, #tpu.memory_space<vmem>>, vector<16xf32>,
        tpu.vector_store %arg10[%parallel_loop3A_857, %parallel_loop3A_858, %parallel_loop3A_859, %parallel_loop3A_860], %parallel_loop3A_855 {strides = array<i32>} : memref<8x2x8x128xf32, #tpu.memory_space<vmem>>, vector<16xf32>,
        %parallel_loop3A_862 = arith.constant 208 : i32
        %parallel_loop3A_863 = vector.broadcast %parallel_loop3A_862 : i32 to vector<16xi32>
        %parallel_loop3A_864 = arith.addi %iota3A, %parallel_loop3A_863 : vector<16xi32>
        %parallel_loop3A_865 = tpu.vector_load_idx %arg8[%parallel_loop3A_864, %parallel_loop3A_638] : memref<256x64xf32, #tpu.memory_space<vmem>>[vector<16xi32>, vector<16xi32>], vector<16xf32>,
        %parallel_loop3A_866 = arith.constant 8.000000e+00 : f32
        %parallel_loop3A_867 = vector.broadcast %parallel_loop3A_866 : f32 to vector<16xf32>
        %parallel_loop3A_868 = arith.mulf %parallel_loop3A_865, %parallel_loop3A_867 : vector<16xf32>
        %parallel_loop3A_869 = arith.addf %parallel_loop3A_868, %parallel_loop3A_639 : vector<16xf32>
        %parallel_loop3A_870 = arith.constant 1 : i32
        %parallel_loop3A_871 = arith.index_cast %parallel_loop3A_663 : i32 to index
        %parallel_loop3A_872 = arith.index_cast %parallel_loop3A_870 : i32 to index
        %parallel_loop3A_873 = arith.index_cast %parallel_loop3A_679 : i32 to index
        %parallel_loop3A_874 = arith.constant 80 : index
        %parallel_loop3A_875 = tpu.vector_load %arg10[%parallel_loop3A_871, %parallel_loop3A_872, %parallel_loop3A_873, %parallel_loop3A_874] {strides = array<i32>} : memref<8x2x8x128xf32, #tpu.memory_space<vmem>>, vector<16xf32>,
        tpu.vector_store %arg10[%parallel_loop3A_871, %parallel_loop3A_872, %parallel_loop3A_873, %parallel_loop3A_874], %parallel_loop3A_869 {strides = array<i32>} : memref<8x2x8x128xf32, #tpu.memory_space<vmem>>, vector<16xf32>,
        %parallel_loop3A_876 = arith.constant 224 : i32
        %parallel_loop3A_877 = vector.broadcast %parallel_loop3A_876 : i32 to vector<16xi32>
        %parallel_loop3A_878 = arith.addi %iota3A, %parallel_loop3A_877 : vector<16xi32>
        %parallel_loop3A_879 = tpu.vector_load_idx %arg8[%parallel_loop3A_878, %parallel_loop3A_638] : memref<256x64xf32, #tpu.memory_space<vmem>>[vector<16xi32>, vector<16xi32>], vector<16xf32>,
        %parallel_loop3A_880 = arith.constant 8.000000e+00 : f32
        %parallel_loop3A_881 = vector.broadcast %parallel_loop3A_880 : f32 to vector<16xf32>
        %parallel_loop3A_882 = arith.mulf %parallel_loop3A_879, %parallel_loop3A_881 : vector<16xf32>
        %parallel_loop3A_883 = arith.addf %parallel_loop3A_882, %parallel_loop3A_639 : vector<16xf32>
        %parallel_loop3A_884 = arith.constant 1 : i32
        %parallel_loop3A_885 = arith.index_cast %parallel_loop3A_663 : i32 to index
        %parallel_loop3A_886 = arith.index_cast %parallel_loop3A_884 : i32 to index
        %parallel_loop3A_887 = arith.index_cast %parallel_loop3A_679 : i32 to index
        %parallel_loop3A_888 = arith.constant 96 : index
        %parallel_loop3A_889 = tpu.vector_load %arg10[%parallel_loop3A_885, %parallel_loop3A_886, %parallel_loop3A_887, %parallel_loop3A_888] {strides = array<i32>} : memref<8x2x8x128xf32, #tpu.memory_space<vmem>>, vector<16xf32>,
        tpu.vector_store %arg10[%parallel_loop3A_885, %parallel_loop3A_886, %parallel_loop3A_887, %parallel_loop3A_888], %parallel_loop3A_883 {strides = array<i32>} : memref<8x2x8x128xf32, #tpu.memory_space<vmem>>, vector<16xf32>,
        %parallel_loop3A_890 = arith.constant 240 : i32
        %parallel_loop3A_891 = vector.broadcast %parallel_loop3A_890 : i32 to vector<16xi32>
        %parallel_loop3A_892 = arith.addi %iota3A, %parallel_loop3A_891 : vector<16xi32>
        %parallel_loop3A_893 = tpu.vector_load_idx %arg8[%parallel_loop3A_892, %parallel_loop3A_638] : memref<256x64xf32, #tpu.memory_space<vmem>>[vector<16xi32>, vector<16xi32>], vector<16xf32>,
        %parallel_loop3A_894 = arith.constant 8.000000e+00 : f32
        %parallel_loop3A_895 = vector.broadcast %parallel_loop3A_894 : f32 to vector<16xf32>
        %parallel_loop3A_896 = arith.mulf %parallel_loop3A_893, %parallel_loop3A_895 : vector<16xf32>
        %parallel_loop3A_897 = arith.addf %parallel_loop3A_896, %parallel_loop3A_639 : vector<16xf32>
        %parallel_loop3A_898 = arith.constant 1 : i32
        %parallel_loop3A_899 = arith.index_cast %parallel_loop3A_663 : i32 to index
        %parallel_loop3A_900 = arith.index_cast %parallel_loop3A_898 : i32 to index
        %parallel_loop3A_901 = arith.index_cast %parallel_loop3A_679 : i32 to index
        %parallel_loop3A_902 = arith.constant 112 : index
        %parallel_loop3A_903 = tpu.vector_load %arg10[%parallel_loop3A_899, %parallel_loop3A_900, %parallel_loop3A_901, %parallel_loop3A_902] {strides = array<i32>} : memref<8x2x8x128xf32, #tpu.memory_space<vmem>>, vector<16xf32>,
        tpu.vector_store %arg10[%parallel_loop3A_899, %parallel_loop3A_900, %parallel_loop3A_901, %parallel_loop3A_902], %parallel_loop3A_897 {strides = array<i32>} : memref<8x2x8x128xf32, #tpu.memory_space<vmem>>, vector<16xf32>,
      } {sc.loop_unroll_factor = 4 : i64, sc.parallel_access}
      %jit3A_463 = arith.constant 16 : i32
      %div3A_464 = arith.divsi %add3A_400, %jit3A_463 : i32
      %sign3A_465 = arith.constant 0 : i32
      %sign3A_466 = arith.cmpi sgt, %add3A_400, %sign3A_465 : i32
      %sign3A_467 = arith.extui %sign3A_466 : i1 to i32
      %sign3A_468 = arith.constant 0 : i32
      %sign3A_469 = arith.cmpi slt, %add3A_400, %sign3A_468 : i32
      %sign3A_470 = arith.extui %sign3A_469 : i1 to i32
      %sign3A_471 = arith.subi %sign3A_467, %sign3A_470 : i32
      %sign3A_472 = arith.constant 0 : i32
      %sign3A_473 = arith.cmpi sgt, %jit3A_463, %sign3A_472 : i32
      %sign3A_474 = arith.extui %sign3A_473 : i1 to i32
      %sign3A_475 = arith.constant 0 : i32
      %sign3A_476 = arith.cmpi slt, %jit3A_463, %sign3A_475 : i32
      %sign3A_477 = arith.extui %sign3A_476 : i1 to i32
      %sign3A_478 = arith.subi %sign3A_474, %sign3A_477 : i32
      %ne3A_479 = arith.cmpi ne, %sign3A_471, %sign3A_478 : i32
      %rem3A_480 = arith.remsi %add3A_400, %jit3A_463 : i32
      %ne3A_481 = arith.constant 0 : i32
      %ne3A_482 = arith.cmpi ne, %rem3A_480, %ne3A_481 : i32
      %and3A_483 = arith.andi %ne3A_479, %ne3A_482 : i1
      %sub3A_484 = arith.constant 1 : i32
      %sub3A_485 = arith.subi %div3A_464, %sub3A_484 : i32
      %select_n3A_486 = arith.select %and3A_483, %sub3A_485, %div3A_464 : i32
      %jit3A_487 = arith.constant 16 : i32
      %eq3A_488 = arith.constant 0 : i32
      %eq3A_489 = arith.cmpi eq, %jit3A_487, %eq3A_488 : i32
      %jit3A_490 = arith.constant 1 : i32
      %select_n3A_491 = arith.select %eq3A_489, %jit3A_490, %jit3A_487 : i32
      %rem3A_492 = arith.remsi %add3A_400, %select_n3A_491 : i32
      %ne3A_493 = arith.constant 0 : i32
      %ne3A_494 = arith.cmpi ne, %rem3A_492, %ne3A_493 : i32
      %lt3A_495 = arith.constant 0 : i32
      %lt3A_496 = arith.cmpi slt, %rem3A_492, %lt3A_495 : i32
      %lt3A_497 = arith.constant 0 : i32
      %lt3A_498 = arith.cmpi slt, %select_n3A_491, %lt3A_497 : i32
      %ne3A_499 = arith.xori %lt3A_496, %lt3A_498 : i1
      %and3A_500 = arith.andi %ne3A_499, %ne3A_494 : i1
      %add3A_501 = arith.addi %rem3A_492, %select_n3A_491 : i32
      %select_n3A_502 = arith.select %and3A_500, %add3A_501, %rem3A_492 : i32
      %mul3A_503 = arith.constant 2 : i32
      %mul3A_504 = arith.muli %select_n3A_502, %mul3A_503 : i32
      %dma_start3A_505 = arith.constant 0 : i32
      %dma_start3A_506 = arith.constant 0 : i32
      %dma_start3A_507 = arith.constant 0 : i32
      %dma_start3A_508 = tpu.memref_slice %arg5[%select_n3A_486, %dma_start3A_505, %mul3A_504, %dma_start3A_506, %dma_start3A_507] : memref<200x8x32x8x128xf32, #tpu.memory_space<hbm>> -> memref<1x8x2x8x128xf32, #tpu.memory_space<hbm>>
      %dma_start3A_509 = tpu.memref_squeeze %dma_start3A_508 : memref<1x8x2x8x128xf32, #tpu.memory_space<hbm>> -> memref<8x2x8x128xf32, #tpu.memory_space<hbm>>
      %dma_start3A_510 = arith.constant 0 : i32
      %dma_start3A_511 = arith.constant 0 : i32
      %dma_start3A_512 = arith.constant 0 : i32
      %dma_start3A_513 = tpu.memref_slice %arg5[%select_n3A_486, %dma_start3A_510, %mul3A_504, %dma_start3A_511, %dma_start3A_512] : memref<200x8x32x8x128xf32, #tpu.memory_space<hbm>> -> memref<1x8x2x8x128xf32, #tpu.memory_space<hbm>>
      %dma_start3A_514 = tpu.memref_squeeze %dma_start3A_513 : memref<1x8x2x8x128xf32, #tpu.memory_space<hbm>> -> memref<8x2x8x128xf32, #tpu.memory_space<hbm>>
      tpu.enqueue_dma source(%arg10 : memref<8x2x8x128xf32, #tpu.memory_space<vmem>>) target(%dma_start3A_514 : memref<8x2x8x128xf32, #tpu.memory_space<hbm>>) target_semaphore(%arg15 : memref<!tpu.dma_semaphore, #tpu.memory_space<semaphore_mem>>)
      %add3A_515 = arith.constant 1 : i32
      %add3A_516 = arith.addi %add3A_397, %add3A_515 : i32
      %add3A_517 = arith.addi %mul3A_2, %add3A_516 : i32
      %jit3A_518 = arith.constant 16 : i32
      %div3A_519 = arith.divsi %add3A_517, %jit3A_518 : i32
      %sign3A_520 = arith.constant 0 : i32
      %sign3A_521 = arith.cmpi sgt, %add3A_517, %sign3A_520 : i32
      %sign3A_522 = arith.extui %sign3A_521 : i1 to i32
      %sign3A_523 = arith.constant 0 : i32
      %sign3A_524 = arith.cmpi slt, %add3A_517, %sign3A_523 : i32
      %sign3A_525 = arith.extui %sign3A_524 : i1 to i32
      %sign3A_526 = arith.subi %sign3A_522, %sign3A_525 : i32
      %sign3A_527 = arith.constant 0 : i32
      %sign3A_528 = arith.cmpi sgt, %jit3A_518, %sign3A_527 : i32
      %sign3A_529 = arith.extui %sign3A_528 : i1 to i32
      %sign3A_530 = arith.constant 0 : i32
      %sign3A_531 = arith.cmpi slt, %jit3A_518, %sign3A_530 : i32
      %sign3A_532 = arith.extui %sign3A_531 : i1 to i32
      %sign3A_533 = arith.subi %sign3A_529, %sign3A_532 : i32
      %ne3A_534 = arith.cmpi ne, %sign3A_526, %sign3A_533 : i32
      %rem3A_535 = arith.remsi %add3A_517, %jit3A_518 : i32
      %ne3A_536 = arith.constant 0 : i32
      %ne3A_537 = arith.cmpi ne, %rem3A_535, %ne3A_536 : i32
      %and3A_538 = arith.andi %ne3A_534, %ne3A_537 : i1
      %sub3A_539 = arith.constant 1 : i32
      %sub3A_540 = arith.subi %div3A_519, %sub3A_539 : i32
      %select_n3A_541 = arith.select %and3A_538, %sub3A_540, %div3A_519 : i32
      %dma_wait3A_542 = arith.constant 0 : i32
      %dma_wait3A_543 = arith.constant 0 : i32
      %dma_wait3A_544 = arith.constant 0 : i32
      %dma_wait3A_545 = tpu.memref_slice %arg9[%dma_wait3A_543, %dma_wait3A_544] : memref<256x64xf32, #tpu.memory_space<vmem>> -> memref<128x64xf32, #tpu.memory_space<vmem>>
      %dma_wait3A_546 = arith.constant 0 : i32
      %dma_wait3A_547 = tpu.memref_slice %arg7[%dma_wait3A_542, %dma_wait3A_546] : memref<2x128xi32, #tpu.memory_space<vmem>> -> memref<1x128xi32, #tpu.memory_space<vmem>>
      %dma_wait3A_548 = tpu.memref_squeeze %dma_wait3A_547 : memref<1x128xi32, #tpu.memory_space<vmem>> -> memref<128xi32, #tpu.memory_space<vmem>>
      %dma_wait3A_549 = arith.constant 0 : i32
      %dma_wait3A_550 = arith.constant 0 : i32
      %dma_wait3A_551 = tpu.memref_slice %arg3[%dma_wait3A_549, %dma_wait3A_550] : memref<1000000x64xf32, #tpu.memory_space<hbm>> -> memref<1000000x64xf32, #tpu.memory_space<hbm>>
      tpu.wait_indirect_dma semaphore(%arg14 : memref<!tpu.dma_semaphore, #tpu.memory_space<semaphore_mem>>) src(%dma_wait3A_551 : memref<1000000x64xf32, #tpu.memory_space<hbm>>) dst(%dma_wait3A_545 : memref<128x64xf32, #tpu.memory_space<vmem>>)
      %dma_wait3A_552 = arith.constant 1 : i32
      %dma_wait3A_553 = arith.constant 128 : i32
      %dma_wait3A_554 = arith.constant 0 : i32
      %dma_wait3A_555 = tpu.memref_slice %arg9[%dma_wait3A_553, %dma_wait3A_554] : memref<256x64xf32, #tpu.memory_space<vmem>> -> memref<128x64xf32, #tpu.memory_space<vmem>>
      %dma_wait3A_556 = arith.constant 0 : i32
      %dma_wait3A_557 = tpu.memref_slice %arg7[%dma_wait3A_552, %dma_wait3A_556] : memref<2x128xi32, #tpu.memory_space<vmem>> -> memref<1x128xi32, #tpu.memory_space<vmem>>
      %dma_wait3A_558 = tpu.memref_squeeze %dma_wait3A_557 : memref<1x128xi32, #tpu.memory_space<vmem>> -> memref<128xi32, #tpu.memory_space<vmem>>
      %dma_wait3A_559 = arith.constant 0 : i32
      %dma_wait3A_560 = arith.constant 0 : i32
      %dma_wait3A_561 = tpu.memref_slice %arg3[%dma_wait3A_559, %dma_wait3A_560] : memref<1000000x64xf32, #tpu.memory_space<hbm>> -> memref<1000000x64xf32, #tpu.memory_space<hbm>>
      tpu.wait_indirect_dma semaphore(%arg14 : memref<!tpu.dma_semaphore, #tpu.memory_space<semaphore_mem>>) src(%dma_wait3A_561 : memref<1000000x64xf32, #tpu.memory_space<hbm>>) dst(%dma_wait3A_555 : memref<128x64xf32, #tpu.memory_space<vmem>>)
      %add3A_562 = arith.constant 2 : i32
      %add3A_563 = arith.addi %add3A_516, %add3A_562 : i32
      %lt3A_564 = arith.constant 100 : i32
      %lt3A_565 = arith.cmpi slt, %add3A_563, %lt3A_564 : i32
      %convert_element_type3A_566 = arith.extui %lt3A_565 : i1 to i32
      %cond3A_567 = arith.constant 0 : i32
      %cond3A_568 = arith.cmpi ne, %convert_element_type3A_566, %cond3A_567 : i32
      scf.if %cond3A_568 {
        %add3A_637 = arith.constant 2 : i32
        %add3A_638 = arith.addi %add3A_517, %add3A_637 : i32
        %jit3A_639 = arith.constant 16 : i32
        %div3A_640 = arith.divsi %add3A_638, %jit3A_639 : i32
        %sign3A_641 = arith.constant 0 : i32
        %sign3A_642 = arith.cmpi sgt, %add3A_638, %sign3A_641 : i32
        %sign3A_643 = arith.extui %sign3A_642 : i1 to i32
        %sign3A_644 = arith.constant 0 : i32
        %sign3A_645 = arith.cmpi slt, %add3A_638, %sign3A_644 : i32
        %sign3A_646 = arith.extui %sign3A_645 : i1 to i32
        %sign3A_647 = arith.subi %sign3A_643, %sign3A_646 : i32
        %sign3A_648 = arith.constant 0 : i32
        %sign3A_649 = arith.cmpi sgt, %jit3A_639, %sign3A_648 : i32
        %sign3A_650 = arith.extui %sign3A_649 : i1 to i32
        %sign3A_651 = arith.constant 0 : i32
        %sign3A_652 = arith.cmpi slt, %jit3A_639, %sign3A_651 : i32
        %sign3A_653 = arith.extui %sign3A_652 : i1 to i32
        %sign3A_654 = arith.subi %sign3A_650, %sign3A_653 : i32
        %ne3A_655 = arith.cmpi ne, %sign3A_647, %sign3A_654 : i32
        %rem3A_656 = arith.remsi %add3A_638, %jit3A_639 : i32
        %ne3A_657 = arith.constant 0 : i32
        %ne3A_658 = arith.cmpi ne, %rem3A_656, %ne3A_657 : i32
        %and3A_659 = arith.andi %ne3A_655, %ne3A_658 : i1
        %sub3A_660 = arith.constant 1 : i32
        %sub3A_661 = arith.subi %div3A_640, %sub3A_660 : i32
        %select_n3A_662 = arith.select %and3A_659, %sub3A_661, %div3A_640 : i32
        %jit3A_663 = arith.constant 16 : i32
        %eq3A_664 = arith.constant 0 : i32
        %eq3A_665 = arith.cmpi eq, %jit3A_663, %eq3A_664 : i32
        %jit3A_666 = arith.constant 1 : i32
        %select_n3A_667 = arith.select %eq3A_665, %jit3A_666, %jit3A_663 : i32
        %rem3A_668 = arith.remsi %add3A_638, %select_n3A_667 : i32
        %ne3A_669 = arith.constant 0 : i32
        %ne3A_670 = arith.cmpi ne, %rem3A_668, %ne3A_669 : i32
        %lt3A_671 = arith.constant 0 : i32
        %lt3A_672 = arith.cmpi slt, %rem3A_668, %lt3A_671 : i32
        %lt3A_673 = arith.constant 0 : i32
        %lt3A_674 = arith.cmpi slt, %select_n3A_667, %lt3A_673 : i32
        %ne3A_675 = arith.xori %lt3A_672, %lt3A_674 : i1
        %and3A_676 = arith.andi %ne3A_675, %ne3A_670 : i1
        %add3A_677 = arith.addi %rem3A_668, %select_n3A_667 : i32
        %select_n3A_678 = arith.select %and3A_676, %add3A_677, %rem3A_668 : i32
        %jit3A_679 = arith.constant 8 : i32
        %div3A_680 = arith.divsi %select_n3A_662, %jit3A_679 : i32
        %sign3A_681 = arith.constant 0 : i32
        %sign3A_682 = arith.cmpi sgt, %select_n3A_662, %sign3A_681 : i32
        %sign3A_683 = arith.extui %sign3A_682 : i1 to i32
        %sign3A_684 = arith.constant 0 : i32
        %sign3A_685 = arith.cmpi slt, %select_n3A_662, %sign3A_684 : i32
        %sign3A_686 = arith.extui %sign3A_685 : i1 to i32
        %sign3A_687 = arith.subi %sign3A_683, %sign3A_686 : i32
        %sign3A_688 = arith.constant 0 : i32
        %sign3A_689 = arith.cmpi sgt, %jit3A_679, %sign3A_688 : i32
        %sign3A_690 = arith.extui %sign3A_689 : i1 to i32
        %sign3A_691 = arith.constant 0 : i32
        %sign3A_692 = arith.cmpi slt, %jit3A_679, %sign3A_691 : i32
        %sign3A_693 = arith.extui %sign3A_692 : i1 to i32
        %sign3A_694 = arith.subi %sign3A_690, %sign3A_693 : i32
        %ne3A_695 = arith.cmpi ne, %sign3A_687, %sign3A_694 : i32
        %rem3A_696 = arith.remsi %select_n3A_662, %jit3A_679 : i32
        %ne3A_697 = arith.constant 0 : i32
        %ne3A_698 = arith.cmpi ne, %rem3A_696, %ne3A_697 : i32
        %and3A_699 = arith.andi %ne3A_695, %ne3A_698 : i1
        %sub3A_700 = arith.constant 1 : i32
        %sub3A_701 = arith.subi %div3A_680, %sub3A_700 : i32
        %select_n3A_702 = arith.select %and3A_699, %sub3A_701, %div3A_680 : i32
        %mul3A_703 = arith.constant 2 : i32
        %mul3A_704 = arith.muli %select_n3A_678, %mul3A_703 : i32
        %jit3A_705 = arith.constant 8 : i32
        %eq3A_706 = arith.constant 0 : i32
        %eq3A_707 = arith.cmpi eq, %jit3A_705, %eq3A_706 : i32
        %jit3A_708 = arith.constant 1 : i32
        %select_n3A_709 = arith.select %eq3A_707, %jit3A_708, %jit3A_705 : i32
        %rem3A_710 = arith.remsi %select_n3A_662, %select_n3A_709 : i32
        %ne3A_711 = arith.constant 0 : i32
        %ne3A_712 = arith.cmpi ne, %rem3A_710, %ne3A_711 : i32
        %lt3A_713 = arith.constant 0 : i32
        %lt3A_714 = arith.cmpi slt, %rem3A_710, %lt3A_713 : i32
        %lt3A_715 = arith.constant 0 : i32
        %lt3A_716 = arith.cmpi slt, %select_n3A_709, %lt3A_715 : i32
        %ne3A_717 = arith.xori %lt3A_714, %lt3A_716 : i1
        %and3A_718 = arith.andi %ne3A_717, %ne3A_712 : i1
        %add3A_719 = arith.addi %rem3A_710, %select_n3A_709 : i32
        %select_n3A_720 = arith.select %and3A_718, %add3A_719, %rem3A_710 : i32
        %dma_start3A_721 = arith.constant 0 : i32
        %dma_start3A_722 = tpu.memref_slice %arg2[%select_n3A_702, %mul3A_704, %select_n3A_720, %dma_start3A_721] : memref<25x32x8x128xi32, #tpu.memory_space<hbm>> -> memref<1x2x1x128xi32, #tpu.memory_space<hbm>>
        %dma_start3A_723 = tpu.memref_squeeze %dma_start3A_722 : memref<1x2x1x128xi32, #tpu.memory_space<hbm>> -> memref<2x128xi32, #tpu.memory_space<hbm>>
        %dma_start3A_724 = arith.constant 0 : i32
        %dma_start3A_725 = tpu.memref_slice %arg2[%select_n3A_702, %mul3A_704, %select_n3A_720, %dma_start3A_724] : memref<25x32x8x128xi32, #tpu.memory_space<hbm>> -> memref<1x2x1x128xi32, #tpu.memory_space<hbm>>
        %dma_start3A_726 = tpu.memref_squeeze %dma_start3A_725 : memref<1x2x1x128xi32, #tpu.memory_space<hbm>> -> memref<2x128xi32, #tpu.memory_space<hbm>>
        tpu.enqueue_dma source(%dma_start3A_726 : memref<2x128xi32, #tpu.memory_space<hbm>>) target(%arg7 : memref<2x128xi32, #tpu.memory_space<vmem>>) target_semaphore(%arg18 : memref<!tpu.dma_semaphore, #tpu.memory_space<semaphore_mem>>)
      } else {
      }
      %add3A_569 = arith.constant 1 : i32
      %add3A_570 = arith.addi %add3A_516, %add3A_569 : i32
      %lt3A_571 = arith.constant 100 : i32
      %lt3A_572 = arith.cmpi slt, %add3A_570, %lt3A_571 : i32
      %convert_element_type3A_573 = arith.extui %lt3A_572 : i1 to i32
      %cond3A_574 = arith.constant 0 : i32
      %cond3A_575 = arith.cmpi ne, %convert_element_type3A_573, %cond3A_574 : i32
      scf.if %cond3A_575 {
        %add3A_637 = arith.constant 1 : i32
        %add3A_638 = arith.addi %add3A_517, %add3A_637 : i32
        %jit3A_639 = arith.constant 16 : i32
        %div3A_640 = arith.divsi %add3A_638, %jit3A_639 : i32
        %sign3A_641 = arith.constant 0 : i32
        %sign3A_642 = arith.cmpi sgt, %add3A_638, %sign3A_641 : i32
        %sign3A_643 = arith.extui %sign3A_642 : i1 to i32
        %sign3A_644 = arith.constant 0 : i32
        %sign3A_645 = arith.cmpi slt, %add3A_638, %sign3A_644 : i32
        %sign3A_646 = arith.extui %sign3A_645 : i1 to i32
        %sign3A_647 = arith.subi %sign3A_643, %sign3A_646 : i32
        %sign3A_648 = arith.constant 0 : i32
        %sign3A_649 = arith.cmpi sgt, %jit3A_639, %sign3A_648 : i32
        %sign3A_650 = arith.extui %sign3A_649 : i1 to i32
        %sign3A_651 = arith.constant 0 : i32
        %sign3A_652 = arith.cmpi slt, %jit3A_639, %sign3A_651 : i32
        %sign3A_653 = arith.extui %sign3A_652 : i1 to i32
        %sign3A_654 = arith.subi %sign3A_650, %sign3A_653 : i32
        %ne3A_655 = arith.cmpi ne, %sign3A_647, %sign3A_654 : i32
        %rem3A_656 = arith.remsi %add3A_638, %jit3A_639 : i32
        %ne3A_657 = arith.constant 0 : i32
        %ne3A_658 = arith.cmpi ne, %rem3A_656, %ne3A_657 : i32
        %and3A_659 = arith.andi %ne3A_655, %ne3A_658 : i1
        %sub3A_660 = arith.constant 1 : i32
        %sub3A_661 = arith.subi %div3A_640, %sub3A_660 : i32
        %select_n3A_662 = arith.select %and3A_659, %sub3A_661, %div3A_640 : i32
        %jit3A_663 = arith.constant 16 : i32
        %eq3A_664 = arith.constant 0 : i32
        %eq3A_665 = arith.cmpi eq, %jit3A_663, %eq3A_664 : i32
        %jit3A_666 = arith.constant 1 : i32
        %select_n3A_667 = arith.select %eq3A_665, %jit3A_666, %jit3A_663 : i32
        %rem3A_668 = arith.remsi %add3A_638, %select_n3A_667 : i32
        %ne3A_669 = arith.constant 0 : i32
        %ne3A_670 = arith.cmpi ne, %rem3A_668, %ne3A_669 : i32
        %lt3A_671 = arith.constant 0 : i32
        %lt3A_672 = arith.cmpi slt, %rem3A_668, %lt3A_671 : i32
        %lt3A_673 = arith.constant 0 : i32
        %lt3A_674 = arith.cmpi slt, %select_n3A_667, %lt3A_673 : i32
        %ne3A_675 = arith.xori %lt3A_672, %lt3A_674 : i1
        %and3A_676 = arith.andi %ne3A_675, %ne3A_670 : i1
        %add3A_677 = arith.addi %rem3A_668, %select_n3A_667 : i32
        %select_n3A_678 = arith.select %and3A_676, %add3A_677, %rem3A_668 : i32
        %jit3A_679 = arith.constant 8 : i32
        %div3A_680 = arith.divsi %select_n3A_662, %jit3A_679 : i32
        %sign3A_681 = arith.constant 0 : i32
        %sign3A_682 = arith.cmpi sgt, %select_n3A_662, %sign3A_681 : i32
        %sign3A_683 = arith.extui %sign3A_682 : i1 to i32
        %sign3A_684 = arith.constant 0 : i32
        %sign3A_685 = arith.cmpi slt, %select_n3A_662, %sign3A_684 : i32
        %sign3A_686 = arith.extui %sign3A_685 : i1 to i32
        %sign3A_687 = arith.subi %sign3A_683, %sign3A_686 : i32
        %sign3A_688 = arith.constant 0 : i32
        %sign3A_689 = arith.cmpi sgt, %jit3A_679, %sign3A_688 : i32
        %sign3A_690 = arith.extui %sign3A_689 : i1 to i32
        %sign3A_691 = arith.constant 0 : i32
        %sign3A_692 = arith.cmpi slt, %jit3A_679, %sign3A_691 : i32
        %sign3A_693 = arith.extui %sign3A_692 : i1 to i32
        %sign3A_694 = arith.subi %sign3A_690, %sign3A_693 : i32
        %ne3A_695 = arith.cmpi ne, %sign3A_687, %sign3A_694 : i32
        %rem3A_696 = arith.remsi %select_n3A_662, %jit3A_679 : i32
        %ne3A_697 = arith.constant 0 : i32
        %ne3A_698 = arith.cmpi ne, %rem3A_696, %ne3A_697 : i32
        %and3A_699 = arith.andi %ne3A_695, %ne3A_698 : i1
        %sub3A_700 = arith.constant 1 : i32
        %sub3A_701 = arith.subi %div3A_680, %sub3A_700 : i32
        %select_n3A_702 = arith.select %and3A_699, %sub3A_701, %div3A_680 : i32
        %mul3A_703 = arith.constant 2 : i32
        %mul3A_704 = arith.muli %select_n3A_678, %mul3A_703 : i32
        %jit3A_705 = arith.constant 8 : i32
        %eq3A_706 = arith.constant 0 : i32
        %eq3A_707 = arith.cmpi eq, %jit3A_705, %eq3A_706 : i32
        %jit3A_708 = arith.constant 1 : i32
        %select_n3A_709 = arith.select %eq3A_707, %jit3A_708, %jit3A_705 : i32
        %rem3A_710 = arith.remsi %select_n3A_662, %select_n3A_709 : i32
        %ne3A_711 = arith.constant 0 : i32
        %ne3A_712 = arith.cmpi ne, %rem3A_710, %ne3A_711 : i32
        %lt3A_713 = arith.constant 0 : i32
        %lt3A_714 = arith.cmpi slt, %rem3A_710, %lt3A_713 : i32
        %lt3A_715 = arith.constant 0 : i32
        %lt3A_716 = arith.cmpi slt, %select_n3A_709, %lt3A_715 : i32
        %ne3A_717 = arith.xori %lt3A_714, %lt3A_716 : i1
        %and3A_718 = arith.andi %ne3A_717, %ne3A_712 : i1
        %add3A_719 = arith.addi %rem3A_710, %select_n3A_709 : i32
        %select_n3A_720 = arith.select %and3A_718, %add3A_719, %rem3A_710 : i32
        %dma_wait3A_721 = arith.constant 0 : i32
        %dma_wait3A_722 = tpu.memref_slice %arg2[%select_n3A_702, %mul3A_704, %select_n3A_720, %dma_wait3A_721] : memref<25x32x8x128xi32, #tpu.memory_space<hbm>> -> memref<1x2x1x128xi32, #tpu.memory_space<hbm>>
        %dma_wait3A_723 = tpu.memref_squeeze %dma_wait3A_722 : memref<1x2x1x128xi32, #tpu.memory_space<hbm>> -> memref<2x128xi32, #tpu.memory_space<hbm>>
        %dma_wait3A_724 = arith.constant 0 : i32
        %dma_wait3A_725 = tpu.memref_slice %arg2[%select_n3A_702, %mul3A_704, %select_n3A_720, %dma_wait3A_724] : memref<25x32x8x128xi32, #tpu.memory_space<hbm>> -> memref<1x2x1x128xi32, #tpu.memory_space<hbm>>
        %dma_wait3A_726 = tpu.memref_squeeze %dma_wait3A_725 : memref<1x2x1x128xi32, #tpu.memory_space<hbm>> -> memref<2x128xi32, #tpu.memory_space<hbm>>
        tpu.wait_dma2 semaphore(%arg17 : memref<!tpu.dma_semaphore, #tpu.memory_space<semaphore_mem>>) src(%dma_wait3A_726 : memref<2x128xi32, #tpu.memory_space<hbm>>) dst(%arg6 : memref<2x128xi32, #tpu.memory_space<vmem>>)
        %dma_start3A_727 = arith.constant 0 : i32
        %dma_start3A_728 = arith.constant 0 : i32
        %dma_start3A_729 = arith.constant 0 : i32
        %dma_start3A_730 = tpu.memref_slice %arg8[%dma_start3A_728, %dma_start3A_729] : memref<256x64xf32, #tpu.memory_space<vmem>> -> memref<128x64xf32, #tpu.memory_space<vmem>>
        %dma_start3A_731 = arith.constant 0 : i32
        %dma_start3A_732 = tpu.memref_slice %arg6[%dma_start3A_727, %dma_start3A_731] : memref<2x128xi32, #tpu.memory_space<vmem>> -> memref<1x128xi32, #tpu.memory_space<vmem>>
        %dma_start3A_733 = tpu.memref_squeeze %dma_start3A_732 : memref<1x128xi32, #tpu.memory_space<vmem>> -> memref<128xi32, #tpu.memory_space<vmem>>
        %dma_start3A_734 = arith.constant 0 : i32
        %dma_start3A_735 = arith.constant 0 : i32
        %dma_start3A_736 = tpu.memref_slice %arg3[%dma_start3A_734, %dma_start3A_735] : memref<1000000x64xf32, #tpu.memory_space<hbm>> -> memref<1000000x64xf32, #tpu.memory_space<hbm>>
        tpu.enqueue_indirect_dma source(%dma_start3A_736 : memref<1000000x64xf32, #tpu.memory_space<hbm>>) target(%dma_start3A_730 : memref<128x64xf32, #tpu.memory_space<vmem>>) offsets(%dma_start3A_733 : memref<128xi32, #tpu.memory_space<vmem>>) semaphore(%arg13 : memref<!tpu.dma_semaphore, #tpu.memory_space<semaphore_mem>>)
        %dma_start3A_737 = arith.constant 1 : i32
        %dma_start3A_738 = arith.constant 128 : i32
        %dma_start3A_739 = arith.constant 0 : i32
        %dma_start3A_740 = tpu.memref_slice %arg8[%dma_start3A_738, %dma_start3A_739] : memref<256x64xf32, #tpu.memory_space<vmem>> -> memref<128x64xf32, #tpu.memory_space<vmem>>
        %dma_start3A_741 = arith.constant 0 : i32
        %dma_start3A_742 = tpu.memref_slice %arg6[%dma_start3A_737, %dma_start3A_741] : memref<2x128xi32, #tpu.memory_space<vmem>> -> memref<1x128xi32, #tpu.memory_space<vmem>>
        %dma_start3A_743 = tpu.memref_squeeze %dma_start3A_742 : memref<1x128xi32, #tpu.memory_space<vmem>> -> memref<128xi32, #tpu.memory_space<vmem>>
        %dma_start3A_744 = arith.constant 0 : i32
        %dma_start3A_745 = arith.constant 0 : i32
        %dma_start3A_746 = tpu.memref_slice %arg3[%dma_start3A_744, %dma_start3A_745] : memref<1000000x64xf32, #tpu.memory_space<hbm>> -> memref<1000000x64xf32, #tpu.memory_space<hbm>>
        tpu.enqueue_indirect_dma source(%dma_start3A_746 : memref<1000000x64xf32, #tpu.memory_space<hbm>>) target(%dma_start3A_740 : memref<128x64xf32, #tpu.memory_space<vmem>>) offsets(%dma_start3A_743 : memref<128xi32, #tpu.memory_space<vmem>>) semaphore(%arg13 : memref<!tpu.dma_semaphore, #tpu.memory_space<semaphore_mem>>)
      } else {
      }
      %ge3A_576 = arith.constant 2 : i32
      %ge3A_577 = arith.cmpi sge, %add3A_516, %ge3A_576 : i32
      %convert_element_type3A_578 = arith.extui %ge3A_577 : i1 to i32
      %cond3A_579 = arith.constant 0 : i32
      %cond3A_580 = arith.cmpi ne, %convert_element_type3A_578, %cond3A_579 : i32
      scf.if %cond3A_580 {
        %sub3A_637 = arith.constant 2 : i32
        %sub3A_638 = arith.subi %add3A_517, %sub3A_637 : i32
        %jit3A_639 = arith.constant 16 : i32
        %div3A_640 = arith.divsi %sub3A_638, %jit3A_639 : i32
        %sign3A_641 = arith.constant 0 : i32
        %sign3A_642 = arith.cmpi sgt, %sub3A_638, %sign3A_641 : i32
        %sign3A_643 = arith.extui %sign3A_642 : i1 to i32
        %sign3A_644 = arith.constant 0 : i32
        %sign3A_645 = arith.cmpi slt, %sub3A_638, %sign3A_644 : i32
        %sign3A_646 = arith.extui %sign3A_645 : i1 to i32
        %sign3A_647 = arith.subi %sign3A_643, %sign3A_646 : i32
        %sign3A_648 = arith.constant 0 : i32
        %sign3A_649 = arith.cmpi sgt, %jit3A_639, %sign3A_648 : i32
        %sign3A_650 = arith.extui %sign3A_649 : i1 to i32
        %sign3A_651 = arith.constant 0 : i32
        %sign3A_652 = arith.cmpi slt, %jit3A_639, %sign3A_651 : i32
        %sign3A_653 = arith.extui %sign3A_652 : i1 to i32
        %sign3A_654 = arith.subi %sign3A_650, %sign3A_653 : i32
        %ne3A_655 = arith.cmpi ne, %sign3A_647, %sign3A_654 : i32
        %rem3A_656 = arith.remsi %sub3A_638, %jit3A_639 : i32
        %ne3A_657 = arith.constant 0 : i32
        %ne3A_658 = arith.cmpi ne, %rem3A_656, %ne3A_657 : i32
        %and3A_659 = arith.andi %ne3A_655, %ne3A_658 : i1
        %sub3A_660 = arith.constant 1 : i32
        %sub3A_661 = arith.subi %div3A_640, %sub3A_660 : i32
        %select_n3A_662 = arith.select %and3A_659, %sub3A_661, %div3A_640 : i32
        %jit3A_663 = arith.constant 16 : i32
        %eq3A_664 = arith.constant 0 : i32
        %eq3A_665 = arith.cmpi eq, %jit3A_663, %eq3A_664 : i32
        %jit3A_666 = arith.constant 1 : i32
        %select_n3A_667 = arith.select %eq3A_665, %jit3A_666, %jit3A_663 : i32
        %rem3A_668 = arith.remsi %sub3A_638, %select_n3A_667 : i32
        %ne3A_669 = arith.constant 0 : i32
        %ne3A_670 = arith.cmpi ne, %rem3A_668, %ne3A_669 : i32
        %lt3A_671 = arith.constant 0 : i32
        %lt3A_672 = arith.cmpi slt, %rem3A_668, %lt3A_671 : i32
        %lt3A_673 = arith.constant 0 : i32
        %lt3A_674 = arith.cmpi slt, %select_n3A_667, %lt3A_673 : i32
        %ne3A_675 = arith.xori %lt3A_672, %lt3A_674 : i1
        %and3A_676 = arith.andi %ne3A_675, %ne3A_670 : i1
        %add3A_677 = arith.addi %rem3A_668, %select_n3A_667 : i32
        %select_n3A_678 = arith.select %and3A_676, %add3A_677, %rem3A_668 : i32
        %mul3A_679 = arith.constant 2 : i32
        %mul3A_680 = arith.muli %select_n3A_678, %mul3A_679 : i32
        %dma_wait3A_681 = arith.constant 0 : i32
        %dma_wait3A_682 = arith.constant 0 : i32
        %dma_wait3A_683 = arith.constant 0 : i32
        %dma_wait3A_684 = tpu.memref_slice %arg5[%select_n3A_662, %dma_wait3A_681, %mul3A_680, %dma_wait3A_682, %dma_wait3A_683] : memref<200x8x32x8x128xf32, #tpu.memory_space<hbm>> -> memref<1x8x2x8x128xf32, #tpu.memory_space<hbm>>
        %dma_wait3A_685 = tpu.memref_squeeze %dma_wait3A_684 : memref<1x8x2x8x128xf32, #tpu.memory_space<hbm>> -> memref<8x2x8x128xf32, #tpu.memory_space<hbm>>
        %dma_wait3A_686 = arith.constant 0 : i32
        %dma_wait3A_687 = arith.constant 0 : i32
        %dma_wait3A_688 = arith.constant 0 : i32
        %dma_wait3A_689 = tpu.memref_slice %arg5[%select_n3A_662, %dma_wait3A_686, %mul3A_680, %dma_wait3A_687, %dma_wait3A_688] : memref<200x8x32x8x128xf32, #tpu.memory_space<hbm>> -> memref<1x8x2x8x128xf32, #tpu.memory_space<hbm>>
        %dma_wait3A_690 = tpu.memref_squeeze %dma_wait3A_689 : memref<1x8x2x8x128xf32, #tpu.memory_space<hbm>> -> memref<8x2x8x128xf32, #tpu.memory_space<hbm>>
        tpu.wait_dma2 semaphore(%arg16 : memref<!tpu.dma_semaphore, #tpu.memory_space<semaphore_mem>>) src(%arg11 : memref<8x2x8x128xf32, #tpu.memory_space<vmem>>) dst(%dma_wait3A_690 : memref<8x2x8x128xf32, #tpu.memory_space<hbm>>)
      } else {
      }
      %broadcast_in_dim3A_581 = vector.broadcast %select_n3A_541 : i32 to vector<16xi32>
      %parallel_loop3A_582 = arith.constant 0 : i32
      %parallel_loop3A_583 = arith.constant 64 : i32
      %parallel_loop3A_584 = arith.constant 1 : i32
      scf.for %parallel_loop3A_637 = %parallel_loop3A_582 to %parallel_loop3A_583 step %parallel_loop3A_584  : i32 {
        %parallel_loop3A_638 = vector.broadcast %parallel_loop3A_637 : i32 to vector<16xi32>
        %parallel_loop3A_639 = tpu.vector_load_idx %arg12[%broadcast_in_dim3A_581, %parallel_loop3A_638] : memref<200x64xf32, #tpu.memory_space<vmem>>[vector<16xi32>, vector<16xi32>], vector<16xf32>,
        %parallel_loop3A_640 = arith.constant 8 : i32
        %parallel_loop3A_641 = arith.divsi %parallel_loop3A_637, %parallel_loop3A_640 : i32
        %parallel_loop3A_642 = arith.constant 0 : i32
        %parallel_loop3A_643 = arith.cmpi sgt, %parallel_loop3A_637, %parallel_loop3A_642 : i32
        %parallel_loop3A_644 = arith.extui %parallel_loop3A_643 : i1 to i32
        %parallel_loop3A_645 = arith.constant 0 : i32
        %parallel_loop3A_646 = arith.cmpi slt, %parallel_loop3A_637, %parallel_loop3A_645 : i32
        %parallel_loop3A_647 = arith.extui %parallel_loop3A_646 : i1 to i32
        %parallel_loop3A_648 = arith.subi %parallel_loop3A_644, %parallel_loop3A_647 : i32
        %parallel_loop3A_649 = arith.constant 0 : i32
        %parallel_loop3A_650 = arith.cmpi sgt, %parallel_loop3A_640, %parallel_loop3A_649 : i32
        %parallel_loop3A_651 = arith.extui %parallel_loop3A_650 : i1 to i32
        %parallel_loop3A_652 = arith.constant 0 : i32
        %parallel_loop3A_653 = arith.cmpi slt, %parallel_loop3A_640, %parallel_loop3A_652 : i32
        %parallel_loop3A_654 = arith.extui %parallel_loop3A_653 : i1 to i32
        %parallel_loop3A_655 = arith.subi %parallel_loop3A_651, %parallel_loop3A_654 : i32
        %parallel_loop3A_656 = arith.cmpi ne, %parallel_loop3A_648, %parallel_loop3A_655 : i32
        %parallel_loop3A_657 = arith.remsi %parallel_loop3A_637, %parallel_loop3A_640 : i32
        %parallel_loop3A_658 = arith.constant 0 : i32
        %parallel_loop3A_659 = arith.cmpi ne, %parallel_loop3A_657, %parallel_loop3A_658 : i32
        %parallel_loop3A_660 = arith.andi %parallel_loop3A_656, %parallel_loop3A_659 : i1
        %parallel_loop3A_661 = arith.constant 1 : i32
        %parallel_loop3A_662 = arith.subi %parallel_loop3A_641, %parallel_loop3A_661 : i32
        %parallel_loop3A_663 = arith.select %parallel_loop3A_660, %parallel_loop3A_662, %parallel_loop3A_641 : i32
        %parallel_loop3A_664 = arith.constant 8 : i32
        %parallel_loop3A_665 = arith.constant 0 : i32
        %parallel_loop3A_666 = arith.cmpi eq, %parallel_loop3A_664, %parallel_loop3A_665 : i32
        %parallel_loop3A_667 = arith.constant 1 : i32
        %parallel_loop3A_668 = arith.select %parallel_loop3A_666, %parallel_loop3A_667, %parallel_loop3A_664 : i32
        %parallel_loop3A_669 = arith.remsi %parallel_loop3A_637, %parallel_loop3A_668 : i32
        %parallel_loop3A_670 = arith.constant 0 : i32
        %parallel_loop3A_671 = arith.cmpi ne, %parallel_loop3A_669, %parallel_loop3A_670 : i32
        %parallel_loop3A_672 = arith.constant 0 : i32
        %parallel_loop3A_673 = arith.cmpi slt, %parallel_loop3A_669, %parallel_loop3A_672 : i32
        %parallel_loop3A_674 = arith.constant 0 : i32
        %parallel_loop3A_675 = arith.cmpi slt, %parallel_loop3A_668, %parallel_loop3A_674 : i32
        %parallel_loop3A_676 = arith.xori %parallel_loop3A_673, %parallel_loop3A_675 : i1
        %parallel_loop3A_677 = arith.andi %parallel_loop3A_676, %parallel_loop3A_671 : i1
        %parallel_loop3A_678 = arith.addi %parallel_loop3A_669, %parallel_loop3A_668 : i32
        %parallel_loop3A_679 = arith.select %parallel_loop3A_677, %parallel_loop3A_678, %parallel_loop3A_669 : i32
        %parallel_loop3A_680 = arith.constant 0 : i32
        %parallel_loop3A_681 = vector.broadcast %parallel_loop3A_680 : i32 to vector<16xi32>
        %parallel_loop3A_682 = arith.addi %iota3A, %parallel_loop3A_681 : vector<16xi32>
        %parallel_loop3A_683 = tpu.vector_load_idx %arg9[%parallel_loop3A_682, %parallel_loop3A_638] : memref<256x64xf32, #tpu.memory_space<vmem>>[vector<16xi32>, vector<16xi32>], vector<16xf32>,
        %parallel_loop3A_684 = arith.constant 8.000000e+00 : f32
        %parallel_loop3A_685 = vector.broadcast %parallel_loop3A_684 : f32 to vector<16xf32>
        %parallel_loop3A_686 = arith.mulf %parallel_loop3A_683, %parallel_loop3A_685 : vector<16xf32>
        %parallel_loop3A_687 = arith.addf %parallel_loop3A_686, %parallel_loop3A_639 : vector<16xf32>
        %parallel_loop3A_688 = arith.constant 0 : i32
        %parallel_loop3A_689 = arith.index_cast %parallel_loop3A_663 : i32 to index
        %parallel_loop3A_690 = arith.index_cast %parallel_loop3A_688 : i32 to index
        %parallel_loop3A_691 = arith.index_cast %parallel_loop3A_679 : i32 to index
        %parallel_loop3A_692 = arith.constant 0 : index
        %parallel_loop3A_693 = tpu.vector_load %arg11[%parallel_loop3A_689, %parallel_loop3A_690, %parallel_loop3A_691, %parallel_loop3A_692] {strides = array<i32>} : memref<8x2x8x128xf32, #tpu.memory_space<vmem>>, vector<16xf32>,
        tpu.vector_store %arg11[%parallel_loop3A_689, %parallel_loop3A_690, %parallel_loop3A_691, %parallel_loop3A_692], %parallel_loop3A_687 {strides = array<i32>} : memref<8x2x8x128xf32, #tpu.memory_space<vmem>>, vector<16xf32>,
        %parallel_loop3A_694 = arith.constant 16 : i32
        %parallel_loop3A_695 = vector.broadcast %parallel_loop3A_694 : i32 to vector<16xi32>
        %parallel_loop3A_696 = arith.addi %iota3A, %parallel_loop3A_695 : vector<16xi32>
        %parallel_loop3A_697 = tpu.vector_load_idx %arg9[%parallel_loop3A_696, %parallel_loop3A_638] : memref<256x64xf32, #tpu.memory_space<vmem>>[vector<16xi32>, vector<16xi32>], vector<16xf32>,
        %parallel_loop3A_698 = arith.constant 8.000000e+00 : f32
        %parallel_loop3A_699 = vector.broadcast %parallel_loop3A_698 : f32 to vector<16xf32>
        %parallel_loop3A_700 = arith.mulf %parallel_loop3A_697, %parallel_loop3A_699 : vector<16xf32>
        %parallel_loop3A_701 = arith.addf %parallel_loop3A_700, %parallel_loop3A_639 : vector<16xf32>
        %parallel_loop3A_702 = arith.constant 0 : i32
        %parallel_loop3A_703 = arith.index_cast %parallel_loop3A_663 : i32 to index
        %parallel_loop3A_704 = arith.index_cast %parallel_loop3A_702 : i32 to index
        %parallel_loop3A_705 = arith.index_cast %parallel_loop3A_679 : i32 to index
        %parallel_loop3A_706 = arith.constant 16 : index
        %parallel_loop3A_707 = tpu.vector_load %arg11[%parallel_loop3A_703, %parallel_loop3A_704, %parallel_loop3A_705, %parallel_loop3A_706] {strides = array<i32>} : memref<8x2x8x128xf32, #tpu.memory_space<vmem>>, vector<16xf32>,
        tpu.vector_store %arg11[%parallel_loop3A_703, %parallel_loop3A_704, %parallel_loop3A_705, %parallel_loop3A_706], %parallel_loop3A_701 {strides = array<i32>} : memref<8x2x8x128xf32, #tpu.memory_space<vmem>>, vector<16xf32>,
        %parallel_loop3A_708 = arith.constant 32 : i32
        %parallel_loop3A_709 = vector.broadcast %parallel_loop3A_708 : i32 to vector<16xi32>
        %parallel_loop3A_710 = arith.addi %iota3A, %parallel_loop3A_709 : vector<16xi32>
        %parallel_loop3A_711 = tpu.vector_load_idx %arg9[%parallel_loop3A_710, %parallel_loop3A_638] : memref<256x64xf32, #tpu.memory_space<vmem>>[vector<16xi32>, vector<16xi32>], vector<16xf32>,
        %parallel_loop3A_712 = arith.constant 8.000000e+00 : f32
        %parallel_loop3A_713 = vector.broadcast %parallel_loop3A_712 : f32 to vector<16xf32>
        %parallel_loop3A_714 = arith.mulf %parallel_loop3A_711, %parallel_loop3A_713 : vector<16xf32>
        %parallel_loop3A_715 = arith.addf %parallel_loop3A_714, %parallel_loop3A_639 : vector<16xf32>
        %parallel_loop3A_716 = arith.constant 0 : i32
        %parallel_loop3A_717 = arith.index_cast %parallel_loop3A_663 : i32 to index
        %parallel_loop3A_718 = arith.index_cast %parallel_loop3A_716 : i32 to index
        %parallel_loop3A_719 = arith.index_cast %parallel_loop3A_679 : i32 to index
        %parallel_loop3A_720 = arith.constant 32 : index
        %parallel_loop3A_721 = tpu.vector_load %arg11[%parallel_loop3A_717, %parallel_loop3A_718, %parallel_loop3A_719, %parallel_loop3A_720] {strides = array<i32>} : memref<8x2x8x128xf32, #tpu.memory_space<vmem>>, vector<16xf32>,
        tpu.vector_store %arg11[%parallel_loop3A_717, %parallel_loop3A_718, %parallel_loop3A_719, %parallel_loop3A_720], %parallel_loop3A_715 {strides = array<i32>} : memref<8x2x8x128xf32, #tpu.memory_space<vmem>>, vector<16xf32>,
        %parallel_loop3A_722 = arith.constant 48 : i32
        %parallel_loop3A_723 = vector.broadcast %parallel_loop3A_722 : i32 to vector<16xi32>
        %parallel_loop3A_724 = arith.addi %iota3A, %parallel_loop3A_723 : vector<16xi32>
        %parallel_loop3A_725 = tpu.vector_load_idx %arg9[%parallel_loop3A_724, %parallel_loop3A_638] : memref<256x64xf32, #tpu.memory_space<vmem>>[vector<16xi32>, vector<16xi32>], vector<16xf32>,
        %parallel_loop3A_726 = arith.constant 8.000000e+00 : f32
        %parallel_loop3A_727 = vector.broadcast %parallel_loop3A_726 : f32 to vector<16xf32>
        %parallel_loop3A_728 = arith.mulf %parallel_loop3A_725, %parallel_loop3A_727 : vector<16xf32>
        %parallel_loop3A_729 = arith.addf %parallel_loop3A_728, %parallel_loop3A_639 : vector<16xf32>
        %parallel_loop3A_730 = arith.constant 0 : i32
        %parallel_loop3A_731 = arith.index_cast %parallel_loop3A_663 : i32 to index
        %parallel_loop3A_732 = arith.index_cast %parallel_loop3A_730 : i32 to index
        %parallel_loop3A_733 = arith.index_cast %parallel_loop3A_679 : i32 to index
        %parallel_loop3A_734 = arith.constant 48 : index
        %parallel_loop3A_735 = tpu.vector_load %arg11[%parallel_loop3A_731, %parallel_loop3A_732, %parallel_loop3A_733, %parallel_loop3A_734] {strides = array<i32>} : memref<8x2x8x128xf32, #tpu.memory_space<vmem>>, vector<16xf32>,
        tpu.vector_store %arg11[%parallel_loop3A_731, %parallel_loop3A_732, %parallel_loop3A_733, %parallel_loop3A_734], %parallel_loop3A_729 {strides = array<i32>} : memref<8x2x8x128xf32, #tpu.memory_space<vmem>>, vector<16xf32>,
        %parallel_loop3A_736 = arith.constant 64 : i32
        %parallel_loop3A_737 = vector.broadcast %parallel_loop3A_736 : i32 to vector<16xi32>
        %parallel_loop3A_738 = arith.addi %iota3A, %parallel_loop3A_737 : vector<16xi32>
        %parallel_loop3A_739 = tpu.vector_load_idx %arg9[%parallel_loop3A_738, %parallel_loop3A_638] : memref<256x64xf32, #tpu.memory_space<vmem>>[vector<16xi32>, vector<16xi32>], vector<16xf32>,
        %parallel_loop3A_740 = arith.constant 8.000000e+00 : f32
        %parallel_loop3A_741 = vector.broadcast %parallel_loop3A_740 : f32 to vector<16xf32>
        %parallel_loop3A_742 = arith.mulf %parallel_loop3A_739, %parallel_loop3A_741 : vector<16xf32>
        %parallel_loop3A_743 = arith.addf %parallel_loop3A_742, %parallel_loop3A_639 : vector<16xf32>
        %parallel_loop3A_744 = arith.constant 0 : i32
        %parallel_loop3A_745 = arith.index_cast %parallel_loop3A_663 : i32 to index
        %parallel_loop3A_746 = arith.index_cast %parallel_loop3A_744 : i32 to index
        %parallel_loop3A_747 = arith.index_cast %parallel_loop3A_679 : i32 to index
        %parallel_loop3A_748 = arith.constant 64 : index
        %parallel_loop3A_749 = tpu.vector_load %arg11[%parallel_loop3A_745, %parallel_loop3A_746, %parallel_loop3A_747, %parallel_loop3A_748] {strides = array<i32>} : memref<8x2x8x128xf32, #tpu.memory_space<vmem>>, vector<16xf32>,
        tpu.vector_store %arg11[%parallel_loop3A_745, %parallel_loop3A_746, %parallel_loop3A_747, %parallel_loop3A_748], %parallel_loop3A_743 {strides = array<i32>} : memref<8x2x8x128xf32, #tpu.memory_space<vmem>>, vector<16xf32>,
        %parallel_loop3A_750 = arith.constant 80 : i32
        %parallel_loop3A_751 = vector.broadcast %parallel_loop3A_750 : i32 to vector<16xi32>
        %parallel_loop3A_752 = arith.addi %iota3A, %parallel_loop3A_751 : vector<16xi32>
        %parallel_loop3A_753 = tpu.vector_load_idx %arg9[%parallel_loop3A_752, %parallel_loop3A_638] : memref<256x64xf32, #tpu.memory_space<vmem>>[vector<16xi32>, vector<16xi32>], vector<16xf32>,
        %parallel_loop3A_754 = arith.constant 8.000000e+00 : f32
        %parallel_loop3A_755 = vector.broadcast %parallel_loop3A_754 : f32 to vector<16xf32>
        %parallel_loop3A_756 = arith.mulf %parallel_loop3A_753, %parallel_loop3A_755 : vector<16xf32>
        %parallel_loop3A_757 = arith.addf %parallel_loop3A_756, %parallel_loop3A_639 : vector<16xf32>
        %parallel_loop3A_758 = arith.constant 0 : i32
        %parallel_loop3A_759 = arith.index_cast %parallel_loop3A_663 : i32 to index
        %parallel_loop3A_760 = arith.index_cast %parallel_loop3A_758 : i32 to index
        %parallel_loop3A_761 = arith.index_cast %parallel_loop3A_679 : i32 to index
        %parallel_loop3A_762 = arith.constant 80 : index
        %parallel_loop3A_763 = tpu.vector_load %arg11[%parallel_loop3A_759, %parallel_loop3A_760, %parallel_loop3A_761, %parallel_loop3A_762] {strides = array<i32>} : memref<8x2x8x128xf32, #tpu.memory_space<vmem>>, vector<16xf32>,
        tpu.vector_store %arg11[%parallel_loop3A_759, %parallel_loop3A_760, %parallel_loop3A_761, %parallel_loop3A_762], %parallel_loop3A_757 {strides = array<i32>} : memref<8x2x8x128xf32, #tpu.memory_space<vmem>>, vector<16xf32>,
        %parallel_loop3A_764 = arith.constant 96 : i32
        %parallel_loop3A_765 = vector.broadcast %parallel_loop3A_764 : i32 to vector<16xi32>
        %parallel_loop3A_766 = arith.addi %iota3A, %parallel_loop3A_765 : vector<16xi32>
        %parallel_loop3A_767 = tpu.vector_load_idx %arg9[%parallel_loop3A_766, %parallel_loop3A_638] : memref<256x64xf32, #tpu.memory_space<vmem>>[vector<16xi32>, vector<16xi32>], vector<16xf32>,
        %parallel_loop3A_768 = arith.constant 8.000000e+00 : f32
        %parallel_loop3A_769 = vector.broadcast %parallel_loop3A_768 : f32 to vector<16xf32>
        %parallel_loop3A_770 = arith.mulf %parallel_loop3A_767, %parallel_loop3A_769 : vector<16xf32>
        %parallel_loop3A_771 = arith.addf %parallel_loop3A_770, %parallel_loop3A_639 : vector<16xf32>
        %parallel_loop3A_772 = arith.constant 0 : i32
        %parallel_loop3A_773 = arith.index_cast %parallel_loop3A_663 : i32 to index
        %parallel_loop3A_774 = arith.index_cast %parallel_loop3A_772 : i32 to index
        %parallel_loop3A_775 = arith.index_cast %parallel_loop3A_679 : i32 to index
        %parallel_loop3A_776 = arith.constant 96 : index
        %parallel_loop3A_777 = tpu.vector_load %arg11[%parallel_loop3A_773, %parallel_loop3A_774, %parallel_loop3A_775, %parallel_loop3A_776] {strides = array<i32>} : memref<8x2x8x128xf32, #tpu.memory_space<vmem>>, vector<16xf32>,
        tpu.vector_store %arg11[%parallel_loop3A_773, %parallel_loop3A_774, %parallel_loop3A_775, %parallel_loop3A_776], %parallel_loop3A_771 {strides = array<i32>} : memref<8x2x8x128xf32, #tpu.memory_space<vmem>>, vector<16xf32>,
        %parallel_loop3A_778 = arith.constant 112 : i32
        %parallel_loop3A_779 = vector.broadcast %parallel_loop3A_778 : i32 to vector<16xi32>
        %parallel_loop3A_780 = arith.addi %iota3A, %parallel_loop3A_779 : vector<16xi32>
        %parallel_loop3A_781 = tpu.vector_load_idx %arg9[%parallel_loop3A_780, %parallel_loop3A_638] : memref<256x64xf32, #tpu.memory_space<vmem>>[vector<16xi32>, vector<16xi32>], vector<16xf32>,
        %parallel_loop3A_782 = arith.constant 8.000000e+00 : f32
        %parallel_loop3A_783 = vector.broadcast %parallel_loop3A_782 : f32 to vector<16xf32>
        %parallel_loop3A_784 = arith.mulf %parallel_loop3A_781, %parallel_loop3A_783 : vector<16xf32>
        %parallel_loop3A_785 = arith.addf %parallel_loop3A_784, %parallel_loop3A_639 : vector<16xf32>
        %parallel_loop3A_786 = arith.constant 0 : i32
        %parallel_loop3A_787 = arith.index_cast %parallel_loop3A_663 : i32 to index
        %parallel_loop3A_788 = arith.index_cast %parallel_loop3A_786 : i32 to index
        %parallel_loop3A_789 = arith.index_cast %parallel_loop3A_679 : i32 to index
        %parallel_loop3A_790 = arith.constant 112 : index
        %parallel_loop3A_791 = tpu.vector_load %arg11[%parallel_loop3A_787, %parallel_loop3A_788, %parallel_loop3A_789, %parallel_loop3A_790] {strides = array<i32>} : memref<8x2x8x128xf32, #tpu.memory_space<vmem>>, vector<16xf32>,
        tpu.vector_store %arg11[%parallel_loop3A_787, %parallel_loop3A_788, %parallel_loop3A_789, %parallel_loop3A_790], %parallel_loop3A_785 {strides = array<i32>} : memref<8x2x8x128xf32, #tpu.memory_space<vmem>>, vector<16xf32>,
        %parallel_loop3A_792 = arith.constant 128 : i32
        %parallel_loop3A_793 = vector.broadcast %parallel_loop3A_792 : i32 to vector<16xi32>
        %parallel_loop3A_794 = arith.addi %iota3A, %parallel_loop3A_793 : vector<16xi32>
        %parallel_loop3A_795 = tpu.vector_load_idx %arg9[%parallel_loop3A_794, %parallel_loop3A_638] : memref<256x64xf32, #tpu.memory_space<vmem>>[vector<16xi32>, vector<16xi32>], vector<16xf32>,
        %parallel_loop3A_796 = arith.constant 8.000000e+00 : f32
        %parallel_loop3A_797 = vector.broadcast %parallel_loop3A_796 : f32 to vector<16xf32>
        %parallel_loop3A_798 = arith.mulf %parallel_loop3A_795, %parallel_loop3A_797 : vector<16xf32>
        %parallel_loop3A_799 = arith.addf %parallel_loop3A_798, %parallel_loop3A_639 : vector<16xf32>
        %parallel_loop3A_800 = arith.constant 1 : i32
        %parallel_loop3A_801 = arith.index_cast %parallel_loop3A_663 : i32 to index
        %parallel_loop3A_802 = arith.index_cast %parallel_loop3A_800 : i32 to index
        %parallel_loop3A_803 = arith.index_cast %parallel_loop3A_679 : i32 to index
        %parallel_loop3A_804 = arith.constant 0 : index
        %parallel_loop3A_805 = tpu.vector_load %arg11[%parallel_loop3A_801, %parallel_loop3A_802, %parallel_loop3A_803, %parallel_loop3A_804] {strides = array<i32>} : memref<8x2x8x128xf32, #tpu.memory_space<vmem>>, vector<16xf32>,
        tpu.vector_store %arg11[%parallel_loop3A_801, %parallel_loop3A_802, %parallel_loop3A_803, %parallel_loop3A_804], %parallel_loop3A_799 {strides = array<i32>} : memref<8x2x8x128xf32, #tpu.memory_space<vmem>>, vector<16xf32>,
        %parallel_loop3A_806 = arith.constant 144 : i32
        %parallel_loop3A_807 = vector.broadcast %parallel_loop3A_806 : i32 to vector<16xi32>
        %parallel_loop3A_808 = arith.addi %iota3A, %parallel_loop3A_807 : vector<16xi32>
        %parallel_loop3A_809 = tpu.vector_load_idx %arg9[%parallel_loop3A_808, %parallel_loop3A_638] : memref<256x64xf32, #tpu.memory_space<vmem>>[vector<16xi32>, vector<16xi32>], vector<16xf32>,
        %parallel_loop3A_810 = arith.constant 8.000000e+00 : f32
        %parallel_loop3A_811 = vector.broadcast %parallel_loop3A_810 : f32 to vector<16xf32>
        %parallel_loop3A_812 = arith.mulf %parallel_loop3A_809, %parallel_loop3A_811 : vector<16xf32>
        %parallel_loop3A_813 = arith.addf %parallel_loop3A_812, %parallel_loop3A_639 : vector<16xf32>
        %parallel_loop3A_814 = arith.constant 1 : i32
        %parallel_loop3A_815 = arith.index_cast %parallel_loop3A_663 : i32 to index
        %parallel_loop3A_816 = arith.index_cast %parallel_loop3A_814 : i32 to index
        %parallel_loop3A_817 = arith.index_cast %parallel_loop3A_679 : i32 to index
        %parallel_loop3A_818 = arith.constant 16 : index
        %parallel_loop3A_819 = tpu.vector_load %arg11[%parallel_loop3A_815, %parallel_loop3A_816, %parallel_loop3A_817, %parallel_loop3A_818] {strides = array<i32>} : memref<8x2x8x128xf32, #tpu.memory_space<vmem>>, vector<16xf32>,
        tpu.vector_store %arg11[%parallel_loop3A_815, %parallel_loop3A_816, %parallel_loop3A_817, %parallel_loop3A_818], %parallel_loop3A_813 {strides = array<i32>} : memref<8x2x8x128xf32, #tpu.memory_space<vmem>>, vector<16xf32>,
        %parallel_loop3A_820 = arith.constant 160 : i32
        %parallel_loop3A_821 = vector.broadcast %parallel_loop3A_820 : i32 to vector<16xi32>
        %parallel_loop3A_822 = arith.addi %iota3A, %parallel_loop3A_821 : vector<16xi32>
        %parallel_loop3A_823 = tpu.vector_load_idx %arg9[%parallel_loop3A_822, %parallel_loop3A_638] : memref<256x64xf32, #tpu.memory_space<vmem>>[vector<16xi32>, vector<16xi32>], vector<16xf32>,
        %parallel_loop3A_824 = arith.constant 8.000000e+00 : f32
        %parallel_loop3A_825 = vector.broadcast %parallel_loop3A_824 : f32 to vector<16xf32>
        %parallel_loop3A_826 = arith.mulf %parallel_loop3A_823, %parallel_loop3A_825 : vector<16xf32>
        %parallel_loop3A_827 = arith.addf %parallel_loop3A_826, %parallel_loop3A_639 : vector<16xf32>
        %parallel_loop3A_828 = arith.constant 1 : i32
        %parallel_loop3A_829 = arith.index_cast %parallel_loop3A_663 : i32 to index
        %parallel_loop3A_830 = arith.index_cast %parallel_loop3A_828 : i32 to index
        %parallel_loop3A_831 = arith.index_cast %parallel_loop3A_679 : i32 to index
        %parallel_loop3A_832 = arith.constant 32 : index
        %parallel_loop3A_833 = tpu.vector_load %arg11[%parallel_loop3A_829, %parallel_loop3A_830, %parallel_loop3A_831, %parallel_loop3A_832] {strides = array<i32>} : memref<8x2x8x128xf32, #tpu.memory_space<vmem>>, vector<16xf32>,
        tpu.vector_store %arg11[%parallel_loop3A_829, %parallel_loop3A_830, %parallel_loop3A_831, %parallel_loop3A_832], %parallel_loop3A_827 {strides = array<i32>} : memref<8x2x8x128xf32, #tpu.memory_space<vmem>>, vector<16xf32>,
        %parallel_loop3A_834 = arith.constant 176 : i32
        %parallel_loop3A_835 = vector.broadcast %parallel_loop3A_834 : i32 to vector<16xi32>
        %parallel_loop3A_836 = arith.addi %iota3A, %parallel_loop3A_835 : vector<16xi32>
        %parallel_loop3A_837 = tpu.vector_load_idx %arg9[%parallel_loop3A_836, %parallel_loop3A_638] : memref<256x64xf32, #tpu.memory_space<vmem>>[vector<16xi32>, vector<16xi32>], vector<16xf32>,
        %parallel_loop3A_838 = arith.constant 8.000000e+00 : f32
        %parallel_loop3A_839 = vector.broadcast %parallel_loop3A_838 : f32 to vector<16xf32>
        %parallel_loop3A_840 = arith.mulf %parallel_loop3A_837, %parallel_loop3A_839 : vector<16xf32>
        %parallel_loop3A_841 = arith.addf %parallel_loop3A_840, %parallel_loop3A_639 : vector<16xf32>
        %parallel_loop3A_842 = arith.constant 1 : i32
        %parallel_loop3A_843 = arith.index_cast %parallel_loop3A_663 : i32 to index
        %parallel_loop3A_844 = arith.index_cast %parallel_loop3A_842 : i32 to index
        %parallel_loop3A_845 = arith.index_cast %parallel_loop3A_679 : i32 to index
        %parallel_loop3A_846 = arith.constant 48 : index
        %parallel_loop3A_847 = tpu.vector_load %arg11[%parallel_loop3A_843, %parallel_loop3A_844, %parallel_loop3A_845, %parallel_loop3A_846] {strides = array<i32>} : memref<8x2x8x128xf32, #tpu.memory_space<vmem>>, vector<16xf32>,
        tpu.vector_store %arg11[%parallel_loop3A_843, %parallel_loop3A_844, %parallel_loop3A_845, %parallel_loop3A_846], %parallel_loop3A_841 {strides = array<i32>} : memref<8x2x8x128xf32, #tpu.memory_space<vmem>>, vector<16xf32>,
        %parallel_loop3A_848 = arith.constant 192 : i32
        %parallel_loop3A_849 = vector.broadcast %parallel_loop3A_848 : i32 to vector<16xi32>
        %parallel_loop3A_850 = arith.addi %iota3A, %parallel_loop3A_849 : vector<16xi32>
        %parallel_loop3A_851 = tpu.vector_load_idx %arg9[%parallel_loop3A_850, %parallel_loop3A_638] : memref<256x64xf32, #tpu.memory_space<vmem>>[vector<16xi32>, vector<16xi32>], vector<16xf32>,
        %parallel_loop3A_852 = arith.constant 8.000000e+00 : f32
        %parallel_loop3A_853 = vector.broadcast %parallel_loop3A_852 : f32 to vector<16xf32>
        %parallel_loop3A_854 = arith.mulf %parallel_loop3A_851, %parallel_loop3A_853 : vector<16xf32>
        %parallel_loop3A_855 = arith.addf %parallel_loop3A_854, %parallel_loop3A_639 : vector<16xf32>
        %parallel_loop3A_856 = arith.constant 1 : i32
        %parallel_loop3A_857 = arith.index_cast %parallel_loop3A_663 : i32 to index
        %parallel_loop3A_858 = arith.index_cast %parallel_loop3A_856 : i32 to index
        %parallel_loop3A_859 = arith.index_cast %parallel_loop3A_679 : i32 to index
        %parallel_loop3A_860 = arith.constant 64 : index
        %parallel_loop3A_861 = tpu.vector_load %arg11[%parallel_loop3A_857, %parallel_loop3A_858, %parallel_loop3A_859, %parallel_loop3A_860] {strides = array<i32>} : memref<8x2x8x128xf32, #tpu.memory_space<vmem>>, vector<16xf32>,
        tpu.vector_store %arg11[%parallel_loop3A_857, %parallel_loop3A_858, %parallel_loop3A_859, %parallel_loop3A_860], %parallel_loop3A_855 {strides = array<i32>} : memref<8x2x8x128xf32, #tpu.memory_space<vmem>>, vector<16xf32>,
        %parallel_loop3A_862 = arith.constant 208 : i32
        %parallel_loop3A_863 = vector.broadcast %parallel_loop3A_862 : i32 to vector<16xi32>
        %parallel_loop3A_864 = arith.addi %iota3A, %parallel_loop3A_863 : vector<16xi32>
        %parallel_loop3A_865 = tpu.vector_load_idx %arg9[%parallel_loop3A_864, %parallel_loop3A_638] : memref<256x64xf32, #tpu.memory_space<vmem>>[vector<16xi32>, vector<16xi32>], vector<16xf32>,
        %parallel_loop3A_866 = arith.constant 8.000000e+00 : f32
        %parallel_loop3A_867 = vector.broadcast %parallel_loop3A_866 : f32 to vector<16xf32>
        %parallel_loop3A_868 = arith.mulf %parallel_loop3A_865, %parallel_loop3A_867 : vector<16xf32>
        %parallel_loop3A_869 = arith.addf %parallel_loop3A_868, %parallel_loop3A_639 : vector<16xf32>
        %parallel_loop3A_870 = arith.constant 1 : i32
        %parallel_loop3A_871 = arith.index_cast %parallel_loop3A_663 : i32 to index
        %parallel_loop3A_872 = arith.index_cast %parallel_loop3A_870 : i32 to index
        %parallel_loop3A_873 = arith.index_cast %parallel_loop3A_679 : i32 to index
        %parallel_loop3A_874 = arith.constant 80 : index
        %parallel_loop3A_875 = tpu.vector_load %arg11[%parallel_loop3A_871, %parallel_loop3A_872, %parallel_loop3A_873, %parallel_loop3A_874] {strides = array<i32>} : memref<8x2x8x128xf32, #tpu.memory_space<vmem>>, vector<16xf32>,
        tpu.vector_store %arg11[%parallel_loop3A_871, %parallel_loop3A_872, %parallel_loop3A_873, %parallel_loop3A_874], %parallel_loop3A_869 {strides = array<i32>} : memref<8x2x8x128xf32, #tpu.memory_space<vmem>>, vector<16xf32>,
        %parallel_loop3A_876 = arith.constant 224 : i32
        %parallel_loop3A_877 = vector.broadcast %parallel_loop3A_876 : i32 to vector<16xi32>
        %parallel_loop3A_878 = arith.addi %iota3A, %parallel_loop3A_877 : vector<16xi32>
        %parallel_loop3A_879 = tpu.vector_load_idx %arg9[%parallel_loop3A_878, %parallel_loop3A_638] : memref<256x64xf32, #tpu.memory_space<vmem>>[vector<16xi32>, vector<16xi32>], vector<16xf32>,
        %parallel_loop3A_880 = arith.constant 8.000000e+00 : f32
        %parallel_loop3A_881 = vector.broadcast %parallel_loop3A_880 : f32 to vector<16xf32>
        %parallel_loop3A_882 = arith.mulf %parallel_loop3A_879, %parallel_loop3A_881 : vector<16xf32>
        %parallel_loop3A_883 = arith.addf %parallel_loop3A_882, %parallel_loop3A_639 : vector<16xf32>
        %parallel_loop3A_884 = arith.constant 1 : i32
        %parallel_loop3A_885 = arith.index_cast %parallel_loop3A_663 : i32 to index
        %parallel_loop3A_886 = arith.index_cast %parallel_loop3A_884 : i32 to index
        %parallel_loop3A_887 = arith.index_cast %parallel_loop3A_679 : i32 to index
        %parallel_loop3A_888 = arith.constant 96 : index
        %parallel_loop3A_889 = tpu.vector_load %arg11[%parallel_loop3A_885, %parallel_loop3A_886, %parallel_loop3A_887, %parallel_loop3A_888] {strides = array<i32>} : memref<8x2x8x128xf32, #tpu.memory_space<vmem>>, vector<16xf32>,
        tpu.vector_store %arg11[%parallel_loop3A_885, %parallel_loop3A_886, %parallel_loop3A_887, %parallel_loop3A_888], %parallel_loop3A_883 {strides = array<i32>} : memref<8x2x8x128xf32, #tpu.memory_space<vmem>>, vector<16xf32>,
        %parallel_loop3A_890 = arith.constant 240 : i32
        %parallel_loop3A_891 = vector.broadcast %parallel_loop3A_890 : i32 to vector<16xi32>
        %parallel_loop3A_892 = arith.addi %iota3A, %parallel_loop3A_891 : vector<16xi32>
        %parallel_loop3A_893 = tpu.vector_load_idx %arg9[%parallel_loop3A_892, %parallel_loop3A_638] : memref<256x64xf32, #tpu.memory_space<vmem>>[vector<16xi32>, vector<16xi32>], vector<16xf32>,
        %parallel_loop3A_894 = arith.constant 8.000000e+00 : f32
        %parallel_loop3A_895 = vector.broadcast %parallel_loop3A_894 : f32 to vector<16xf32>
        %parallel_loop3A_896 = arith.mulf %parallel_loop3A_893, %parallel_loop3A_895 : vector<16xf32>
        %parallel_loop3A_897 = arith.addf %parallel_loop3A_896, %parallel_loop3A_639 : vector<16xf32>
        %parallel_loop3A_898 = arith.constant 1 : i32
        %parallel_loop3A_899 = arith.index_cast %parallel_loop3A_663 : i32 to index
        %parallel_loop3A_900 = arith.index_cast %parallel_loop3A_898 : i32 to index
        %parallel_loop3A_901 = arith.index_cast %parallel_loop3A_679 : i32 to index
        %parallel_loop3A_902 = arith.constant 112 : index
        %parallel_loop3A_903 = tpu.vector_load %arg11[%parallel_loop3A_899, %parallel_loop3A_900, %parallel_loop3A_901, %parallel_loop3A_902] {strides = array<i32>} : memref<8x2x8x128xf32, #tpu.memory_space<vmem>>, vector<16xf32>,
        tpu.vector_store %arg11[%parallel_loop3A_899, %parallel_loop3A_900, %parallel_loop3A_901, %parallel_loop3A_902], %parallel_loop3A_897 {strides = array<i32>} : memref<8x2x8x128xf32, #tpu.memory_space<vmem>>, vector<16xf32>,
      } {sc.loop_unroll_factor = 4 : i64, sc.parallel_access}
      %jit3A_585 = arith.constant 16 : i32
      %div3A_586 = arith.divsi %add3A_517, %jit3A_585 : i32
      %sign3A_587 = arith.constant 0 : i32
      %sign3A_588 = arith.cmpi sgt, %add3A_517, %sign3A_587 : i32
      %sign3A_589 = arith.extui %sign3A_588 : i1 to i32
      %sign3A_590 = arith.constant 0 : i32
      %sign3A_591 = arith.cmpi slt, %add3A_517, %sign3A_590 : i32
      %sign3A_592 = arith.extui %sign3A_591 : i1 to i32
      %sign3A_593 = arith.subi %sign3A_589, %sign3A_592 : i32
      %sign3A_594 = arith.constant 0 : i32
      %sign3A_595 = arith.cmpi sgt, %jit3A_585, %sign3A_594 : i32
      %sign3A_596 = arith.extui %sign3A_595 : i1 to i32
      %sign3A_597 = arith.constant 0 : i32
      %sign3A_598 = arith.cmpi slt, %jit3A_585, %sign3A_597 : i32
      %sign3A_599 = arith.extui %sign3A_598 : i1 to i32
      %sign3A_600 = arith.subi %sign3A_596, %sign3A_599 : i32
      %ne3A_601 = arith.cmpi ne, %sign3A_593, %sign3A_600 : i32
      %rem3A_602 = arith.remsi %add3A_517, %jit3A_585 : i32
      %ne3A_603 = arith.constant 0 : i32
      %ne3A_604 = arith.cmpi ne, %rem3A_602, %ne3A_603 : i32
      %and3A_605 = arith.andi %ne3A_601, %ne3A_604 : i1
      %sub3A_606 = arith.constant 1 : i32
      %sub3A_607 = arith.subi %div3A_586, %sub3A_606 : i32
      %select_n3A_608 = arith.select %and3A_605, %sub3A_607, %div3A_586 : i32
      %jit3A_609 = arith.constant 16 : i32
      %eq3A_610 = arith.constant 0 : i32
      %eq3A_611 = arith.cmpi eq, %jit3A_609, %eq3A_610 : i32
      %jit3A_612 = arith.constant 1 : i32
      %select_n3A_613 = arith.select %eq3A_611, %jit3A_612, %jit3A_609 : i32
      %rem3A_614 = arith.remsi %add3A_517, %select_n3A_613 : i32
      %ne3A_615 = arith.constant 0 : i32
      %ne3A_616 = arith.cmpi ne, %rem3A_614, %ne3A_615 : i32
      %lt3A_617 = arith.constant 0 : i32
      %lt3A_618 = arith.cmpi slt, %rem3A_614, %lt3A_617 : i32
      %lt3A_619 = arith.constant 0 : i32
      %lt3A_620 = arith.cmpi slt, %select_n3A_613, %lt3A_619 : i32
      %ne3A_621 = arith.xori %lt3A_618, %lt3A_620 : i1
      %and3A_622 = arith.andi %ne3A_621, %ne3A_616 : i1
      %add3A_623 = arith.addi %rem3A_614, %select_n3A_613 : i32
      %select_n3A_624 = arith.select %and3A_622, %add3A_623, %rem3A_614 : i32
      %mul3A_625 = arith.constant 2 : i32
      %mul3A_626 = arith.muli %select_n3A_624, %mul3A_625 : i32
      %dma_start3A_627 = arith.constant 0 : i32
      %dma_start3A_628 = arith.constant 0 : i32
      %dma_start3A_629 = arith.constant 0 : i32
      %dma_start3A_630 = tpu.memref_slice %arg5[%select_n3A_608, %dma_start3A_627, %mul3A_626, %dma_start3A_628, %dma_start3A_629] : memref<200x8x32x8x128xf32, #tpu.memory_space<hbm>> -> memref<1x8x2x8x128xf32, #tpu.memory_space<hbm>>
      %dma_start3A_631 = tpu.memref_squeeze %dma_start3A_630 : memref<1x8x2x8x128xf32, #tpu.memory_space<hbm>> -> memref<8x2x8x128xf32, #tpu.memory_space<hbm>>
      %dma_start3A_632 = arith.constant 0 : i32
      %dma_start3A_633 = arith.constant 0 : i32
      %dma_start3A_634 = arith.constant 0 : i32
      %dma_start3A_635 = tpu.memref_slice %arg5[%select_n3A_608, %dma_start3A_632, %mul3A_626, %dma_start3A_633, %dma_start3A_634] : memref<200x8x32x8x128xf32, #tpu.memory_space<hbm>> -> memref<1x8x2x8x128xf32, #tpu.memory_space<hbm>>
      %dma_start3A_636 = tpu.memref_squeeze %dma_start3A_635 : memref<1x8x2x8x128xf32, #tpu.memory_space<hbm>> -> memref<8x2x8x128xf32, #tpu.memory_space<hbm>>
      tpu.enqueue_dma source(%arg11 : memref<8x2x8x128xf32, #tpu.memory_space<vmem>>) target(%dma_start3A_636 : memref<8x2x8x128xf32, #tpu.memory_space<hbm>>) target_semaphore(%arg16 : memref<!tpu.dma_semaphore, #tpu.memory_space<semaphore_mem>>)
    }
    %scan3A_280 = arith.constant 50 : i32
    %add3A_281 = arith.constant 100 : i32
    %add3A_282 = arith.addi %mul3A_2, %add3A_281 : i32
    %sub3A_283 = arith.constant 2 : i32
    %sub3A_284 = arith.subi %add3A_282, %sub3A_283 : i32
    %jit3A_285 = arith.constant 16 : i32
    %div3A_286 = arith.divsi %sub3A_284, %jit3A_285 : i32
    %sign3A_287 = arith.constant 0 : i32
    %sign3A_288 = arith.cmpi sgt, %sub3A_284, %sign3A_287 : i32
    %sign3A_289 = arith.extui %sign3A_288 : i1 to i32
    %sign3A_290 = arith.constant 0 : i32
    %sign3A_291 = arith.cmpi slt, %sub3A_284, %sign3A_290 : i32
    %sign3A_292 = arith.extui %sign3A_291 : i1 to i32
    %sign3A_293 = arith.subi %sign3A_289, %sign3A_292 : i32
    %sign3A_294 = arith.constant 0 : i32
    %sign3A_295 = arith.cmpi sgt, %jit3A_285, %sign3A_294 : i32
    %sign3A_296 = arith.extui %sign3A_295 : i1 to i32
    %sign3A_297 = arith.constant 0 : i32
    %sign3A_298 = arith.cmpi slt, %jit3A_285, %sign3A_297 : i32
    %sign3A_299 = arith.extui %sign3A_298 : i1 to i32
    %sign3A_300 = arith.subi %sign3A_296, %sign3A_299 : i32
    %ne3A_301 = arith.cmpi ne, %sign3A_293, %sign3A_300 : i32
    %rem3A_302 = arith.remsi %sub3A_284, %jit3A_285 : i32
    %ne3A_303 = arith.constant 0 : i32
    %ne3A_304 = arith.cmpi ne, %rem3A_302, %ne3A_303 : i32
    %and3A_305 = arith.andi %ne3A_301, %ne3A_304 : i1
    %sub3A_306 = arith.constant 1 : i32
    %sub3A_307 = arith.subi %div3A_286, %sub3A_306 : i32
    %select_n3A_308 = arith.select %and3A_305, %sub3A_307, %div3A_286 : i32
    %jit3A_309 = arith.constant 16 : i32
    %eq3A_310 = arith.constant 0 : i32
    %eq3A_311 = arith.cmpi eq, %jit3A_309, %eq3A_310 : i32
    %jit3A_312 = arith.constant 1 : i32
    %select_n3A_313 = arith.select %eq3A_311, %jit3A_312, %jit3A_309 : i32
    %rem3A_314 = arith.remsi %sub3A_284, %select_n3A_313 : i32
    %ne3A_315 = arith.constant 0 : i32
    %ne3A_316 = arith.cmpi ne, %rem3A_314, %ne3A_315 : i32
    %lt3A_317 = arith.constant 0 : i32
    %lt3A_318 = arith.cmpi slt, %rem3A_314, %lt3A_317 : i32
    %lt3A_319 = arith.constant 0 : i32
    %lt3A_320 = arith.cmpi slt, %select_n3A_313, %lt3A_319 : i32
    %ne3A_321 = arith.xori %lt3A_318, %lt3A_320 : i1
    %and3A_322 = arith.andi %ne3A_321, %ne3A_316 : i1
    %add3A_323 = arith.addi %rem3A_314, %select_n3A_313 : i32
    %select_n3A_324 = arith.select %and3A_322, %add3A_323, %rem3A_314 : i32
    %mul3A_325 = arith.constant 2 : i32
    %mul3A_326 = arith.muli %select_n3A_324, %mul3A_325 : i32
    %dma_wait3A_327 = arith.constant 0 : i32
    %dma_wait3A_328 = arith.constant 0 : i32
    %dma_wait3A_329 = arith.constant 0 : i32
    %dma_wait3A_330 = tpu.memref_slice %arg5[%select_n3A_308, %dma_wait3A_327, %mul3A_326, %dma_wait3A_328, %dma_wait3A_329] : memref<200x8x32x8x128xf32, #tpu.memory_space<hbm>> -> memref<1x8x2x8x128xf32, #tpu.memory_space<hbm>>
    %dma_wait3A_331 = tpu.memref_squeeze %dma_wait3A_330 : memref<1x8x2x8x128xf32, #tpu.memory_space<hbm>> -> memref<8x2x8x128xf32, #tpu.memory_space<hbm>>
    %dma_wait3A_332 = arith.constant 0 : i32
    %dma_wait3A_333 = arith.constant 0 : i32
    %dma_wait3A_334 = arith.constant 0 : i32
    %dma_wait3A_335 = tpu.memref_slice %arg5[%select_n3A_308, %dma_wait3A_332, %mul3A_326, %dma_wait3A_333, %dma_wait3A_334] : memref<200x8x32x8x128xf32, #tpu.memory_space<hbm>> -> memref<1x8x2x8x128xf32, #tpu.memory_space<hbm>>
    %dma_wait3A_336 = tpu.memref_squeeze %dma_wait3A_335 : memref<1x8x2x8x128xf32, #tpu.memory_space<hbm>> -> memref<8x2x8x128xf32, #tpu.memory_space<hbm>>
    tpu.wait_dma2 semaphore(%arg15 : memref<!tpu.dma_semaphore, #tpu.memory_space<semaphore_mem>>) src(%arg10 : memref<8x2x8x128xf32, #tpu.memory_space<vmem>>) dst(%dma_wait3A_336 : memref<8x2x8x128xf32, #tpu.memory_space<hbm>>)
    %add3A_337 = arith.constant 100 : i32
    %add3A_338 = arith.addi %mul3A_2, %add3A_337 : i32
    %sub3A_339 = arith.constant 1 : i32
    %sub3A_340 = arith.subi %add3A_338, %sub3A_339 : i32
    %jit3A_341 = arith.constant 16 : i32
    %div3A_342 = arith.divsi %sub3A_340, %jit3A_341 : i32
    %sign3A_343 = arith.constant 0 : i32
    %sign3A_344 = arith.cmpi sgt, %sub3A_340, %sign3A_343 : i32
    %sign3A_345 = arith.extui %sign3A_344 : i1 to i32
    %sign3A_346 = arith.constant 0 : i32
    %sign3A_347 = arith.cmpi slt, %sub3A_340, %sign3A_346 : i32
    %sign3A_348 = arith.extui %sign3A_347 : i1 to i32
    %sign3A_349 = arith.subi %sign3A_345, %sign3A_348 : i32
    %sign3A_350 = arith.constant 0 : i32
    %sign3A_351 = arith.cmpi sgt, %jit3A_341, %sign3A_350 : i32
    %sign3A_352 = arith.extui %sign3A_351 : i1 to i32
    %sign3A_353 = arith.constant 0 : i32
    %sign3A_354 = arith.cmpi slt, %jit3A_341, %sign3A_353 : i32
    %sign3A_355 = arith.extui %sign3A_354 : i1 to i32
    %sign3A_356 = arith.subi %sign3A_352, %sign3A_355 : i32
    %ne3A_357 = arith.cmpi ne, %sign3A_349, %sign3A_356 : i32
    %rem3A_358 = arith.remsi %sub3A_340, %jit3A_341 : i32
    %ne3A_359 = arith.constant 0 : i32
    %ne3A_360 = arith.cmpi ne, %rem3A_358, %ne3A_359 : i32
    %and3A_361 = arith.andi %ne3A_357, %ne3A_360 : i1
    %sub3A_362 = arith.constant 1 : i32
    %sub3A_363 = arith.subi %div3A_342, %sub3A_362 : i32
    %select_n3A_364 = arith.select %and3A_361, %sub3A_363, %div3A_342 : i32
    %jit3A_365 = arith.constant 16 : i32
    %eq3A_366 = arith.constant 0 : i32
    %eq3A_367 = arith.cmpi eq, %jit3A_365, %eq3A_366 : i32
    %jit3A_368 = arith.constant 1 : i32
    %select_n3A_369 = arith.select %eq3A_367, %jit3A_368, %jit3A_365 : i32
    %rem3A_370 = arith.remsi %sub3A_340, %select_n3A_369 : i32
    %ne3A_371 = arith.constant 0 : i32
    %ne3A_372 = arith.cmpi ne, %rem3A_370, %ne3A_371 : i32
    %lt3A_373 = arith.constant 0 : i32
    %lt3A_374 = arith.cmpi slt, %rem3A_370, %lt3A_373 : i32
    %lt3A_375 = arith.constant 0 : i32
    %lt3A_376 = arith.cmpi slt, %select_n3A_369, %lt3A_375 : i32
    %ne3A_377 = arith.xori %lt3A_374, %lt3A_376 : i1
    %and3A_378 = arith.andi %ne3A_377, %ne3A_372 : i1
    %add3A_379 = arith.addi %rem3A_370, %select_n3A_369 : i32
    %select_n3A_380 = arith.select %and3A_378, %add3A_379, %rem3A_370 : i32
    %mul3A_381 = arith.constant 2 : i32
    %mul3A_382 = arith.muli %select_n3A_380, %mul3A_381 : i32
    %dma_wait3A_383 = arith.constant 0 : i32
    %dma_wait3A_384 = arith.constant 0 : i32
    %dma_wait3A_385 = arith.constant 0 : i32
    %dma_wait3A_386 = tpu.memref_slice %arg5[%select_n3A_364, %dma_wait3A_383, %mul3A_382, %dma_wait3A_384, %dma_wait3A_385] : memref<200x8x32x8x128xf32, #tpu.memory_space<hbm>> -> memref<1x8x2x8x128xf32, #tpu.memory_space<hbm>>
    %dma_wait3A_387 = tpu.memref_squeeze %dma_wait3A_386 : memref<1x8x2x8x128xf32, #tpu.memory_space<hbm>> -> memref<8x2x8x128xf32, #tpu.memory_space<hbm>>
    %dma_wait3A_388 = arith.constant 0 : i32
    %dma_wait3A_389 = arith.constant 0 : i32
    %dma_wait3A_390 = arith.constant 0 : i32
    %dma_wait3A_391 = tpu.memref_slice %arg5[%select_n3A_364, %dma_wait3A_388, %mul3A_382, %dma_wait3A_389, %dma_wait3A_390] : memref<200x8x32x8x128xf32, #tpu.memory_space<hbm>> -> memref<1x8x2x8x128xf32, #tpu.memory_space<hbm>>
    %dma_wait3A_392 = tpu.memref_squeeze %dma_wait3A_391 : memref<1x8x2x8x128xf32, #tpu.memory_space<hbm>> -> memref<8x2x8x128xf32, #tpu.memory_space<hbm>>
    tpu.wait_dma2 semaphore(%arg16 : memref<!tpu.dma_semaphore, #tpu.memory_space<semaphore_mem>>) src(%arg11 : memref<8x2x8x128xf32, #tpu.memory_space<vmem>>) dst(%dma_wait3A_392 : memref<8x2x8x128xf32, #tpu.memory_space<hbm>>)
    return
  }
}

</mosaic_0001>

<sc_bundles>
// kernel: kernel.3.cloned.1.call-start
scs
__scs_entry_jumppad:
0x0: {  	(pc) =	sbr.rel $0x88, $3  }
0x1: {  	(tag) =	ssettag $0x0;
	lr =	simm.s32 $0x1  }
0x2: {  	[smem:$0x3F9F] =	sst lr;
	_ =	strace $0xD0000000  }
0x3: {  	_ = 	snop  }
0x4: {  	_ = 	snop  }
0x5: {  	_ = 	snop  }
0x6: {  	_ = 	snop  }
0x7: {  	_ = 	snop  }
__scs_overlays_trampoline_lowered:
0x8: {  	[smem:$0x3FAE] =	sst s0  }
0x9: {  	[smem:$0x3FAF] =	sst s1  }
0xa: {  	[smem:$0x3FB0] =	sst s2  }
0xb: {  	[smem:$0x3FB1] =	sst s3  }
0xc: {  	[smem:$0x3FB2] =	sst s4  }
0xd: {  	[smem:$0x3FB3] =	sst s5  }
0xe: {  	[smem:$0x3FB4] =	sst s6  }
0xf: {  	[smem:$0x3FB5] =	sst s7  }
0x10: {  	[smem:$0x3FB6] =	sst s8  }
0x11: {  	[smem:$0x3FB7] =	sst s9;
	s0 =	simm.s32 @!p0 $0x0  }
0x12: {  	s1 =	sld [smem:$0x3F9D];
	s0 =	simm.s32 @p0 $0x1  }
0x13: {  	[smem:$0x3FB8] =	sst s0;
	s0 =	simm.s32 @!p1 $0x0  }
0x14: {  	s2 =	sld [smem:$0x3F9C];
	s0 =	simm.s32 @p1 $0x1  }
0x15: {  	[smem:$0x3FB9] =	sst s0;
	s0 =	simm.s32 @!p2 $0x0  }
0x16: {  	s3 =	sld [smem:$0x3FDB];
	s0 =	simm.s32 @p2 $0x1  }
0x17: {  	s4 =	simm.s32 $0x1BF5;
	[smem:$0x3FBB] =	sst s0  }
0x18: {  	s0 =	sld [smem:$0x3F9E];
	_ =	swait.ge [sflag:s4], $0x0  }
0x19: {  	s7 =	sld [smem:$0x3F9F]  }
0x1a: {  	s8 =	sadd.s32 $0xFFFFE003, lr  }
0x1b: {  	s9 =	sadd.s32 $0xFFFFFEF7, lr;
	s5 =	simm.s32 $0xFFFFFFFF;
	p2 =	slt.u32 s8, $0xFFFFF086  }
0x1c: {  	p1 =	slt.u32 s9, $0xF7A;
	s5 =	simm.s32 @!p2 $0x0  }
0x1d: {  	s5 =	simm.s32 @p1 $0x1;
	p0 =	seq.s32 s7, s2  }
0x1e: {  	s7 =	smul.u32 @!p0 $0xF7A, s2;
	p2 =	seq.s32 @!p0 s5, $0x0  }
0x1f: {  	s9 =	smul.u32 $0xF7A, s1;
	s8 =	simm.s32 @!p0 $0x1BF5;
	p2 =	por !p2, p0  }
0x20: {  	[sflag:s8] =	ssyncset.s32 @!p0 $0xFFFFF086;
	s6 =	sadd.s32 @!p0 s3, s7;
	s7 =	simm.s32 @!p0 $0x108  }
0x21: {  	s3 =	sadd.s32 s3, s9;
	s6 =	sadd.s32 @!p0 $0x88, s6;
	s7 =	simm.s32 @p2 $0x1082  }
0x22: {  	[simem:s7], [sflag:s8] =	dma.local @!p0 [hbm:s6], $0xF7A  }
0x23: {  	s9 =	sor.u32 $0xD0000000, s2;
	s6 =	simm.s32 $0x108;
	_ =	swait.ge @!p0 [sflag:s8], $0x0  }
0x24: {  	s3 =	sadd.s32 $0x88, s3;
	s6 =	simm.s32 @!p1 $0x1082;
	[sflag:s4] =	ssyncset.s32 $0xFFFFF086  }
0x25: {  	[simem:s6], [sflag:s4] =	dma.local [hbm:s3], $0xF7A  }
0x26: {  	[smem:$0x3F9F] =	sst s1;
	(tag) =	ssettag s2;
	_ =	strace s9  }
0x27: {  	s1 =	sld [smem:$0x3FAF]  }
0x28: {  	s2 =	sld [smem:$0x3FB0]  }
0x29: {  	s4 =	sld [smem:$0x3FB2]  }
0x2a: {  	p0 =	seq.s32 s5, $0x0;
	s5 =	sld [smem:$0x3FB3]  }
0x2b: {  	s6 =	sld [smem:$0x3FB4]  }
0x2c: {  	s7 =	sld [smem:$0x3FB5]  }
0x2d: {  	s3 =	simm.s32 $0x108;
	s8 =	sld [smem:$0x3FB6]  }
0x2e: {  	s3 =	simm.s32 @!p0 $0x1082;
	s9 =	sld [smem:$0x3FB7]  }
0x2f: {  	lr =	sadd.s32 s0, s3;
	s0 =	sld [smem:$0x3FAE]  }
0x30: {  	s3 =	sld [smem:$0x3FB1]  }
0x31: {  	[smem:$0x3FBA] =	sst s10  }
0x32: {  	s10 =	sld [smem:$0x3FB8];
	_ =	sdelay $0x3  }
0x33: {  	p0 =	seq.s32 s10, $0x1;
	s10 =	sld [smem:$0x3FBA];
	_ =	sdelay $0x3  }
0x34: {  	[smem:$0x3FBA] =	sst s10  }
0x35: {  	s10 =	sld [smem:$0x3FB9];
	_ =	sdelay $0x3  }
0x36: {  	p1 =	seq.s32 s10, $0x1;
	s10 =	sld [smem:$0x3FBA];
	_ =	sdelay $0x3  }
0x37: {  	[smem:$0x3FBA] =	sst s10  }
0x38: {  	s10 =	sld [smem:$0x3FBB]  }
0x39: {  	_ = 	snop;
	(pc) =	sbr.ind lr, $3  }
0x3a: {  	_ = 	snop  }
0x3b: {  	_ = 	snop  }
0x3c: {  	p2 =	seq.s32 s10, $0x1;
	s10 =	sld [smem:$0x3FBA]  }
0x3d: {  	_ =	shalt  }
0x3e: {  	_ =	shalt  }
0x3f: {  	_ =	shalt  }
0x40: {  	_ =	shalt  }
0x41: {  	_ =	shalt  }
0x42: {  	_ =	shalt  }
0x43: {  	_ =	shalt  }
0x44: {  	_ =	shalt  }
0x45: {  	_ =	shalt  }
0x46: {  	_ =	shalt  }
0x47: {  	_ =	shalt  }
0x48: {  	_ =	shalt  }
0x49: {  	_ =	shalt  }
0x4a: {  	_ =	shalt  }
0x4b: {  	_ =	shalt  }
0x4c: {  	_ =	shalt  }
0x4d: {  	_ =	shalt  }
0x4e: {  	_ =	shalt  }
0x4f: {  	_ =	shalt  }
0x50: {  	_ =	shalt  }
0x51: {  	_ =	shalt  }
0x52: {  	_ =	shalt  }
0x53: {  	_ =	shalt  }
0x54: {  	_ =	shalt  }
0x55: {  	_ =	shalt  }
0x56: {  	_ =	shalt  }
0x57: {  	_ =	shalt  }
0x58: {  	_ =	shalt  }
0x59: {  	_ =	shalt  }
0x5a: {  	_ =	shalt  }
0x5b: {  	_ =	shalt  }
0x5c: {  	_ =	shalt  }
0x5d: {  	_ =	shalt  }
0x5e: {  	_ =	shalt  }
0x5f: {  	_ =	shalt  }
0x60: {  	_ =	shalt  }
0x61: {  	_ =	shalt  }
0x62: {  	_ =	shalt  }
0x63: {  	_ =	shalt  }
0x64: {  	_ =	shalt  }
0x65: {  	_ =	shalt  }
0x66: {  	_ =	shalt  }
0x67: {  	_ =	shalt  }
0x68: {  	_ =	shalt  }
0x69: {  	_ =	shalt  }
0x6a: {  	_ =	shalt  }
0x6b: {  	_ =	shalt  }
0x6c: {  	_ =	shalt  }
0x6d: {  	_ =	shalt  }
0x6e: {  	_ =	shalt  }
0x6f: {  	_ =	shalt  }
0x70: {  	_ =	shalt  }
0x71: {  	_ =	shalt  }
0x72: {  	_ =	shalt  }
0x73: {  	_ =	shalt  }
0x74: {  	_ =	shalt  }
0x75: {  	_ =	shalt  }
0x76: {  	_ =	shalt  }
0x77: {  	_ =	shalt  }
0x78: {  	_ =	shalt  }
0x79: {  	_ =	shalt  }
0x7a: {  	_ =	shalt  }
0x7b: {  	_ =	shalt  }
0x7c: {  	_ =	shalt  }
0x7d: {  	_ =	shalt  }
0x7e: {  	_ =	shalt  }
0x7f: {  	_ =	shalt  }
0x80: {  	_ =	shalt  }
0x81: {  	_ =	shalt  }
0x82: {  	_ =	shalt  }
0x83: {  	_ =	shalt  }
0x84: {  	_ =	shalt  }
0x85: {  	_ =	shalt  }
0x86: {  	_ =	shalt  }
0x87: {  	_ =	shalt  }
.Lfunc_end0:
.L_simem_size_0:
called_computation_lowered:
.L_overlay_start_0:
0x88: {  	s2 =	sld [smem:$0x3FD9]  }
0x89: {  	s3 =	sld [smem:$0x3FFE];
	_ =	sdelay $0x1  }
0x8a: {  	s1 =	srdreg.scid  }
0x8b: {  	s0 =	sand.u32 $0x1, s1  }
0x8c: {  	s17 =	sshll.u32 s0, $0xA;
	s2 =	sadd.s32 s3, s2  }
0x8d: {  	s2 =	sadd.s32 s2, s17  }
0x8e: {  	[smem:$0x3FC6] =	sst s2  }
0x8f: {  	_ = 	snop  }
0x90: {  	s2 =	sld [smem:$0x3FC9]  }
0x91: {  	s18 =	sld [smem:$0x3FD0];
	(tm) =	ssettm $0x1  }
0x92: {  	s4 =	sld [smem:$0x3FFB];
	_ =	sdelay $0x3  }
0x93: {  	_ =	strace s4  }
0x94: {  	s4 =	sld [smem:$0x3FFC];
	_ =	sdelay $0x3  }
0x95: {  	_ =	strace s4  }
0x96: {  	s4 =	sld [smem:$0x3FFD];
	_ =	sdelay $0x3  }
0x97: {  	_ =	strace s4  }
0x98: {  	_ =	strace $0x8FFFFFFF  }
0x99: {  	s19 =	sld [smem:$0x3FDB];
	_ =	sdelay $0x1  }
0x9a: {  	s5 =	simm.s32 $_scs_section_size  }
0x9b: {  	s6 =	simm.s32 $_size__tile_overlayer_lowered;
	s7 =	simm.s32 $_tile_overlayer_lowered  }
0x9c: {  	s22 =	simm.s32 $0x1BFF;
	s21 =	sshll.u32 s7, $0x1;
	s4 =	sadd.s32 s5, s19  }
0x9d: {  	s8 =	simm.s32 $0x0;
	s20 =	sshll.u32 s6, $0x1;
	s6 =	sadd.s32 s21, s4  }
0x9e: {  	[timem:s8], [sflag:s22] =	dma.local [hbm:s6], s20  }
0x9f: {  	_ =	swait.ge [sflag:s22], s20  }
0xa0: {  	s5 =	ssub.s32 $0x0, s20;
	[sflag:s22] =	ssyncset.done $0x0  }
0xa1: {  	[sflag:s22] =	ssyncadd.s32 s5;
	_ =	sdelay $0x1  }
0xa2: {  	s23 =	simm.s32 $0x1B8B  }
0xa3: {  	_ =	swait.ge [sflag:s23], $0x1  }
0xa4: {  	[sflag:s23] =	ssyncset.done $0x0  }
0xa5: {  	s25 =	simm.s32 $0x1B8E;
	s24 =	sld [smem:$0x3FFE];
	[sflag:s23] =	ssyncadd.s32 $0xFFFFFFFF  }
0xa6: {  	s26 =	simm.s32 $execute0_lowered;
	[smem:$0x3FD2] =	sst s25  }
0xa7: {  	s6 =	sshll.u32 s26, $0x1;
	_ =	strace $0x80000046;
	[dreg:$0x1] =	wrdreg $0xFFFFFFFF  }
0xa8: {  	s28 =	simm.s32 $_size_execute0_lowered;
	s4 =	sadd.s32 s4, s6;
	[dreg:$0x0] =	wrdreg $0x0  }
0xa9: {  	s6 =	sshll.u32 s28, $0x1;
	[dreg:$0x2] =	wrdreg s4  }
0xaa: {  	[dreg:$0x3] =	wrdreg s6  }
0xab: {  	[dreg:$0x4] =	wrdreg $0xC0  }
0xac: {  	_ =	task [dreg:s8], $0x5FFFF  }
0xad: {  	[dreg:$0x1] =	wrdreg $0xFFFFFFFF  }
0xae: {  	[dreg:$0x0] =	wrdreg $0x60  }
0xaf: {  	[dreg:$0x2] =	wrdreg s2  }
0xb0: {  	[dreg:$0x3] =	wrdreg s24  }
0xb1: {  	[dreg:$0x4] =	wrdreg s18  }
0xb2: {  	[dreg:$0x5] =	wrdreg $0x9  }
0xb3: {  	_ =	task.clear_ibuf [dreg:s8], $0x6FFFF;
	_ =	strace $0x90000046  }
0xb4: {  	s29 =	simm.s32 $0x9;
	_ =	strace $0x80000048  }
0xb5: {  	_ =	swait.ge [sflag:s29], $0x1  }
0xb6: {  	[sflag:s29] =	ssyncadd.s32 $0xFFFFFFFF  }
0xb7: {  	_ =	strace $0x90000048  }
0xb8: {  	_ =	sfence  }
0xb9: {  	s30 =	sld [smem:$0x0];
	_ =	sdelay $0x2  }
0xba: {  	s31 =	sshll.u32 s1, $0xD;
	s1 =	sshrl.u32 s1, $0x2  }
0xbb: {  	s3 =	sand.u32 $0x4000, s31;
	s1 =	sadd.s32 s1, s30  }
0xbc: {  	s0 =	sor.u32 s3, s0;
	s1 =	sshll.u32 s1, $0x11  }
0xbd: {  	s0 =	sor.u32 s1, s0  }
0xbe: {  	s0 =	sadd.s32 $0x8F2B, s0  }
0xbf: {  	[sflag:s0] =	ssyncadd.remote.s32 $0x1  }
0xc0: {  	_ =	sfence.sel $0xFFFF  }
0xc1: {  	[dreg:$0x0] =	wrdreg $0xFFFFFFFF;
	(pc) =	sbr.abs _section_cstart, $3  }
0xc2: {  	[dreg:$0x1] =	wrdreg $0xFFFFFFFF  }
0xc3: {  	_ =	task.clear_ibuf [dreg:s8], $0x2FFFF;
	_ =	strace $0x9FFFFFFF  }
0xc4: {  	(tm) =	ssettm $0x7FFFFFFF  }
0xc5: {  	_ =	shalt  }
tec
execute0_lowered:
.L_overlay_start_1:
0x0: {  	(tag) =	ssettag $0x1  }
0x1: {  	s0 =	srdreg.scid;
	s31 =	rddreg [dreg:$0x0]  }
0x2: {  	s1 =	stileid.u32;
	s2 =	rddreg [dreg:$0x1]  }
0x3: {  	s6 =	simm.s32 $0x0;
	s11 =	simm.s32 $0x10200;
	s13 =	simm.s32 $0x80  }
0x4: {  	s17 =	simm.s32 $0x200;
	s0 =	sand.u32 $0x1, s0;
	s1 =	sshll.u32 s1, $0x1  }
0x5: {  	s19 =	simm.s32 $0x1;
	[smem:$0x7FF] =	sst s6;
	s1 =	sor.u32 s0, s1  }
0x6: {  	s20 =	simm.s32 $0x6;
	_ =	strace $0x80000047;
	s3 =	smul.u32 $0x6400, s1  }
0x7: {  	v0 =	vlaneseq.u32;
	s0 =	ssub.s32 $0x2, s0;
	s4 =	sshll.u32 s1, $0xD;
	s5 =	smul.u32 $0x320, s1  }
0x8: {  	v0 =	vmul.u32 $0x40, v0;
	s26 =	sshrl.u32 s0, $0x1;
	s4 =	sand.u32 $0x6000, s4;
	s3 =	sand.u32 $0xF8000, s3  }
0x9: {  	s0 =	ssub.s32 s0, s26;
	s25 =	sand.u32 $0x380, s5;
	s3 =	sor.u32 s4, s3  }
0xa: {  	v1 =	vor.u32 $0x400, v0;
	v2 =	vor.u32 $0x800, v0;
	v3 =	vor.u32 $0xC00, v0;
	s5 =	sadd.s32 $0xF42A00, s2;
	s2 =	sadd.s32 $0x600, s2;
	s3 =	sor.u32 s25, s3  }
0xb: {  	v4 =	vor.u32 $0x1000, v0;
	v5 =	vor.u32 $0x1400, v0;
	v6 =	vor.u32 $0x1800, v0;
	s0 =	smax.u32 s0, $0x1;
	[dreg:$0x4] =	wrdreg s2;
	s3 =	sshrl.u32 s3, $0x3  }
0xc: {  	s21 =	simm.s32 $0x4200;
	v7 =	vor.u32 $0x1C00, v0;
	v8 =	vor.u32 $0x2000, v0;
	v9 =	vor.u32 $0x2400, v0;
	[dreg:$0x7] =	wrdreg s0;
	s29 =	sadd.s32 s31, s3  }
0xd: {  	s28 =	simm.s32 $0x2;
	v10 =	vor.u32 $0x2800, v0;
	v11 =	vor.u32 $0x2C00, v0;
	v12 =	vor.u32 $0x3000, v0;
	[dreg:$0x5] =	wrdreg s29;
	s30 =	sadd.s32 $0x100, s29  }
0xe: {  	s8 =	smul.u32 $0x64, s1;
	v13 =	vor.u32 $0x3400, v0;
	v14 =	vor.u32 $0x3800, v0;
	v15 =	vor.u32 $0x3C00, v0;
	s2 =	simm.s32 $0x0;
	[dreg:$0x6] =	wrdreg s30  }
.LBB2_1:
0xf: {  	[dreg:$0x8] =	wrdreg s2  }
0x10: {  	s0 =	simm.s32 $0x0;
	s1 =	rddreg [dreg:$0x4];
	s23 =	simm.s32 $0x7  }
0x11: {  	[tilespmem:s11], [sflag:$0x7] =	stream.linear.gather [hbm4b:s1+s0], $0x3200, $0x38;
	[tilespmem:$0x13400] =	vst v63  }
0x12: {  	_ =	swait.ge [sflag:s23], $0x3200  }
0x13: {  	[sflag:s23] =	ssyncset.done $0x0  }
0x14: {  	s25 =	simm.s32 $0x400;
	s24 =	rddreg [dreg:$0x5];
	[sflag:s23] =	ssyncadd.s32 $0xFFFFCE00  }
0x15: {  	[tilespmem:s0], [sflag:$0x5] =	stream.strided.gather [hbm4b:s24+s13], $0x100, s25, s13, $0x38;
	[tilespmem:$0x13400] =	vst v63  }
0x16: {  	s3 =	simm.s32 $0x100;
	s29 =	simm.s32 $0x5;
	s26 =	rddreg [dreg:$0x6]  }
0x17: {  	[tilespmem:s3], [sflag:$0x6] =	stream.strided.gather [hbm4b:s26+s13], $0x100, s25, s13, $0x38;
	[tilespmem:$0x13400] =	vst v63  }
0x18: {  	_ =	swait.ge [sflag:s29], $0x100  }
0x19: {  	[sflag:s29] =	ssyncset.done $0x0  }
0x1a: {  	[sflag:s29] =	ssyncadd.s32 $0xFFFFFF00  }
0x1b: {  	[tilespmem:s17], [sflag:$0x1] =	stream.indirect.gather [hbm4b:s5+s13], $0x40, s0, s13, $0xb8;
	[tilespmem:$0x13400] =	vst v63  }
0x1c: {  	s30 =	simm.s32 $0x2200;
	s0 =	simm.s32 $0x0  }
0x1d: {  	[tilespmem:s30], [sflag:$0x1] =	stream.indirect.gather [hbm4b:s5+s13], $0x40, s13, s13, $0xb8;
	[tilespmem:$0x13400] =	vst v63  }
.LBB2_2:
0x1e: {  	_ =	swait.ge [sflag:s19], $0x2000  }
0x1f: {  	s2 =	sshll.u32 s0, $0x1;
	[sflag:s19] =	ssyncset.done $0x0  }
0x20: {  	p0 =	seq.s32 s0, $0x31;
	s18 =	sadd.s32 s8, s2;
	[sflag:s19] =	ssyncadd.s32 $0xFFFFE000  }
0x21: {  	s6 =	simm.s32 @!p0 $0x0;
	s1 =	sadd.s32 @!p0 $0x2, s18;
	_ =	swait.ge [sflag:s19], $0x2000  }
0x22: {  	s3 =	sshll.u32 @!p0 s1, $0x5;
	s4 =	sshll.u32 @!p0 s1, $0x8;
	s1 =	sand.u32 @!p0 $0x70, s1  }
0x23: {  	s3 =	sand.u32 @!p0 $0xFFFF000, s3;
	s4 =	sand.u32 @!p0 $0xE00, s4;
	[sflag:s19] =	ssyncset.done $0x0  }
0x24: {  	s1 =	sadd.s32 @!p0 s31, s1;
	s3 =	sor.u32 @!p0 s4, s3;
	[sflag:s19] =	ssyncadd.s32 $0xFFFFE000  }
0x25: {  	s4 =	simm.s32 @!p0 $0x400;
	s1 =	sadd.s32 @!p0 s3, s1;
	s3 =	simm.s32 @!p0 $0x80  }
0x26: {  	[tilespmem:s6], [sflag:$0x5] =	stream.strided.gather @!p0 [hbm4b:s1+s3], $0x100, s4, s3, $0x38;
	[tilespmem:$0x13400] =	vst v63  }
0x27: {  	s3 =	simm.s32 $0x3  }
0x28: {  	s7 =	simm.s32 $0x180;
	s4 =	simm.s32 $0x1;
	_ =	swait.ge [sflag:s20], $0x100;
	v16 =	vmov s3  }
0x29: {  	p1 =	seq.s32 s0, $0x0;
	s12 =	simm.s32 $0x2;
	v17 =	vmov s4;
	[sflag:s20] =	ssyncset.done $0x0;
	v16 =	vand.u32 $0x3F, v16  }
0x2a: {  	s14 =	sshrl.u32 s18, $0x4;
	s6 =	simm.s32 $0x100;
	v17 =	vand.u32 $0x3D, v17;
	[sflag:s20] =	ssyncadd.s32 $0xFFFFFF00;
	v31 =	vbroadcast v16, $0x0  }
0x2b: {  	v30 =	vbroadcast v17, $0x0;
	[tilespmem:s21], [sflag:$0x2] =	stream.indirect.gather [hbm4b:s5+s13], $0x40, s6, s13, $0xb8;
	[tilespmem:$0x13400] =	vst v63  }
0x2c: {  	s9 =	simm.s32 $0x6200;
	s10 =	sshll.u32 s14, $0x6;
	s4 =	simm.s32 @!p1 $0x3;
	v17 =	vmov s12;
	v16 =	vor.u32 v0, v31  }
0x2d: {  	v33 =	vmov s10;
	v17 =	vand.u32 $0x3E, v17;
	v19 =	vor.u32 v0, v30;
	[tilespmem:s9], [sflag:$0x2] =	stream.indirect.gather [hbm4b:s5+s13], $0x40, s7, s13, $0xb8;
	[tilespmem:$0x13400] =	vst v63  }
0x2e: {  	v20 =	vor.u32 v33, v31;
	v18 =	vbroadcast v17, $0x0;
	_ =	swait.ge @!p1 [sflag:s4], $0x4000  }
0x2f: {  	s15 =	simm.s32 $0x0;
	v21 =	vor.u32 v33, v30;
	[sflag:s4] =	ssyncset.done @!p1 $0x0  }
0x30: {  	v17 =	vmov s15;
	v22 =	vor.u32 v0, v18;
	[sflag:s4] =	ssyncadd.s32 @!p1 $0xFFFFC000  }
0x31: {  	v17 =	vand.u32 $0x3C, v17;
	v16 =	vld.idx.msk [tilespmem:v16+s17+$0x0], $0xffff  }
0x32: {  	v17 =	vbroadcast v17, $0x0;
	v23 =	vld.idx.msk [tilespmem:v19+s17+$0x0], $0xffff;
	v19 =	vor.u32 v33, v18  }
0x33: {  	v28 =	vld.idx.msk [tilespmem:v20+s11+$0x0], $0xffff  }
0x34: {  	v20 =	vor.u32 v0, v17;
	v29 =	vld.idx.msk [tilespmem:v21+s11+$0x0], $0xffff  }
0x35: {  	v24 =	vor.u32 v33, v17;
	v21 =	vld.idx.msk [tilespmem:v22+s17+$0x0], $0xffff  }
0x36: {  	v22 =	vor.u32 v1, v31;
	v16 =	vmul.f32 $8.000000000e+00, v16  }
0x37: {  	s16 =	simm.s32 $0x180;
	s1 =	sand.u32 $0x3800, s15;
	v25 =	vor.u32 v1, v30;
	v19 =	vld.idx.msk [tilespmem:v19+s11+$0x0], $0xffff;
	v23 =	vmul.f32 $8.000000000e+00, v23  }
0x38: {  	s22 =	simm.s32 $0x80;
	s1 =	sor.u32 $0x8200, s1;
	s3 =	sand.u32 $0x380, s16;
	v16 =	vadd.f32 v16, v28  }
0x39: {  	s23 =	sand.u32 $0x280, s22;
	s16 =	sadd.s32 s3, s1;
	v20 =	vld.idx.msk [tilespmem:v20+s17+$0x0], $0xffff;
	v23 =	vadd.f32 v23, v29  }
0x3a: {  	s30 =	sadd.s32 s23, s1;
	v26 =	vor.u32 v1, v18;
	v21 =	vmul.f32 $8.000000000e+00, v21;
	[tilespmem:s16+$0x0] =	vst v16;
	v16 =	vld.idx.msk [tilespmem:v24+s11+$0x0], $0xffff  }
0x3b: {  	s24 =	simm.s32 $0x100;
	[tilespmem:s30+$0x0] =	vst v23;
	v22 =	vld.idx.msk [tilespmem:v22+s17+$0x0], $0xffff  }
0x3c: {  	s3 =	sand.u32 $0x300, s24;
	v21 =	vadd.f32 v21, v19;
	v23 =	vld.idx.msk [tilespmem:v25+s17+$0x0], $0xffff  }
0x3d: {  	s6 =	sadd.s32 s3, s1  }
0x3e: {  	v24 =	vor.u32 v1, v17;
	v20 =	vmul.f32 $8.000000000e+00, v20;
	[tilespmem:s6+$0x0] =	vst v21  }
0x3f: {  	s26 =	simm.s32 $0x0;
	v21 =	vld.idx.msk [tilespmem:v26+s17+$0x0], $0xffff  }
0x40: {  	s3 =	sand.u32 $0x200, s26;
	v25 =	vor.u32 v2, v31;
	v20 =	vadd.f32 v20, v16;
	v22 =	vmul.f32 $8.000000000e+00, v22  }
0x41: {  	s9 =	sadd.s32 s3, s1;
	v26 =	vor.u32 v2, v30;
	v23 =	vmul.f32 $8.000000000e+00, v23  }
0x42: {  	[tilespmem:s9+$0x0] =	vst v20;
	v22 =	vadd.f32 v22, v28  }
0x43: {  	v20 =	vld.idx.msk [tilespmem:v24+s17+$0x0], $0xffff;
	v23 =	vadd.f32 v23, v29  }
0x44: {  	v21 =	vmul.f32 $8.000000000e+00, v21;
	[tilespmem:s16+$0x10] =	vst v22;
	v22 =	vor.u32 v2, v18  }
0x45: {  	[tilespmem:s30+$0x10] =	vst v23;
	v24 =	vld.idx.msk [tilespmem:v25+s17+$0x0], $0xffff  }
0x46: {  	v21 =	vadd.f32 v21, v19;
	v23 =	vld.idx.msk [tilespmem:v26+s17+$0x0], $0xffff;
	_ =	sdelay $0x1  }
0x47: {  	v25 =	vor.u32 v2, v17;
	v20 =	vmul.f32 $8.000000000e+00, v20;
	[tilespmem:s6+$0x10] =	vst v21  }
0x48: {  	v21 =	vld.idx.msk [tilespmem:v22+s17+$0x0], $0xffff  }
0x49: {  	v20 =	vadd.f32 v20, v16;
	v22 =	vmul.f32 $8.000000000e+00, v24;
	v24 =	vor.u32 v3, v31  }
0x4a: {  	v26 =	vor.u32 v3, v30;
	v23 =	vmul.f32 $8.000000000e+00, v23  }
0x4b: {  	[tilespmem:s9+$0x10] =	vst v20;
	v22 =	vadd.f32 v22, v28  }
0x4c: {  	v20 =	vld.idx.msk [tilespmem:v25+s17+$0x0], $0xffff;
	v23 =	vadd.f32 v23, v29  }
0x4d: {  	[tilespmem:s16+$0x20] =	vst v22;
	v21 =	vmul.f32 $8.000000000e+00, v21;
	v22 =	vor.u32 v3, v18  }
0x4e: {  	[tilespmem:s30+$0x20] =	vst v23;
	v24 =	vld.idx.msk [tilespmem:v24+s17+$0x0], $0xffff  }
0x4f: {  	v23 =	vld.idx.msk [tilespmem:v26+s17+$0x0], $0xffff;
	v21 =	vadd.f32 v21, v19;
	_ =	sdelay $0x1  }
0x50: {  	v25 =	vor.u32 v3, v17;
	v20 =	vmul.f32 $8.000000000e+00, v20;
	[tilespmem:s6+$0x20] =	vst v21  }
0x51: {  	v21 =	vld.idx.msk [tilespmem:v22+s17+$0x0], $0xffff  }
0x52: {  	v20 =	vadd.f32 v20, v16;
	v22 =	vmul.f32 $8.000000000e+00, v24;
	v24 =	vor.u32 v4, v31  }
0x53: {  	v26 =	vor.u32 v4, v30;
	v23 =	vmul.f32 $8.000000000e+00, v23  }
0x54: {  	[tilespmem:s9+$0x20] =	vst v20;
	v22 =	vadd.f32 v22, v28  }
0x55: {  	v20 =	vld.idx.msk [tilespmem:v25+s17+$0x0], $0xffff;
	v23 =	vadd.f32 v23, v29  }
0x56: {  	[tilespmem:s16+$0x30] =	vst v22;
	v21 =	vmul.f32 $8.000000000e+00, v21;
	v22 =	vor.u32 v4, v18  }
0x57: {  	[tilespmem:s30+$0x30] =	vst v23;
	v24 =	vld.idx.msk [tilespmem:v24+s17+$0x0], $0xffff  }
0x58: {  	v23 =	vld.idx.msk [tilespmem:v26+s17+$0x0], $0xffff;
	v21 =	vadd.f32 v21, v19;
	_ =	sdelay $0x1  }
0x59: {  	v25 =	vor.u32 v4, v17;
	v20 =	vmul.f32 $8.000000000e+00, v20;
	[tilespmem:s6+$0x30] =	vst v21  }
0x5a: {  	v22 =	vld.idx.msk [tilespmem:v22+s17+$0x0], $0xffff  }
0x5b: {  	v20 =	vadd.f32 v20, v16;
	v21 =	vmul.f32 $8.000000000e+00, v24;
	v24 =	vor.u32 v5, v31  }
0x5c: {  	s29 =	simm.s32 $0x4;
	v23 =	vmul.f32 $8.000000000e+00, v23  }
0x5d: {  	s25 =	smov.u32 s31;
	v27 =	vmov s29;
	s31 =	simm.s32 $0x5;
	v26 =	vor.u32 v5, v30;
	[tilespmem:s9+$0x30] =	vst v20;
	v21 =	vadd.f32 v21, v28  }
0x5e: {  	v20 =	vand.u32 $0x3C, v27;
	v27 =	vmov s31;
	v25 =	vld.idx.msk [tilespmem:v25+s17+$0x0], $0xffff;
	v23 =	vadd.f32 v23, v29  }
0x5f: {  	[tilespmem:s16+$0x40] =	vst v21;
	v21 =	vbroadcast v20, $0x0;
	v20 =	vmul.f32 $8.000000000e+00, v22;
	v22 =	vor.u32 v5, v18  }
0x60: {  	v27 =	vand.u32 $0x3D, v27;
	v24 =	vld.idx.msk [tilespmem:v24+s17+$0x0], $0xffff  }
0x61: {  	[tilespmem:s30+$0x40] =	vst v23;
	v23 =	vbroadcast v27, $0x0;
	v27 =	vor.u32 v33, v21;
	v20 =	vadd.f32 v20, v19  }
0x62: {  	v32 =	vld.idx.msk [tilespmem:v26+s17+$0x0], $0xffff;
	v34 =	vor.u32 v0, v21  }
0x63: {  	s3 =	simm.s32 $0x7;
	v36 =	vor.u32 v5, v17;
	v25 =	vmul.f32 $8.000000000e+00, v25;
	[tilespmem:s6+$0x40] =	vst v20  }
0x64: {  	v37 =	vor.u32 v6, v31;
	v39 =	vor.u32 v0, v23;
	v20 =	vld.idx.msk [tilespmem:v22+s17+$0x0], $0xffff;
	v22 =	vmov s3  }
0x65: {  	v25 =	vadd.f32 v25, v16;
	v24 =	vmul.f32 $8.000000000e+00, v24;
	v26 =	vand.u32 $0x3F, v22  }
0x66: {  	v38 =	vor.u32 v6, v30;
	s4 =	simm.s32 $0x6;
	v35 =	vor.u32 v33, v23;
	v22 =	vld.idx.msk [tilespmem:v27+s11+$0x0], $0xffff;
	v26 =	vbroadcast v26, $0x0  }
0x67: {  	v52 =	vmov s4;
	v27 =	vmul.f32 $8.000000000e+00, v32;
	v34 =	vld.idx.msk [tilespmem:v34+s17+$0x0], $0xffff;
	[tilespmem:s9+$0x40] =	vst v25;
	v24 =	vadd.f32 v24, v28  }
0x68: {  	v40 =	vor.u32 v6, v18;
	v25 =	vand.u32 $0x3E, v52;
	v53 =	vld.idx.msk [tilespmem:v36+s17+$0x0], $0xffff;
	v54 =	vor.u32 v0, v26  }
0x69: {  	v39 =	vld.idx.msk [tilespmem:v39+s17+$0x0], $0xffff;
	v25 =	vbroadcast v25, $0x0;
	v27 =	vadd.f32 v27, v29;
	[tilespmem:s16+$0x50] =	vst v24;
	v24 =	vmul.f32 $8.000000000e+00, v20  }
0x6a: {  	v55 =	vor.u32 v33, v26;
	v37 =	vld.idx.msk [tilespmem:v37+s17+$0x0], $0xffff  }
0x6b: {  	v20 =	vld.idx.msk [tilespmem:v35+s11+$0x0], $0xffff;
	v41 =	vor.u32 v0, v25;
	[tilespmem:s30+$0x50] =	vst v27;
	v24 =	vadd.f32 v24, v19  }
0x6c: {  	v42 =	vor.u32 v33, v25;
	v38 =	vld.idx.msk [tilespmem:v38+s17+$0x0], $0xffff  }
0x6d: {  	v56 =	vor.u32 v6, v17;
	v27 =	vmul.f32 $8.000000000e+00, v53;
	[tilespmem:s6+$0x50] =	vst v24;
	v36 =	vld.idx.msk [tilespmem:v54+s17+$0x0], $0xffff  }
0x6e: {  	v40 =	vld.idx.msk [tilespmem:v40+s17+$0x0], $0xffff  }
0x6f: {  	v57 =	vor.u32 v7, v31;
	v43 =	vadd.f32 v27, v16;
	v27 =	vld.idx.msk [tilespmem:v55+s11+$0x0], $0xffff;
	v24 =	vmul.f32 $8.000000000e+00, v37  }
0x70: {  	v58 =	vld.idx.msk [tilespmem:v41+s17+$0x0], $0xffff  }
0x71: {  	v59 =	vor.u32 v7, v30;
	v38 =	vmul.f32 $8.000000000e+00, v38;
	[tilespmem:s9+$0x50] =	vst v43;
	v44 =	vadd.f32 v24, v28;
	v24 =	vld.idx.msk [tilespmem:v42+s11+$0x0], $0xffff  }
0x72: {  	s22 =	simm.s32 $0x400;
	v60 =	vor.u32 v1, v26;
	v32 =	vld.idx.msk [tilespmem:v56+s17+$0x0], $0xffff;
	v36 =	vmul.f32 $8.000000000e+00, v36  }
0x73: {  	s23 =	simm.s32 $0x380;
	s7 =	sand.u32 $0x3800, s22;
	v62 =	vor.u32 v1, v23;
	v39 =	vmul.f32 $8.000000000e+00, v39;
	v38 =	vadd.f32 v38, v29;
	[tilespmem:s16+$0x60] =	vst v44  }
0x74: {  	s10 =	sand.u32 $0x380, s23;
	s12 =	simm.s32 $0x280;
	v61 =	vor.u32 v7, v18;
	s1 =	sor.u32 $0x8200, s7;
	v40 =	vmul.f32 $8.000000000e+00, v40;
	v37 =	vld.idx.msk [tilespmem:v57+s17+$0x0], $0xffff;
	v36 =	vadd.f32 v36, v27  }
0x75: {  	s7 =	sadd.s32 s10, s1;
	s4 =	sand.u32 $0x280, s12;
	v63 =	vor.u32 v1, v25;
	v39 =	vadd.f32 v39, v20;
	v35 =	vmul.f32 $8.000000000e+00, v58;
	[tilespmem:s30+$0x60] =	vst v38  }
0x76: {  	s15 =	simm.s32 $0x300;
	s10 =	sadd.s32 s4, s1;
	v45 =	vor.u32 v1, v21;
	v34 =	vmul.f32 $8.000000000e+00, v34;
	v41 =	vld.idx.msk [tilespmem:v59+s17+$0x0], $0xffff;
	v40 =	vadd.f32 v40, v19;
	[tilespmem:s7+$0x0] =	vst v36  }
0x77: {  	v46 =	vor.u32 v7, v17;
	s12 =	simm.s32 $0x200;
	s3 =	sand.u32 $0x300, s15;
	[tilespmem:s10+$0x0] =	vst v39;
	v32 =	vmul.f32 $8.000000000e+00, v32;
	v35 =	vadd.f32 v35, v24;
	v42 =	vld.idx.msk [tilespmem:v60+s17+$0x0], $0xffff  }
0x78: {  	s24 =	sand.u32 $0x200, s12;
	s12 =	sadd.s32 s3, s1;
	v34 =	vadd.f32 v34, v22;
	v49 =	vld.idx.msk [tilespmem:v62+s17+$0x0], $0xffff;
	[tilespmem:s6+$0x60] =	vst v40  }
0x79: {  	v48 =	vor.u32 v8, v31;
	s4 =	sadd.s32 s24, s1;
	v47 =	vld.idx.msk [tilespmem:v61+s17+$0x0], $0xffff;
	v32 =	vadd.f32 v32, v16;
	[tilespmem:s12+$0x0] =	vst v35;
	v37 =	vmul.f32 $8.000000000e+00, v37  }
0x7a: {  	[tilespmem:s4+$0x0] =	vst v34;
	v50 =	vld.idx.msk [tilespmem:v63+s17+$0x0], $0xffff  }
0x7b: {  	v52 =	vor.u32 v8, v30;
	v53 =	vld.idx.msk [tilespmem:v45+s17+$0x0], $0xffff;
	v51 =	vmul.f32 $8.000000000e+00, v41;
	[tilespmem:s9+$0x60] =	vst v32;
	v37 =	vadd.f32 v37, v28  }
0x7c: {  	v55 =	vor.u32 v2, v26;
	v36 =	vld.idx.msk [tilespmem:v46+s17+$0x0], $0xffff;
	v54 =	vmul.f32 $8.000000000e+00, v42  }
0x7d: {  	v58 =	vor.u32 v2, v23;
	v43 =	vmul.f32 $8.000000000e+00, v49;
	v35 =	vadd.f32 v51, v29;
	[tilespmem:s16+$0x70] =	vst v37  }
0x7e: {  	v57 =	vor.u32 v8, v18;
	v56 =	vmul.f32 $8.000000000e+00, v47;
	v40 =	vld.idx.msk [tilespmem:v48+s17+$0x0], $0xffff;
	v32 =	vadd.f32 v54, v27  }
0x7f: {  	v59 =	vor.u32 v2, v25;
	v43 =	vadd.f32 v43, v20;
	[tilespmem:s30+$0x70] =	vst v35;
	v34 =	vmul.f32 $8.000000000e+00, v50  }
0x80: {  	v60 =	vmul.f32 $8.000000000e+00, v53;
	v61 =	vor.u32 v2, v21;
	v35 =	vld.idx.msk [tilespmem:v52+s17+$0x0], $0xffff;
	v37 =	vadd.f32 v56, v19;
	[tilespmem:s7+$0x10] =	vst v32  }
0x81: {  	v62 =	vor.u32 v8, v17;
	[tilespmem:s10+$0x10] =	vst v43;
	v34 =	vadd.f32 v34, v24;
	v36 =	vmul.f32 $8.000000000e+00, v36;
	v42 =	vld.idx.msk [tilespmem:v55+s17+$0x0], $0xffff  }
0x82: {  	v44 =	vld.idx.msk [tilespmem:v58+s17+$0x0], $0xffff;
	v32 =	vadd.f32 v60, v22;
	[tilespmem:s6+$0x70] =	vst v37  }
0x83: {  	v63 =	vor.u32 v9, v31;
	v39 =	vld.idx.msk [tilespmem:v57+s17+$0x0], $0xffff;
	[tilespmem:s12+$0x10] =	vst v34;
	v48 =	vadd.f32 v36, v16;
	v40 =	vmul.f32 $8.000000000e+00, v40  }
0x84: {  	[tilespmem:s4+$0x10] =	vst v32;
	v49 =	vld.idx.msk [tilespmem:v59+s17+$0x0], $0xffff  }
0x85: {  	v50 =	vor.u32 v9, v30;
	v52 =	vld.idx.msk [tilespmem:v61+s17+$0x0], $0xffff;
	v35 =	vmul.f32 $8.000000000e+00, v35;
	[tilespmem:s9+$0x70] =	vst v48;
	v51 =	vadd.f32 v40, v28  }
0x86: {  	v54 =	vor.u32 v3, v26;
	v37 =	vld.idx.msk [tilespmem:v62+s17+$0x0], $0xffff;
	v53 =	vmul.f32 $8.000000000e+00, v42  }
0x87: {  	v58 =	vmul.f32 $8.000000000e+00, v44;
	v59 =	vor.u32 v3, v23;
	v35 =	vadd.f32 v35, v29;
	[tilespmem:s16+$0x400] =	vst v51  }
0x88: {  	v56 =	vor.u32 v9, v18;
	v55 =	vmul.f32 $8.000000000e+00, v39;
	v57 =	vld.idx.msk [tilespmem:v63+s17+$0x0], $0xffff;
	v34 =	vadd.f32 v53, v27  }
0x89: {  	v43 =	vadd.f32 v58, v20;
	v61 =	vor.u32 v3, v25;
	[tilespmem:s30+$0x400] =	vst v35;
	v32 =	vmul.f32 $8.000000000e+00, v49  }
0x8a: {  	v62 =	vmul.f32 $8.000000000e+00, v52;
	v63 =	vor.u32 v3, v21;
	v35 =	vld.idx.msk [tilespmem:v50+s17+$0x0], $0xffff;
	v60 =	vadd.f32 v55, v19;
	[tilespmem:s7+$0x20] =	vst v34  }
0x8b: {  	[tilespmem:s10+$0x20] =	vst v43;
	v49 =	vor.u32 v9, v17;
	v32 =	vadd.f32 v32, v24;
	v48 =	vmul.f32 $8.000000000e+00, v37;
	v41 =	vld.idx.msk [tilespmem:v54+s17+$0x0], $0xffff  }
0x8c: {  	v44 =	vld.idx.msk [tilespmem:v59+s17+$0x0], $0xffff;
	v34 =	vadd.f32 v62, v22;
	[tilespmem:s6+$0x400] =	vst v60  }
0x8d: {  	s29 =	simm.s32 $0x9;
	s26 =	simm.s32 $0x8;
	v50 =	vor.u32 v10, v31;
	v39 =	vld.idx.msk [tilespmem:v56+s17+$0x0], $0xffff;
	[tilespmem:s12+$0x20] =	vst v32;
	v52 =	vadd.f32 v48, v16;
	v42 =	vmul.f32 $8.000000000e+00, v57  }
0x8e: {  	v45 =	vmov s29;
	v46 =	vor.u32 v4, v26;
	v51 =	vmov s26;
	[tilespmem:s4+$0x20] =	vst v34;
	v53 =	vld.idx.msk [tilespmem:v61+s17+$0x0], $0xffff  }
0x8f: {  	v54 =	vor.u32 v10, v30;
	v40 =	vld.idx.msk [tilespmem:v63+s17+$0x0], $0xffff;
	v35 =	vmul.f32 $8.000000000e+00, v35;
	[tilespmem:s9+$0x400] =	vst v52;
	v55 =	vadd.f32 v42, v28  }
0x90: {  	v58 =	vor.u32 v10, v18;
	v56 =	vand.u32 $0x3C, v51;
	v37 =	vld.idx.msk [tilespmem:v49+s17+$0x0], $0xffff;
	v41 =	vmul.f32 $8.000000000e+00, v41  }
0x91: {  	v60 =	vmul.f32 $8.000000000e+00, v44;
	v61 =	vor.u32 v4, v23;
	v35 =	vadd.f32 v35, v29;
	[tilespmem:s16+$0x410] =	vst v55  }
0x92: {  	v32 =	vbroadcast v56, $0x0;
	v57 =	vmul.f32 $8.000000000e+00, v39;
	v59 =	vld.idx.msk [tilespmem:v50+s17+$0x0], $0xffff;
	v41 =	vadd.f32 v41, v27  }
0x93: {  	v63 =	vor.u32 v4, v25;
	v43 =	vadd.f32 v60, v20;
	[tilespmem:s30+$0x410] =	vst v35;
	v34 =	vmul.f32 $8.000000000e+00, v53  }
0x94: {  	v52 =	vor.u32 v4, v21;
	v40 =	vmul.f32 $8.000000000e+00, v40;
	v35 =	vld.idx.msk [tilespmem:v54+s17+$0x0], $0xffff;
	v62 =	vadd.f32 v57, v19;
	[tilespmem:s7+$0x30] =	vst v41  }
0x95: {  	s31 =	simm.s32 $0xA;
	[tilespmem:s10+$0x30] =	vst v43;
	v54 =	vor.u32 v10, v17;
	v34 =	vadd.f32 v34, v24;
	v53 =	vmul.f32 $8.000000000e+00, v37;
	v46 =	vld.idx.msk [tilespmem:v46+s17+$0x0], $0xffff  }
0x96: {  	v47 =	vmov s31;
	v48 =	vor.u32 v33, v32;
	v44 =	vld.idx.msk [tilespmem:v61+s17+$0x0], $0xffff;
	v40 =	vadd.f32 v40, v22;
	[tilespmem:s6+$0x410] =	vst v62  }
0x97: {  	v55 =	vor.u32 v11, v31;
	v39 =	vld.idx.msk [tilespmem:v58+s17+$0x0], $0xffff;
	[tilespmem:s12+$0x30] =	vst v34;
	v56 =	vadd.f32 v53, v16;
	v42 =	vmul.f32 $8.000000000e+00, v59  }
0x98: {  	v60 =	vand.u32 $0x3E, v47;
	v61 =	vor.u32 v0, v32;
	v57 =	vor.u32 v11, v30;
	[tilespmem:s4+$0x30] =	vst v40;
	v38 =	vld.idx.msk [tilespmem:v63+s17+$0x0], $0xffff  }
0x99: {  	v59 =	vand.u32 $0x3D, v45;
	v41 =	vld.idx.msk [tilespmem:v52+s17+$0x0], $0xffff;
	v35 =	vmul.f32 $8.000000000e+00, v35;
	[tilespmem:s9+$0x410] =	vst v56;
	v58 =	vadd.f32 v42, v28  }
0x9a: {  	v49 =	vor.u32 v5, v26;
	v34 =	vbroadcast v59, $0x0;
	v37 =	vld.idx.msk [tilespmem:v54+s17+$0x0], $0xffff;
	v46 =	vmul.f32 $8.000000000e+00, v46  }
0x9b: {  	v44 =	vmul.f32 $8.000000000e+00, v44;
	v63 =	vor.u32 v5, v23;
	v50 =	vadd.f32 v35, v29;
	v35 =	vld.idx.msk [tilespmem:v48+s11+$0x0], $0xffff;
	[tilespmem:s16+$0x420] =	vst v58  }
0x9c: {  	v47 =	vor.u32 v6, v23;
	v52 =	vor.u32 v33, v34;
	v43 =	vld.idx.msk [tilespmem:v55+s17+$0x0], $0xffff;
	v51 =	vadd.f32 v46, v27  }
0x9d: {  	v62 =	vor.u32 v11, v18;
	v44 =	vadd.f32 v44, v20;
	v39 =	vmul.f32 $8.000000000e+00, v39;
	[tilespmem:s30+$0x420] =	vst v50;
	v46 =	vld.idx.msk [tilespmem:v61+s17+$0x0], $0xffff  }
0x9e: {  	v36 =	vbroadcast v60, $0x0;
	v60 =	vor.u32 v5, v25;
	v38 =	vmul.f32 $8.000000000e+00, v38;
	v55 =	vld.idx.msk [tilespmem:v57+s17+$0x0], $0xffff;
	[tilespmem:s7+$0x40] =	vst v51  }
0x9f: {  	v56 =	vor.u32 v5, v21;
	[tilespmem:s10+$0x40] =	vst v44;
	v41 =	vmul.f32 $8.000000000e+00, v41;
	v39 =	vadd.f32 v39, v19;
	v50 =	vld.idx.msk [tilespmem:v49+s17+$0x0], $0xffff  }
0xa0: {  	v40 =	vor.u32 v11, v17;
	v38 =	vadd.f32 v38, v24;
	v61 =	vmul.f32 $8.000000000e+00, v37;
	v49 =	vld.idx.msk [tilespmem:v63+s17+$0x0], $0xffff  }
0xa1: {  	v53 =	vor.u32 v33, v36;
	v41 =	vadd.f32 v41, v22;
	[tilespmem:s6+$0x420] =	vst v39;
	v37 =	vld.idx.msk [tilespmem:v52+s11+$0x0], $0xffff  }
0xa2: {  	v45 =	vor.u32 v12, v30;
	v42 =	vld.idx.msk [tilespmem:v62+s17+$0x0], $0xffff;
	[tilespmem:s12+$0x40] =	vst v38;
	v63 =	vadd.f32 v61, v16;
	v62 =	vmul.f32 $8.000000000e+00, v43  }
0xa3: {  	v54 =	vor.u32 v0, v34;
	[tilespmem:s4+$0x40] =	vst v41;
	v43 =	vor.u32 v12, v31;
	v51 =	vld.idx.msk [tilespmem:v60+s17+$0x0], $0xffff  }
0xa4: {  	s2 =	sor.u32 $0x1, s2;
	s1 =	simm.s32 $0xB;
	s26 =	simm.s32 $0xC;
	v41 =	vor.u32 v12, v18;
	v52 =	vld.idx.msk [tilespmem:v56+s17+$0x0], $0xffff;
	v48 =	vmul.f32 $8.000000000e+00, v55;
	[tilespmem:s9+$0x420] =	vst v63;
	v44 =	vadd.f32 v62, v28  }
.LBB2_3:
0xa5: {  	v39 =	vmul.f32 $8.000000000e+00, v50  }
0xa6: {  	v38 =	vmov s1;
	v50 =	vor.u32 v6, v26;
	[tilespmem:s16+$0x430] =	vst v44;
	v44 =	vmovc v28;
	v28 =	vmovc v27;
	v48 =	vadd.f32 v48, v29  }
0xa7: {  	p1 =	slt.u32 s26, $0x3C;
	v55 =	vld.idx.msk [tilespmem:v40+s17+$0x0], $0xffff;
	v56 =	vmul.f32 $8.000000000e+00, v42;
	v40 =	vmovc v17;
	v17 =	vmovc v21;
	v21 =	vmov v32;
	v32 =	vmov s26  }
0xa8: {  	v27 =	vand.u32 $0x3F, v38;
	v57 =	vld.idx.msk [tilespmem:v43+s17+$0x0], $0xffff;
	v32 =	vand.u32 $0x3C, v32;
	v58 =	vor.u32 v6, v17  }
0xa9: {  	v43 =	vmovc v30;
	v30 =	vmovc v23;
	v38 =	vld.idx.msk [tilespmem:v53+s11+$0x0], $0xffff;
	v42 =	vbroadcast v27, $0x0;
	v27 =	vmul.f32 $8.000000000e+00, v49;
	v39 =	vadd.f32 v39, v28  }
0xaa: {  	v23 =	vmov v34;
	v53 =	vor.u32 v0, v36;
	v49 =	vld.idx.msk [tilespmem:v54+s17+$0x0], $0xffff;
	[tilespmem:s30+$0x430] =	vst v48;
	v48 =	vadd.f32 v56, v19  }
0xab: {  	v51 =	vmul.f32 $8.000000000e+00, v51;
	v54 =	vor.u32 v0, v42;
	v27 =	vadd.f32 v27, v20;
	[tilespmem:s7+$0x50] =	vst v39;
	v39 =	vld.idx.msk [tilespmem:v45+s17+$0x0], $0xffff  }
0xac: {  	v60 =	vor.u32 v1, v21;
	v45 =	vmul.f32 $8.000000000e+00, v52;
	v52 =	vor.u32 v6, v25;
	v50 =	vld.idx.msk [tilespmem:v50+s17+$0x0], $0xffff;
	[tilespmem:s6+$0x430] =	vst v48  }
0xad: {  	v34 =	vor.u32 v33, v42;
	v48 =	vmul.f32 $8.000000000e+00, v55;
	[tilespmem:s10+$0x50] =	vst v27;
	v27 =	vadd.f32 v51, v24;
	v51 =	vld.idx.msk [tilespmem:v41+s17+$0x0], $0xffff  }
0xae: {  	s1 =	sadd.s32 $0x1, s26;
	v56 =	vor.u32 v13, v31;
	v45 =	vadd.f32 v45, v22;
	v55 =	vmul.f32 $8.000000000e+00, v57;
	v41 =	vmovc v18;
	v47 =	vld.idx.msk [tilespmem:v47+s17+$0x0], $0xffff  }
0xaf: {  	v59 =	vor.u32 v13, v43;
	v57 =	vmov s1;
	s1 =	sadd.s32 $0x2, s26;
	v18 =	vmovc v25;
	v53 =	vld.idx.msk [tilespmem:v53+s17+$0x0], $0xffff;
	[tilespmem:s12+$0x50] =	vst v27;
	v27 =	vadd.f32 v48, v16  }
0xb0: {  	v25 =	vmovc v36;
	v48 =	vmov s1;
	v55 =	vadd.f32 v55, v44;
	v54 =	vld.idx.msk [tilespmem:v54+s17+$0x0], $0xffff;
	[tilespmem:s4+$0x50] =	vst v45;
	v45 =	vor.u32 v12, v40  }
0xb1: {  	v36 =	vor.u32 v7, v17;
	v61 =	vor.u32 v13, v41;
	v62 =	vmul.f32 $8.000000000e+00, v39;
	v52 =	vld.idx.msk [tilespmem:v52+s17+$0x0], $0xffff;
	[tilespmem:s9+$0x430] =	vst v27  }
0xb2: {  	v27 =	vld.idx.msk [tilespmem:v34+s11+$0x0], $0xffff;
	v34 =	vmul.f32 $8.000000000e+00, v50;
	v50 =	vor.u32 v7, v26;
	[tilespmem:s16+$0x440] =	vst v55;
	v51 =	vmul.f32 $8.000000000e+00, v51  }
0xb3: {  	v39 =	vmov v16;
	v55 =	vadd.f32 v62, v29;
	v62 =	vor.u32 v7, v30;
	v56 =	vld.idx.msk [tilespmem:v56+s17+$0x0], $0xffff  }
0xb4: {  	v16 =	vmovc v22;
	v47 =	vmul.f32 $8.000000000e+00, v47;
	v58 =	vld.idx.msk [tilespmem:v58+s17+$0x0], $0xffff;
	v34 =	vadd.f32 v34, v28;
	v22 =	vadd.f32 v51, v19  }
0xb5: {  	v32 =	vbroadcast v32, $0x0;
	v63 =	vor.u32 v7, v18;
	v45 =	vld.idx.msk [tilespmem:v45+s17+$0x0], $0xffff;
	[tilespmem:s30+$0x440] =	vst v55  }
0xb6: {  	s22 =	sadd.s32 $0x400, s22;
	v51 =	vmul.f32 $8.000000000e+00, v54;
	v54 =	vor.u32 v1, v42;
	v47 =	vadd.f32 v47, v20;
	[tilespmem:s7+$0x60] =	vst v34;
	v34 =	vld.idx.msk [tilespmem:v59+s17+$0x0], $0xffff  }
0xb7: {  	s23 =	sadd.s32 $0x200, s23;
	s1 =	sand.u32 $0x3800, s22;
	v55 =	vor.u32 v1, v23;
	v59 =	vor.u32 v1, v25;
	v52 =	vmul.f32 $8.000000000e+00, v52;
	v50 =	vld.idx.msk [tilespmem:v50+s17+$0x0], $0xffff;
	[tilespmem:s6+$0x440] =	vst v22  }
0xb8: {  	v46 =	vmul.f32 $8.000000000e+00, v46;
	s15 =	sadd.s32 $0xFFFFFE80, s23;
	v49 =	vmul.f32 $8.000000000e+00, v49;
	s31 =	sor.u32 $0x8200, s1;
	s1 =	sand.u32 $0x380, s23;
	v51 =	vadd.f32 v51, v27;
	[tilespmem:s10+$0x60] =	vst v47;
	v47 =	vld.idx.msk [tilespmem:v61+s17+$0x0], $0xffff;
	v22 =	vmovc v35  }
0xb9: {  	s29 =	sadd.s32 $0xFFFFFF00, s23;
	s24 =	sadd.s32 $0xFFFFFF80, s23;
	s3 =	sadd.s32 s1, s31;
	v52 =	vadd.f32 v52, v24;
	v56 =	vmul.f32 $8.000000000e+00, v56;
	v35 =	vmovc v29;
	v61 =	vld.idx.msk [tilespmem:v62+s17+$0x0], $0xffff;
	v62 =	vor.u32 v14, v31  }
0xba: {  	s24 =	sand.u32 $0x300, s24;
	s1 =	sand.u32 $0x200, s15;
	v49 =	vadd.f32 v49, v37;
	s15 =	sand.u32 $0x280, s29;
	v53 =	vmul.f32 $8.000000000e+00, v53;
	v29 =	vmovc v20;
	v20 =	vmovc v37;
	[tilespmem:s3+$0x0] =	vst v51;
	v51 =	vmul.f32 $8.000000000e+00, v58  }
0xbb: {  	s29 =	sadd.s32 s1, s31;
	s1 =	sadd.s32 s15, s31;
	s15 =	sadd.s32 s24, s31;
	v37 =	vadd.f32 v46, v22;
	v45 =	vmul.f32 $8.000000000e+00, v45;
	v46 =	vld.idx.msk [tilespmem:v54+s17+$0x0], $0xffff;
	[tilespmem:s12+$0x60] =	vst v52;
	v52 =	vadd.f32 v56, v44  }
0xbc: {  	v34 =	vmul.f32 $8.000000000e+00, v34;
	[tilespmem:s1+$0x0] =	vst v49;
	v49 =	vadd.f32 v53, v38;
	v51 =	vadd.f32 v51, v16;
	v53 =	vld.idx.msk [tilespmem:v63+s17+$0x0], $0xffff  }
0xbd: {  	v50 =	vmul.f32 $8.000000000e+00, v50;
	v45 =	vadd.f32 v45, v39;
	v54 =	vld.idx.msk [tilespmem:v55+s17+$0x0], $0xffff;
	v55 =	vor.u32 v8, v26;
	[tilespmem:s16+$0x450] =	vst v52  }
0xbe: {  	v34 =	vadd.f32 v34, v35;
	v47 =	vmul.f32 $8.000000000e+00, v47;
	[tilespmem:s15+$0x0] =	vst v49;
	v49 =	vor.u32 v13, v40;
	v52 =	vld.idx.msk [tilespmem:v62+s17+$0x0], $0xffff  }
0xbf: {  	v58 =	vor.u32 v8, v30;
	v56 =	vmul.f32 $8.000000000e+00, v61;
	v50 =	vadd.f32 v50, v28;
	[tilespmem:s29+$0x0] =	vst v37;
	v37 =	vld.idx.msk [tilespmem:v59+s17+$0x0], $0xffff  }
0xc0: {  	v57 =	vand.u32 $0x3D, v57;
	v47 =	vadd.f32 v47, v19;
	v59 =	vld.idx.msk [tilespmem:v60+s17+$0x0], $0xffff;
	[tilespmem:s4+$0x60] =	vst v51;
	v51 =	vor.u32 v14, v43  }
0xc1: {  	v46 =	vmul.f32 $8.000000000e+00, v46;
	v60 =	vor.u32 v2, v42;
	v56 =	vadd.f32 v56, v29;
	v61 =	vld.idx.msk [tilespmem:v36+s17+$0x0], $0xffff;
	[tilespmem:s7+$0x70] =	vst v50  }
0xc2: {  	v36 =	vand.u32 $0x3E, v48;
	v48 =	vmul.f32 $8.000000000e+00, v53;
	v50 =	vor.u32 v8, v18;
	v53 =	vld.idx.msk [tilespmem:v55+s17+$0x0], $0xffff;
	[tilespmem:s9+$0x440] =	vst v45  }
0xc3: {  	v45 =	vmul.f32 $8.000000000e+00, v54;
	v54 =	vor.u32 v2, v23;
	v46 =	vadd.f32 v46, v27;
	[tilespmem:s10+$0x70] =	vst v56;
	v49 =	vld.idx.msk [tilespmem:v49+s17+$0x0], $0xffff  }
0xc4: {  	v31 =	vor.u32 v15, v31;
	v48 =	vadd.f32 v48, v24;
	v55 =	vld.idx.msk [tilespmem:v58+s17+$0x0], $0xffff;
	[tilespmem:s30+$0x450] =	vst v34;
	v34 =	vmul.f32 $8.000000000e+00, v52  }
0xc5: {  	v45 =	vadd.f32 v45, v20;
	v37 =	vmul.f32 $8.000000000e+00, v37;
	v52 =	vor.u32 v2, v25;
	[tilespmem:s3+$0x10] =	vst v46;
	v46 =	vld.idx.msk [tilespmem:v51+s17+$0x0], $0xffff  }
0xc6: {  	v56 =	vor.u32 v2, v21;
	v51 =	vmul.f32 $8.000000000e+00, v59;
	v58 =	vld.idx.msk [tilespmem:v60+s17+$0x0], $0xffff;
	[tilespmem:s12+$0x70] =	vst v48;
	v34 =	vadd.f32 v34, v44  }
0xc7: {  	v37 =	vadd.f32 v37, v38;
	v48 =	vor.u32 v8, v17;
	[tilespmem:s1+$0x10] =	vst v45;
	v45 =	vmul.f32 $8.000000000e+00, v61;
	v50 =	vld.idx.msk [tilespmem:v50+s17+$0x0], $0xffff  }
0xc8: {  	v59 =	vor.u32 v9, v26;
	v51 =	vadd.f32 v51, v22;
	v53 =	vmul.f32 $8.000000000e+00, v53;
	v54 =	vld.idx.msk [tilespmem:v54+s17+$0x0], $0xffff;
	[tilespmem:s16+$0x460] =	vst v34  }
0xc9: {  	[tilespmem:s15+$0x10] =	vst v37;
	v34 =	vadd.f32 v45, v16;
	v37 =	vmul.f32 $8.000000000e+00, v49;
	v45 =	vor.u32 v14, v41;
	v31 =	vld.idx.msk [tilespmem:v31+s17+$0x0], $0xffff  }
0xca: {  	v53 =	vadd.f32 v53, v28;
	[tilespmem:s29+$0x10] =	vst v51;
	v49 =	vld.idx.msk [tilespmem:v52+s17+$0x0], $0xffff;
	v51 =	vmul.f32 $8.000000000e+00, v55;
	v52 =	vor.u32 v9, v30  }
0xcb: {  	v55 =	vld.idx.msk [tilespmem:v56+s17+$0x0], $0xffff;
	[tilespmem:s4+$0x70] =	vst v34;
	v37 =	vadd.f32 v37, v39;
	v56 =	vor.u32 v14, v40;
	v34 =	vmul.f32 $8.000000000e+00, v46  }
0xcc: {  	v46 =	vmul.f32 $8.000000000e+00, v58;
	v58 =	vor.u32 v3, v42;
	v48 =	vld.idx.msk [tilespmem:v48+s17+$0x0], $0xffff;
	v51 =	vadd.f32 v51, v29;
	[tilespmem:s7+$0x400] =	vst v53  }
0xcd: {  	v50 =	vmul.f32 $8.000000000e+00, v50;
	v53 =	vor.u32 v9, v18;
	v59 =	vld.idx.msk [tilespmem:v59+s17+$0x0], $0xffff;
	v60 =	vadd.f32 v34, v35;
	[tilespmem:s6+$0x450] =	vst v47  }
0xce: {  	v47 =	vmul.f32 $8.000000000e+00, v54;
	v54 =	vor.u32 v3, v23;
	v46 =	vadd.f32 v46, v27;
	[tilespmem:s10+$0x400] =	vst v51;
	v45 =	vld.idx.msk [tilespmem:v45+s17+$0x0], $0xffff  }
0xcf: {  	v34 =	vbroadcast v57, $0x0;
	v50 =	vadd.f32 v50, v24;
	v51 =	vld.idx.msk [tilespmem:v52+s17+$0x0], $0xffff;
	[tilespmem:s9+$0x450] =	vst v37;
	v37 =	vmul.f32 $8.000000000e+00, v31;
	v31 =	vmovc v26  }
0xd0: {  	v26 =	vadd.f32 v47, v20;
	v47 =	vmul.f32 $8.000000000e+00, v49;
	v49 =	vor.u32 v3, v25;
	[tilespmem:s3+$0x20] =	vst v46;
	v46 =	vld.idx.msk [tilespmem:v56+s17+$0x0], $0xffff  }
0xd1: {  	v52 =	vmul.f32 $8.000000000e+00, v55;
	v55 =	vor.u32 v3, v21;
	v56 =	vld.idx.msk [tilespmem:v58+s17+$0x0], $0xffff;
	[tilespmem:s12+$0x400] =	vst v50;
	v37 =	vadd.f32 v37, v44  }
0xd2: {  	v57 =	vadd.f32 v47, v38;
	v44 =	vmul.f32 $8.000000000e+00, v48;
	v47 =	vor.u32 v9, v17;
	[tilespmem:s1+$0x20] =	vst v26;
	v48 =	vld.idx.msk [tilespmem:v53+s17+$0x0], $0xffff  }
0xd3: {  	v50 =	vadd.f32 v52, v22;
	v53 =	vmul.f32 $8.000000000e+00, v59;
	v52 =	vld.idx.msk [tilespmem:v54+s17+$0x0], $0xffff;
	v54 =	vor.u32 v10, v31;
	[tilespmem:s16+$0x470] =	vst v37;
	s16 =	smov.u32 s7;
	s7 =	smov.u32 s3  }
0xd4: {  	v43 =	vor.u32 v15, v43;
	v37 =	vadd.f32 v44, v16;
	v44 =	vmul.f32 $8.000000000e+00, v45;
	v26 =	vmovc v42;
	[tilespmem:s15+$0x20] =	vst v57  }
0xd5: {  	v45 =	vmul.f32 $8.000000000e+00, v51;
	[tilespmem:s29+$0x20] =	vst v50;
	v42 =	vld.idx.msk [tilespmem:v49+s17+$0x0], $0xffff;
	v49 =	vor.u32 v10, v30;
	v50 =	vadd.f32 v53, v28  }
0xd6: {  	v41 =	vor.u32 v15, v41;
	v44 =	vadd.f32 v44, v19;
	v51 =	vld.idx.msk [tilespmem:v55+s17+$0x0], $0xffff;
	[tilespmem:s4+$0x400] =	vst v37;
	v37 =	vmul.f32 $8.000000000e+00, v46  }
0xd7: {  	v53 =	vor.u32 v4, v26;
	v46 =	vmul.f32 $8.000000000e+00, v56;
	v45 =	vadd.f32 v45, v29;
	v47 =	vld.idx.msk [tilespmem:v47+s17+$0x0], $0xffff;
	[tilespmem:s16+$0x410] =	vst v50  }
0xd8: {  	v48 =	vmul.f32 $8.000000000e+00, v48;
	v50 =	vor.u32 v10, v18;
	v54 =	vld.idx.msk [tilespmem:v54+s17+$0x0], $0xffff;
	v37 =	vadd.f32 v37, v39;
	[tilespmem:s30+$0x460] =	vst v60  }
0xd9: {  	v55 =	vor.u32 v4, v23;
	v52 =	vmul.f32 $8.000000000e+00, v52;
	v46 =	vadd.f32 v46, v27;
	[tilespmem:s10+$0x410] =	vst v45;
	v43 =	vld.idx.msk [tilespmem:v43+s17+$0x0], $0xffff  }
0xda: {  	v36 =	vbroadcast v36, $0x0;
	v48 =	vadd.f32 v48, v24;
	v45 =	vld.idx.msk [tilespmem:v49+s17+$0x0], $0xffff;
	v49 =	vor.u32 v15, v40;
	[tilespmem:s6+$0x460] =	vst v44  }
0xdb: {  	v44 =	vadd.f32 v52, v20;
	v42 =	vmul.f32 $8.000000000e+00, v42;
	v52 =	vor.u32 v4, v25;
	[tilespmem:s7+$0x30] =	vst v46;
	v41 =	vld.idx.msk [tilespmem:v41+s17+$0x0], $0xffff  }
0xdc: {  	v40 =	vor.u32 v11, v17;
	v46 =	vmul.f32 $8.000000000e+00, v51;
	v51 =	vor.u32 v4, v21;
	v53 =	vld.idx.msk [tilespmem:v53+s17+$0x0], $0xffff;
	[tilespmem:s12+$0x410] =	vst v48  }
0xdd: {  	v42 =	vadd.f32 v42, v38;
	[tilespmem:s1+$0x30] =	vst v44;
	v44 =	vmul.f32 $8.000000000e+00, v47;
	v47 =	vor.u32 v10, v17;
	v48 =	vld.idx.msk [tilespmem:v50+s17+$0x0], $0xffff  }
0xde: {  	v46 =	vadd.f32 v46, v22;
	v54 =	vmul.f32 $8.000000000e+00, v54;
	v50 =	vld.idx.msk [tilespmem:v55+s17+$0x0], $0xffff;
	v55 =	vor.u32 v11, v31;
	[tilespmem:s9+$0x460] =	vst v37  }
0xdf: {  	v37 =	vor.u32 v33, v32;
	v43 =	vmul.f32 $8.000000000e+00, v43;
	[tilespmem:s15+$0x30] =	vst v42;
	v42 =	vadd.f32 v44, v16;
	v44 =	vld.idx.msk [tilespmem:v49+s17+$0x0], $0xffff  }
0xe0: {  	v45 =	vmul.f32 $8.000000000e+00, v45;
	[tilespmem:s29+$0x30] =	vst v46;
	v49 =	vld.idx.msk [tilespmem:v52+s17+$0x0], $0xffff;
	v46 =	vor.u32 v11, v30;
	v52 =	vadd.f32 v54, v28  }
0xe1: {  	v54 =	vor.u32 v0, v32;
	v35 =	vadd.f32 v43, v35;
	v41 =	vmul.f32 $8.000000000e+00, v41;
	v51 =	vld.idx.msk [tilespmem:v51+s17+$0x0], $0xffff;
	[tilespmem:s4+$0x410] =	vst v42  }
0xe2: {  	v43 =	vor.u32 v5, v26;
	v42 =	vmul.f32 $8.000000000e+00, v53;
	v45 =	vadd.f32 v45, v29;
	v47 =	vld.idx.msk [tilespmem:v47+s17+$0x0], $0xffff;
	[tilespmem:s16+$0x420] =	vst v52  }
0xe3: {  	v48 =	vmul.f32 $8.000000000e+00, v48;
	v52 =	vor.u32 v11, v18;
	v19 =	vadd.f32 v41, v19;
	v53 =	vld.idx.msk [tilespmem:v55+s17+$0x0], $0xffff;
	[tilespmem:s30+$0x470] =	vst v35;
	s30 =	smov.u32 s10;
	s10 =	smov.u32 s1  }
0xe4: {  	v41 =	vor.u32 v5, v23;
	v42 =	vadd.f32 v42, v27;
	v35 =	vld.idx.msk [tilespmem:v37+s11+$0x0], $0xffff;
	v37 =	vmul.f32 $8.000000000e+00, v50;
	[tilespmem:s30+$0x420] =	vst v45  }
0xe5: {  	v55 =	vor.u32 v33, v34;
	v45 =	vadd.f32 v48, v24;
	v44 =	vmul.f32 $8.000000000e+00, v44;
	v56 =	vld.idx.msk [tilespmem:v46+s17+$0x0], $0xffff;
	[tilespmem:s6+$0x470] =	vst v19;
	s6 =	smov.u32 s12;
	s12 =	smov.u32 s15  }
0xe6: {  	v48 =	vor.u32 v5, v25;
	v46 =	vld.idx.msk [tilespmem:v54+s17+$0x0], $0xffff;
	v19 =	vadd.f32 v37, v20;
	v37 =	vmul.f32 $8.000000000e+00, v49;
	[tilespmem:s7+$0x40] =	vst v42  }
0xe7: {  	v57 =	vor.u32 v5, v21;
	v49 =	vmul.f32 $8.000000000e+00, v51;
	v39 =	vadd.f32 v44, v39;
	v50 =	vld.idx.msk [tilespmem:v43+s17+$0x0], $0xffff;
	[tilespmem:s6+$0x420] =	vst v45  }
.Ltmp0:
0xe8: {  	v44 =	vmul.f32 $8.000000000e+00, v47;
	v45 =	vor.u32 v12, v30;
	[tilespmem:s10+$0x40] =	vst v19;
	v51 =	vadd.f32 v37, v38;
	v42 =	vld.idx.msk [tilespmem:v52+s17+$0x0], $0xffff;
	(pc) =	sbr.rel @p1 .LBB2_3-.Ltmp0, $4  }
0xe9: {  	v43 =	vor.u32 v12, v31;
	v47 =	vadd.f32 v49, v22;
	v49 =	vld.idx.msk [tilespmem:v41+s17+$0x0], $0xffff;
	v41 =	vmul.f32 $8.000000000e+00, v53;
	[tilespmem:s9+$0x470] =	vst v39;
	s9 =	smov.u32 s4;
	s4 =	smov.u32 s29  }
0xea: {  	v53 =	vor.u32 v33, v36;
	v39 =	vadd.f32 v44, v16;
	v37 =	vld.idx.msk [tilespmem:v55+s11+$0x0], $0xffff;
	[tilespmem:s12+$0x40] =	vst v51;
	v19 =	vmov v24  }
0xeb: {  	v54 =	vor.u32 v0, v34;
	[tilespmem:s4+$0x40] =	vst v47;
	v51 =	vld.idx.msk [tilespmem:v48+s17+$0x0], $0xffff;
	v48 =	vmul.f32 $8.000000000e+00, v56;
	v44 =	vadd.f32 v41, v28  }
0xec: {  	s1 =	sadd.s32 $0x3, s26;
	s26 =	sadd.s32 $0x4, s26;
	v24 =	vmov v38;
	v47 =	vor.u32 v6, v23;
	v41 =	vor.u32 v12, v18;
	v52 =	vld.idx.msk [tilespmem:v57+s17+$0x0], $0xffff;
	[tilespmem:s9+$0x420] =	vst v39  }
0xed: {  	v38 =	vmov s1  }
0xee: {  	v38 =	vand.u32 $0x3F, v38  }
0xef: {  	v39 =	vbroadcast v38, $0x0;
	_ =	sdelay $0x1  }
0xf0: {  	v38 =	vor.u32 v0, v39  }
0xf1: {  	v55 =	vor.u32 v0, v36  }
0xf2: {  	v33 =	vor.u32 v33, v39;
	_ =	sdelay $0x1  }
0xf3: {  	v54 =	vld.idx.msk [tilespmem:v54+s17+$0x0], $0xffff  }
0xf4: {  	v56 =	vld.idx.msk [tilespmem:v38+s17+$0x0], $0xffff  }
0xf5: {  	v55 =	vld.idx.msk [tilespmem:v55+s17+$0x0], $0xffff  }
0xf6: {  	v38 =	vld.idx.msk [tilespmem:v33+s11+$0x0], $0xffff;
	_ =	sdelay $0x1  }
0xf7: {  	v33 =	vld.idx.msk [tilespmem:v53+s11+$0x0], $0xffff  }
0xf8: {  	s26 =	sadd.s32 $0x400, s22;
	v63 =	vor.u32 v1, v39;
	v62 =	vmul.f32 $8.000000000e+00, v56  }
0xf9: {  	v57 =	vor.u32 v1, v34;
	s3 =	sadd.s32 $0x200, s23;
	s1 =	sand.u32 $0x3800, s26;
	v54 =	vmul.f32 $8.000000000e+00, v54  }
0xfa: {  	v58 =	vor.u32 v1, v36;
	s15 =	sand.u32 $0x380, s3;
	s23 =	sadd.s32 $0xFFFFFF00, s3;
	s1 =	sor.u32 $0x8200, s1;
	v55 =	vmul.f32 $8.000000000e+00, v55;
	v53 =	vadd.f32 v62, v38  }
0xfb: {  	v59 =	vor.u32 v1, v32;
	v46 =	vmul.f32 $8.000000000e+00, v46;
	s24 =	sadd.s32 $0xFFFFFF80, s3;
	s29 =	sand.u32 $0x280, s23;
	s22 =	sadd.s32 s15, s1;
	v54 =	vadd.f32 v54, v37  }
0xfc: {  	s3 =	sadd.s32 $0xFFFFFE80, s3;
	s24 =	sand.u32 $0x300, s24;
	s23 =	sadd.s32 s29, s1;
	v60 =	vadd.f32 v55, v33;
	[tilespmem:s22+$0x0] =	vst v53  }
0xfd: {  	s3 =	sand.u32 $0x200, s3;
	v46 =	vadd.f32 v46, v35;
	s29 =	sadd.s32 s24, s1;
	[tilespmem:s23+$0x0] =	vst v54;
	v61 =	vld.idx.msk [tilespmem:v63+s17+$0x0], $0xffff  }
0xfe: {  	s26 =	sadd.s32 s3, s1;
	v54 =	vld.idx.msk [tilespmem:v57+s17+$0x0], $0xffff;
	[tilespmem:s29+$0x0] =	vst v60  }
0xff: {  	[tilespmem:s26+$0x0] =	vst v46;
	v62 =	vld.idx.msk [tilespmem:v58+s17+$0x0], $0xffff  }
0x100: {  	v63 =	vld.idx.msk [tilespmem:v59+s17+$0x0], $0xffff;
	_ =	sdelay $0x1  }
0x101: {  	v60 =	vor.u32 v2, v39;
	v55 =	vmul.f32 $8.000000000e+00, v61  }
0x102: {  	v54 =	vmul.f32 $8.000000000e+00, v54;
	v61 =	vor.u32 v2, v34  }
0x103: {  	v46 =	vmul.f32 $8.000000000e+00, v62;
	v62 =	vor.u32 v2, v36;
	v55 =	vadd.f32 v55, v38  }
0x104: {  	v54 =	vadd.f32 v54, v37;
	v53 =	vmul.f32 $8.000000000e+00, v63;
	v63 =	vor.u32 v2, v32  }
0x105: {  	v46 =	vadd.f32 v46, v33;
	[tilespmem:s22+$0x10] =	vst v55  }
0x106: {  	[tilespmem:s23+$0x10] =	vst v54;
	v53 =	vadd.f32 v53, v35;
	v55 =	vld.idx.msk [tilespmem:v60+s17+$0x0], $0xffff  }
0x107: {  	[tilespmem:s29+$0x10] =	vst v46;
	v54 =	vld.idx.msk [tilespmem:v61+s17+$0x0], $0xffff  }
0x108: {  	v46 =	vld.idx.msk [tilespmem:v62+s17+$0x0], $0xffff;
	[tilespmem:s26+$0x10] =	vst v53  }
0x109: {  	v53 =	vld.idx.msk [tilespmem:v63+s17+$0x0], $0xffff;
	_ =	sdelay $0x1  }
0x10a: {  	v60 =	vor.u32 v3, v39;
	v55 =	vmul.f32 $8.000000000e+00, v55  }
0x10b: {  	v61 =	vor.u32 v3, v34;
	v54 =	vmul.f32 $8.000000000e+00, v54  }
0x10c: {  	v62 =	vor.u32 v3, v36;
	v46 =	vmul.f32 $8.000000000e+00, v46;
	v55 =	vadd.f32 v55, v38  }
0x10d: {  	v63 =	vor.u32 v3, v32;
	v53 =	vmul.f32 $8.000000000e+00, v53;
	v54 =	vadd.f32 v54, v37  }
0x10e: {  	v46 =	vadd.f32 v46, v33;
	[tilespmem:s22+$0x20] =	vst v55  }
0x10f: {  	v53 =	vadd.f32 v53, v35;
	[tilespmem:s23+$0x20] =	vst v54;
	v55 =	vld.idx.msk [tilespmem:v60+s17+$0x0], $0xffff  }
0x110: {  	[tilespmem:s29+$0x20] =	vst v46;
	v54 =	vld.idx.msk [tilespmem:v61+s17+$0x0], $0xffff  }
0x111: {  	v46 =	vld.idx.msk [tilespmem:v62+s17+$0x0], $0xffff;
	[tilespmem:s26+$0x20] =	vst v53  }
0x112: {  	v53 =	vld.idx.msk [tilespmem:v63+s17+$0x0], $0xffff;
	_ =	sdelay $0x1  }
0x113: {  	v60 =	vor.u32 v4, v39;
	v55 =	vmul.f32 $8.000000000e+00, v55  }
0x114: {  	v61 =	vor.u32 v4, v34;
	v54 =	vmul.f32 $8.000000000e+00, v54  }
0x115: {  	v62 =	vor.u32 v4, v36;
	v46 =	vmul.f32 $8.000000000e+00, v46;
	v55 =	vadd.f32 v55, v38  }
0x116: {  	v63 =	vor.u32 v4, v32;
	v53 =	vmul.f32 $8.000000000e+00, v53;
	v54 =	vadd.f32 v54, v37  }
0x117: {  	v46 =	vadd.f32 v46, v33;
	[tilespmem:s22+$0x30] =	vst v55  }
0x118: {  	v53 =	vadd.f32 v53, v35;
	[tilespmem:s23+$0x30] =	vst v54;
	v55 =	vld.idx.msk [tilespmem:v60+s17+$0x0], $0xffff  }
0x119: {  	[tilespmem:s29+$0x30] =	vst v46;
	v54 =	vld.idx.msk [tilespmem:v61+s17+$0x0], $0xffff  }
0x11a: {  	v46 =	vld.idx.msk [tilespmem:v62+s17+$0x0], $0xffff;
	[tilespmem:s26+$0x30] =	vst v53  }
0x11b: {  	v53 =	vld.idx.msk [tilespmem:v63+s17+$0x0], $0xffff;
	_ =	sdelay $0x1  }
0x11c: {  	v60 =	vor.u32 v5, v39;
	v55 =	vmul.f32 $8.000000000e+00, v55  }
0x11d: {  	v61 =	vor.u32 v5, v34;
	v54 =	vmul.f32 $8.000000000e+00, v54  }
0x11e: {  	v62 =	vor.u32 v5, v36;
	v46 =	vmul.f32 $8.000000000e+00, v46;
	v55 =	vadd.f32 v55, v38  }
0x11f: {  	v63 =	vor.u32 v5, v32;
	v53 =	vmul.f32 $8.000000000e+00, v53;
	v54 =	vadd.f32 v54, v37  }
0x120: {  	v46 =	vadd.f32 v46, v33;
	[tilespmem:s22+$0x40] =	vst v55  }
0x121: {  	v53 =	vadd.f32 v53, v35;
	[tilespmem:s23+$0x40] =	vst v54;
	v55 =	vld.idx.msk [tilespmem:v60+s17+$0x0], $0xffff  }
0x122: {  	v50 =	vmul.f32 $8.000000000e+00, v50;
	[tilespmem:s29+$0x40] =	vst v46;
	v60 =	vor.u32 v6, v26;
	v56 =	vld.idx.msk [tilespmem:v61+s17+$0x0], $0xffff  }
0x123: {  	[tilespmem:s26+$0x40] =	vst v53;
	v61 =	vmul.f32 $8.000000000e+00, v49;
	v49 =	vld.idx.msk [tilespmem:v62+s17+$0x0], $0xffff  }
0x124: {  	v50 =	vadd.f32 v50, v27;
	v51 =	vmul.f32 $8.000000000e+00, v51;
	v53 =	vor.u32 v6, v25;
	v57 =	vld.idx.msk [tilespmem:v63+s17+$0x0], $0xffff  }
0x125: {  	v52 =	vmul.f32 $8.000000000e+00, v52;
	v58 =	vor.u32 v6, v21;
	v46 =	vadd.f32 v61, v20  }
0x126: {  	[tilespmem:s7+$0x50] =	vst v50;
	v62 =	vadd.f32 v51, v24;
	v63 =	vmul.f32 $8.000000000e+00, v55;
	v55 =	vor.u32 v6, v39  }
0x127: {  	[tilespmem:s10+$0x50] =	vst v46;
	v54 =	vld.idx.msk [tilespmem:v60+s17+$0x0], $0xffff;
	v60 =	vadd.f32 v52, v22;
	v52 =	vor.u32 v6, v34;
	v56 =	vmul.f32 $8.000000000e+00, v56  }
0x128: {  	v51 =	vor.u32 v6, v36;
	[tilespmem:s12+$0x50] =	vst v62;
	v47 =	vld.idx.msk [tilespmem:v47+s17+$0x0], $0xffff;
	v49 =	vmul.f32 $8.000000000e+00, v49;
	v61 =	vadd.f32 v63, v38  }
0x129: {  	v46 =	vld.idx.msk [tilespmem:v53+s17+$0x0], $0xffff;
	[tilespmem:s4+$0x50] =	vst v60;
	v62 =	vadd.f32 v56, v37;
	v63 =	vmul.f32 $8.000000000e+00, v57;
	v60 =	vor.u32 v6, v32  }
0x12a: {  	v49 =	vadd.f32 v49, v33;
	v58 =	vld.idx.msk [tilespmem:v58+s17+$0x0], $0xffff;
	[tilespmem:s22+$0x50] =	vst v61  }
0x12b: {  	[tilespmem:s23+$0x50] =	vst v62;
	v61 =	vadd.f32 v63, v35;
	v50 =	vld.idx.msk [tilespmem:v55+s17+$0x0], $0xffff  }
0x12c: {  	[tilespmem:s29+$0x50] =	vst v49;
	v54 =	vmul.f32 $8.000000000e+00, v54;
	v55 =	vor.u32 v7, v26;
	v52 =	vld.idx.msk [tilespmem:v52+s17+$0x0], $0xffff  }
0x12d: {  	v48 =	vadd.f32 v48, v29;
	v49 =	vor.u32 v7, v23;
	v47 =	vmul.f32 $8.000000000e+00, v47;
	v51 =	vld.idx.msk [tilespmem:v51+s17+$0x0], $0xffff;
	[tilespmem:s26+$0x50] =	vst v61  }
0x12e: {  	[tilespmem:s16+$0x430] =	vst v44;
	v53 =	vor.u32 v7, v25;
	v46 =	vmul.f32 $8.000000000e+00, v46;
	v62 =	vadd.f32 v54, v27;
	v54 =	vld.idx.msk [tilespmem:v60+s17+$0x0], $0xffff  }
0x12f: {  	v43 =	vld.idx.msk [tilespmem:v43+s17+$0x0], $0xffff;
	[tilespmem:s30+$0x430] =	vst v48;
	v48 =	vor.u32 v7, v21;
	v47 =	vadd.f32 v47, v20;
	v63 =	vmul.f32 $8.000000000e+00, v58  }
0x130: {  	v45 =	vld.idx.msk [tilespmem:v45+s17+$0x0], $0xffff;
	v60 =	vadd.f32 v46, v24;
	[tilespmem:s7+$0x60] =	vst v62;
	v62 =	vor.u32 v7, v39;
	v61 =	vmul.f32 $8.000000000e+00, v50  }
0x131: {  	v56 =	vor.u32 v7, v34;
	[tilespmem:s10+$0x60] =	vst v47;
	v55 =	vld.idx.msk [tilespmem:v55+s17+$0x0], $0xffff;
	v63 =	vadd.f32 v63, v22;
	v52 =	vmul.f32 $8.000000000e+00, v52  }
0x132: {  	v46 =	vor.u32 v7, v36;
	[tilespmem:s12+$0x60] =	vst v60;
	v49 =	vld.idx.msk [tilespmem:v49+s17+$0x0], $0xffff;
	v51 =	vmul.f32 $8.000000000e+00, v51;
	v60 =	vadd.f32 v61, v38  }
0x133: {  	v47 =	vor.u32 v7, v32;
	v53 =	vld.idx.msk [tilespmem:v53+s17+$0x0], $0xffff;
	[tilespmem:s4+$0x60] =	vst v63;
	v52 =	vadd.f32 v52, v37;
	v54 =	vmul.f32 $8.000000000e+00, v54  }
0x134: {  	v43 =	vmul.f32 $8.000000000e+00, v43;
	v57 =	vor.u32 v13, v31;
	v61 =	vadd.f32 v51, v33;
	v48 =	vld.idx.msk [tilespmem:v48+s17+$0x0], $0xffff;
	[tilespmem:s22+$0x60] =	vst v60  }
0x135: {  	v45 =	vmul.f32 $8.000000000e+00, v45;
	v51 =	vor.u32 v13, v30;
	[tilespmem:s23+$0x60] =	vst v52;
	v50 =	vld.idx.msk [tilespmem:v62+s17+$0x0], $0xffff;
	v62 =	vadd.f32 v54, v35  }
0x136: {  	v43 =	vadd.f32 v43, v28;
	[tilespmem:s29+$0x60] =	vst v61;
	v63 =	vmul.f32 $8.000000000e+00, v55;
	v55 =	vor.u32 v8, v26;
	v56 =	vld.idx.msk [tilespmem:v56+s17+$0x0], $0xffff  }
0x137: {  	v60 =	vadd.f32 v45, v29;
	v61 =	vmul.f32 $8.000000000e+00, v49;
	v49 =	vor.u32 v8, v23;
	v46 =	vld.idx.msk [tilespmem:v46+s17+$0x0], $0xffff;
	[tilespmem:s26+$0x60] =	vst v62  }
0x138: {  	[tilespmem:s16+$0x440] =	vst v43;
	v62 =	vadd.f32 v63, v27;
	v63 =	vmul.f32 $8.000000000e+00, v53;
	v53 =	vor.u32 v8, v25;
	v47 =	vld.idx.msk [tilespmem:v47+s17+$0x0], $0xffff  }
0x139: {  	v54 =	vld.idx.msk [tilespmem:v57+s17+$0x0], $0xffff;
	[tilespmem:s30+$0x440] =	vst v60;
	v58 =	vadd.f32 v61, v20;
	v59 =	vmul.f32 $8.000000000e+00, v48;
	v48 =	vor.u32 v8, v21  }
0x13a: {  	v52 =	vor.u32 v8, v39;
	v51 =	vld.idx.msk [tilespmem:v51+s17+$0x0], $0xffff;
	[tilespmem:s7+$0x70] =	vst v62;
	v60 =	vadd.f32 v63, v24;
	v50 =	vmul.f32 $8.000000000e+00, v50  }
0x13b: {  	[tilespmem:s10+$0x70] =	vst v58;
	v55 =	vld.idx.msk [tilespmem:v55+s17+$0x0], $0xffff;
	v61 =	vadd.f32 v59, v22;
	v62 =	vmul.f32 $8.000000000e+00, v56;
	v56 =	vor.u32 v8, v34  }
0x13c: {  	v49 =	vld.idx.msk [tilespmem:v49+s17+$0x0], $0xffff;
	v46 =	vmul.f32 $8.000000000e+00, v46;
	[tilespmem:s12+$0x70] =	vst v60;
	v63 =	vadd.f32 v50, v38;
	v50 =	vor.u32 v8, v36  }
0x13d: {  	v53 =	vld.idx.msk [tilespmem:v53+s17+$0x0], $0xffff;
	[tilespmem:s4+$0x70] =	vst v61;
	v60 =	vadd.f32 v62, v37;
	v61 =	vmul.f32 $8.000000000e+00, v47;
	v47 =	vor.u32 v8, v32  }
0x13e: {  	v57 =	vor.u32 v14, v31;
	v54 =	vmul.f32 $8.000000000e+00, v54;
	v62 =	vadd.f32 v46, v33;
	v48 =	vld.idx.msk [tilespmem:v48+s17+$0x0], $0xffff;
	[tilespmem:s22+$0x70] =	vst v63  }
0x13f: {  	v63 =	vmul.f32 $8.000000000e+00, v51;
	v51 =	vor.u32 v14, v30;
	[tilespmem:s23+$0x70] =	vst v60;
	v52 =	vld.idx.msk [tilespmem:v52+s17+$0x0], $0xffff;
	v44 =	vadd.f32 v61, v35  }
0x140: {  	v60 =	vadd.f32 v54, v28;
	[tilespmem:s29+$0x70] =	vst v62;
	v61 =	vmul.f32 $8.000000000e+00, v55;
	v55 =	vor.u32 v9, v26;
	v56 =	vld.idx.msk [tilespmem:v56+s17+$0x0], $0xffff  }
0x141: {  	v62 =	vadd.f32 v63, v29;
	v63 =	vmul.f32 $8.000000000e+00, v49;
	v49 =	vor.u32 v9, v23;
	v50 =	vld.idx.msk [tilespmem:v50+s17+$0x0], $0xffff;
	[tilespmem:s26+$0x70] =	vst v44  }
0x142: {  	[tilespmem:s16+$0x450] =	vst v60;
	v58 =	vadd.f32 v61, v27;
	v59 =	vmul.f32 $8.000000000e+00, v53;
	v53 =	vor.u32 v9, v25;
	v47 =	vld.idx.msk [tilespmem:v47+s17+$0x0], $0xffff  }
0x143: {  	v54 =	vld.idx.msk [tilespmem:v57+s17+$0x0], $0xffff;
	[tilespmem:s30+$0x450] =	vst v62;
	v60 =	vadd.f32 v63, v20;
	v61 =	vmul.f32 $8.000000000e+00, v48;
	v48 =	vor.u32 v9, v21  }
0x144: {  	v51 =	vld.idx.msk [tilespmem:v51+s17+$0x0], $0xffff;
	[tilespmem:s7+$0x400] =	vst v58;
	v62 =	vadd.f32 v59, v24;
	v63 =	vmul.f32 $8.000000000e+00, v52;
	v52 =	vor.u32 v9, v39  }
0x145: {  	v55 =	vld.idx.msk [tilespmem:v55+s17+$0x0], $0xffff;
	[tilespmem:s10+$0x400] =	vst v60;
	v60 =	vadd.f32 v61, v22;
	v61 =	vmul.f32 $8.000000000e+00, v56;
	v56 =	vor.u32 v9, v34  }
0x146: {  	v49 =	vld.idx.msk [tilespmem:v49+s17+$0x0], $0xffff;
	[tilespmem:s12+$0x400] =	vst v62;
	v62 =	vadd.f32 v63, v38;
	v63 =	vmul.f32 $8.000000000e+00, v50;
	v50 =	vor.u32 v9, v36  }
0x147: {  	v53 =	vld.idx.msk [tilespmem:v53+s17+$0x0], $0xffff;
	[tilespmem:s4+$0x400] =	vst v60;
	v57 =	vadd.f32 v61, v37;
	v58 =	vmul.f32 $8.000000000e+00, v47;
	v47 =	vor.u32 v9, v32  }
0x148: {  	v31 =	vor.u32 v15, v31;
	v54 =	vmul.f32 $8.000000000e+00, v54;
	v48 =	vld.idx.msk [tilespmem:v48+s17+$0x0], $0xffff;
	[tilespmem:s22+$0x400] =	vst v62;
	v59 =	vadd.f32 v63, v33  }
0x149: {  	v30 =	vor.u32 v15, v30;
	v60 =	vmul.f32 $8.000000000e+00, v51;
	[tilespmem:s23+$0x400] =	vst v57;
	v51 =	vld.idx.msk [tilespmem:v52+s17+$0x0], $0xffff;
	v61 =	vadd.f32 v58, v35  }
0x14a: {  	v62 =	vadd.f32 v54, v28;
	v54 =	vor.u32 v10, v26;
	v63 =	vmul.f32 $8.000000000e+00, v55;
	v55 =	vld.idx.msk [tilespmem:v56+s17+$0x0], $0xffff;
	[tilespmem:s29+$0x400] =	vst v59  }
0x14b: {  	v57 =	vadd.f32 v60, v29;
	v58 =	vmul.f32 $8.000000000e+00, v49;
	v49 =	vor.u32 v10, v23;
	v50 =	vld.idx.msk [tilespmem:v50+s17+$0x0], $0xffff;
	[tilespmem:s26+$0x400] =	vst v61  }
0x14c: {  	v52 =	vor.u32 v10, v25;
	[tilespmem:s16+$0x460] =	vst v62;
	v59 =	vadd.f32 v63, v27;
	v60 =	vmul.f32 $8.000000000e+00, v53;
	v47 =	vld.idx.msk [tilespmem:v47+s17+$0x0], $0xffff  }
0x14d: {  	v31 =	vld.idx.msk [tilespmem:v31+s17+$0x0], $0xffff;
	v45 =	vadd.f32 v58, v20;
	[tilespmem:s30+$0x460] =	vst v57;
	v61 =	vmul.f32 $8.000000000e+00, v48;
	v48 =	vor.u32 v10, v21  }
0x14e: {  	v57 =	vor.u32 v10, v39;
	[tilespmem:s7+$0x410] =	vst v59;
	v30 =	vld.idx.msk [tilespmem:v30+s17+$0x0], $0xffff;
	v62 =	vadd.f32 v60, v24;
	v63 =	vmul.f32 $8.000000000e+00, v51  }
0x14f: {  	v53 =	vld.idx.msk [tilespmem:v54+s17+$0x0], $0xffff;
	[tilespmem:s10+$0x410] =	vst v45;
	v44 =	vadd.f32 v61, v22;
	v58 =	vmul.f32 $8.000000000e+00, v55;
	v54 =	vor.u32 v10, v34  }
0x150: {  	v49 =	vld.idx.msk [tilespmem:v49+s17+$0x0], $0xffff;
	[tilespmem:s12+$0x410] =	vst v62;
	v59 =	vadd.f32 v63, v38;
	v60 =	vmul.f32 $8.000000000e+00, v50;
	v50 =	vor.u32 v10, v36  }
0x151: {  	v52 =	vld.idx.msk [tilespmem:v52+s17+$0x0], $0xffff;
	[tilespmem:s4+$0x410] =	vst v44;
	v61 =	vadd.f32 v58, v37;
	v63 =	vor.u32 v10, v32;
	v62 =	vmul.f32 $8.000000000e+00, v47  }
0x152: {  	v31 =	vmul.f32 $8.000000000e+00, v31;
	v48 =	vld.idx.msk [tilespmem:v48+s17+$0x0], $0xffff;
	[tilespmem:s22+$0x410] =	vst v59;
	v55 =	vadd.f32 v60, v33  }
0x153: {  	v30 =	vmul.f32 $8.000000000e+00, v30;
	[tilespmem:s23+$0x410] =	vst v61;
	v56 =	vld.idx.msk [tilespmem:v57+s17+$0x0], $0xffff;
	v57 =	vadd.f32 v62, v35  }
0x154: {  	v58 =	vor.u32 v11, v26;
	v28 =	vadd.f32 v31, v28;
	v31 =	vmul.f32 $8.000000000e+00, v53;
	v59 =	vld.idx.msk [tilespmem:v54+s17+$0x0], $0xffff;
	[tilespmem:s29+$0x410] =	vst v55  }
0x155: {  	v61 =	vor.u32 v11, v23;
	v60 =	vmul.f32 $8.000000000e+00, v49;
	v29 =	vadd.f32 v30, v29;
	v30 =	vld.idx.msk [tilespmem:v50+s17+$0x0], $0xffff;
	[tilespmem:s26+$0x410] =	vst v57  }
0x156: {  	v62 =	vor.u32 v11, v25;
	[tilespmem:s16+$0x470] =	vst v28;
	v28 =	vadd.f32 v31, v27;
	v31 =	vmul.f32 $8.000000000e+00, v52;
	v47 =	vld.idx.msk [tilespmem:v63+s17+$0x0], $0xffff  }
0x157: {  	[tilespmem:s30+$0x470] =	vst v29;
	v29 =	vor.u32 v11, v21;
	v43 =	vadd.f32 v60, v20;
	v48 =	vmul.f32 $8.000000000e+00, v48  }
0x158: {  	v40 =	vld.idx.msk [tilespmem:v40+s17+$0x0], $0xffff;
	v63 =	vor.u32 v11, v39;
	[tilespmem:s7+$0x420] =	vst v28;
	v28 =	vadd.f32 v31, v24;
	v31 =	vmul.f32 $8.000000000e+00, v56  }
0x159: {  	v54 =	vor.u32 v11, v34;
	v45 =	vld.idx.msk [tilespmem:v58+s17+$0x0], $0xffff;
	[tilespmem:s10+$0x420] =	vst v43;
	v52 =	vadd.f32 v48, v22;
	v53 =	vmul.f32 $8.000000000e+00, v59  }
0x15a: {  	v49 =	vld.idx.msk [tilespmem:v61+s17+$0x0], $0xffff;
	[tilespmem:s12+$0x420] =	vst v28;
	v28 =	vadd.f32 v31, v38;
	v30 =	vmul.f32 $8.000000000e+00, v30;
	v31 =	vor.u32 v11, v36  }
0x15b: {  	v55 =	vor.u32 v11, v32;
	v44 =	vld.idx.msk [tilespmem:v62+s17+$0x0], $0xffff;
	[tilespmem:s4+$0x420] =	vst v52;
	v48 =	vadd.f32 v53, v37;
	v47 =	vmul.f32 $8.000000000e+00, v47  }
0x15c: {  	v42 =	vmul.f32 $8.000000000e+00, v42;
	v29 =	vld.idx.msk [tilespmem:v29+s17+$0x0], $0xffff;
	[tilespmem:s22+$0x420] =	vst v28;
	v28 =	vadd.f32 v30, v33  }
0x15d: {  	v56 =	vor.u32 v12, v17;
	v30 =	vmul.f32 $8.000000000e+00, v40;
	[tilespmem:s23+$0x420] =	vst v48;
	v46 =	vld.idx.msk [tilespmem:v63+s17+$0x0], $0xffff;
	v47 =	vadd.f32 v47, v35  }
0x15e: {  	v42 =	vadd.f32 v42, v19;
	v57 =	vor.u32 v12, v26;
	v45 =	vmul.f32 $8.000000000e+00, v45;
	v50 =	vld.idx.msk [tilespmem:v54+s17+$0x0], $0xffff;
	[tilespmem:s29+$0x420] =	vst v28  }
0x15f: {  	v28 =	vadd.f32 v30, v16;
	v30 =	vor.u32 v12, v23;
	v49 =	vmul.f32 $8.000000000e+00, v49;
	v31 =	vld.idx.msk [tilespmem:v31+s17+$0x0], $0xffff;
	[tilespmem:s26+$0x420] =	vst v47  }
0x160: {  	[tilespmem:s6+$0x430] =	vst v42;
	v59 =	vor.u32 v12, v25;
	v58 =	vadd.f32 v45, v27;
	v44 =	vmul.f32 $8.000000000e+00, v44;
	v43 =	vld.idx.msk [tilespmem:v55+s17+$0x0], $0xffff  }
0x161: {  	v41 =	vld.idx.msk [tilespmem:v41+s17+$0x0], $0xffff;
	v60 =	vor.u32 v12, v21;
	[tilespmem:s9+$0x430] =	vst v28;
	v28 =	vadd.f32 v49, v20;
	v29 =	vmul.f32 $8.000000000e+00, v29  }
0x162: {  	v63 =	vor.u32 v12, v39;
	v40 =	vld.idx.msk [tilespmem:v56+s17+$0x0], $0xffff;
	[tilespmem:s7+$0x430] =	vst v58;
	v61 =	vadd.f32 v44, v24;
	v62 =	vmul.f32 $8.000000000e+00, v46  }
0x163: {  	v48 =	vld.idx.msk [tilespmem:v57+s17+$0x0], $0xffff;
	[tilespmem:s10+$0x430] =	vst v28;
	v28 =	vadd.f32 v29, v22;
	v29 =	vor.u32 v12, v34;
	v52 =	vmul.f32 $8.000000000e+00, v50  }
0x164: {  	v54 =	vor.u32 v12, v36;
	v30 =	vld.idx.msk [tilespmem:v30+s17+$0x0], $0xffff;
	[tilespmem:s12+$0x430] =	vst v61;
	v53 =	vadd.f32 v62, v38;
	v31 =	vmul.f32 $8.000000000e+00, v31  }
0x165: {  	v55 =	vor.u32 v12, v32;
	v45 =	vld.idx.msk [tilespmem:v59+s17+$0x0], $0xffff;
	[tilespmem:s4+$0x430] =	vst v28;
	v28 =	vadd.f32 v52, v37;
	v43 =	vmul.f32 $8.000000000e+00, v43  }
0x166: {  	v41 =	vmul.f32 $8.000000000e+00, v41;
	v56 =	vor.u32 v13, v18;
	v47 =	vld.idx.msk [tilespmem:v60+s17+$0x0], $0xffff;
	[tilespmem:s22+$0x430] =	vst v53;
	v31 =	vadd.f32 v31, v33  }
0x167: {  	v57 =	vor.u32 v13, v17;
	v40 =	vmul.f32 $8.000000000e+00, v40;
	[tilespmem:s23+$0x430] =	vst v28;
	v46 =	vld.idx.msk [tilespmem:v63+s17+$0x0], $0xffff;
	v28 =	vadd.f32 v43, v35  }
0x168: {  	v41 =	vadd.f32 v41, v19;
	v59 =	vor.u32 v13, v26;
	v58 =	vmul.f32 $8.000000000e+00, v48;
	v29 =	vld.idx.msk [tilespmem:v29+s17+$0x0], $0xffff;
	[tilespmem:s29+$0x430] =	vst v31  }
0x169: {  	v60 =	vor.u32 v13, v23;
	v31 =	vadd.f32 v40, v16;
	v30 =	vmul.f32 $8.000000000e+00, v30;
	v44 =	vld.idx.msk [tilespmem:v54+s17+$0x0], $0xffff;
	[tilespmem:s26+$0x430] =	vst v28  }
0x16a: {  	[tilespmem:s6+$0x440] =	vst v41;
	v62 =	vor.u32 v13, v25;
	v28 =	vadd.f32 v58, v27;
	v61 =	vmul.f32 $8.000000000e+00, v45;
	v63 =	vld.idx.msk [tilespmem:v55+s17+$0x0], $0xffff  }
0x16b: {  	v52 =	vld.idx.msk [tilespmem:v56+s17+$0x0], $0xffff;
	v53 =	vor.u32 v13, v21;
	[tilespmem:s9+$0x440] =	vst v31;
	v30 =	vadd.f32 v30, v20;
	v31 =	vmul.f32 $8.000000000e+00, v47  }
0x16c: {  	v55 =	vor.u32 v13, v39;
	v42 =	vld.idx.msk [tilespmem:v57+s17+$0x0], $0xffff;
	[tilespmem:s7+$0x440] =	vst v28;
	v28 =	vadd.f32 v61, v24;
	v54 =	vmul.f32 $8.000000000e+00, v46  }
0x16d: {  	v48 =	vld.idx.msk [tilespmem:v59+s17+$0x0], $0xffff;
	[tilespmem:s10+$0x440] =	vst v30;
	v30 =	vadd.f32 v31, v22;
	v29 =	vmul.f32 $8.000000000e+00, v29;
	v31 =	vor.u32 v13, v34  }
0x16e: {  	v57 =	vor.u32 v13, v36;
	v40 =	vld.idx.msk [tilespmem:v60+s17+$0x0], $0xffff;
	[tilespmem:s12+$0x440] =	vst v28;
	v28 =	vadd.f32 v54, v38;
	v56 =	vmul.f32 $8.000000000e+00, v44  }
0x16f: {  	v58 =	vor.u32 v13, v32;
	v43 =	vld.idx.msk [tilespmem:v62+s17+$0x0], $0xffff;
	[tilespmem:s4+$0x440] =	vst v30;
	v29 =	vadd.f32 v29, v37;
	v30 =	vmul.f32 $8.000000000e+00, v63  }
0x170: {  	v49 =	vmul.f32 $8.000000000e+00, v52;
	v59 =	vor.u32 v14, v18;
	v47 =	vld.idx.msk [tilespmem:v53+s17+$0x0], $0xffff;
	[tilespmem:s22+$0x440] =	vst v28;
	v28 =	vadd.f32 v56, v33  }
0x171: {  	v61 =	vor.u32 v14, v17;
	v60 =	vmul.f32 $8.000000000e+00, v42;
	[tilespmem:s23+$0x440] =	vst v29;
	v46 =	vld.idx.msk [tilespmem:v55+s17+$0x0], $0xffff;
	v29 =	vadd.f32 v30, v35  }
0x172: {  	v62 =	vor.u32 v14, v26;
	v30 =	vadd.f32 v49, v19;
	v48 =	vmul.f32 $8.000000000e+00, v48;
	v31 =	vld.idx.msk [tilespmem:v31+s17+$0x0], $0xffff;
	[tilespmem:s29+$0x440] =	vst v28  }
0x173: {  	v63 =	vor.u32 v14, v23;
	v28 =	vadd.f32 v60, v16;
	v40 =	vmul.f32 $8.000000000e+00, v40;
	v44 =	vld.idx.msk [tilespmem:v57+s17+$0x0], $0xffff;
	[tilespmem:s26+$0x440] =	vst v29  }
0x174: {  	v52 =	vor.u32 v14, v25;
	[tilespmem:s6+$0x450] =	vst v30;
	v29 =	vadd.f32 v48, v27;
	v30 =	vmul.f32 $8.000000000e+00, v43;
	v45 =	vld.idx.msk [tilespmem:v58+s17+$0x0], $0xffff  }
0x175: {  	v55 =	vor.u32 v14, v21;
	v53 =	vld.idx.msk [tilespmem:v59+s17+$0x0], $0xffff;
	[tilespmem:s9+$0x450] =	vst v28;
	v28 =	vadd.f32 v40, v20;
	v54 =	vmul.f32 $8.000000000e+00, v47  }
0x176: {  	v56 =	vor.u32 v14, v39;
	v42 =	vld.idx.msk [tilespmem:v61+s17+$0x0], $0xffff;
	[tilespmem:s7+$0x450] =	vst v29;
	v29 =	vadd.f32 v30, v24;
	v30 =	vmul.f32 $8.000000000e+00, v46  }
0x177: {  	v57 =	vor.u32 v14, v34;
	v49 =	vld.idx.msk [tilespmem:v62+s17+$0x0], $0xffff;
	[tilespmem:s10+$0x450] =	vst v28;
	v28 =	vadd.f32 v54, v22;
	v31 =	vmul.f32 $8.000000000e+00, v31  }
0x178: {  	v58 =	vor.u32 v14, v36;
	v41 =	vld.idx.msk [tilespmem:v63+s17+$0x0], $0xffff;
	[tilespmem:s12+$0x450] =	vst v29;
	v29 =	vadd.f32 v30, v38;
	v30 =	vmul.f32 $8.000000000e+00, v44  }
0x179: {  	v59 =	vor.u32 v14, v32;
	v43 =	vld.idx.msk [tilespmem:v52+s17+$0x0], $0xffff;
	[tilespmem:s4+$0x450] =	vst v28;
	v28 =	vadd.f32 v31, v37;
	v31 =	vmul.f32 $8.000000000e+00, v45  }
0x17a: {  	v18 =	vor.u32 v15, v18;
	v48 =	vmul.f32 $8.000000000e+00, v53;
	v47 =	vld.idx.msk [tilespmem:v55+s17+$0x0], $0xffff;
	[tilespmem:s22+$0x450] =	vst v29;
	v29 =	vadd.f32 v30, v33  }
0x17b: {  	v17 =	vor.u32 v15, v17;
	v30 =	vmul.f32 $8.000000000e+00, v42;
	[tilespmem:s23+$0x450] =	vst v28;
	v60 =	vld.idx.msk [tilespmem:v56+s17+$0x0], $0xffff;
	v28 =	vadd.f32 v31, v35  }
0x17c: {  	v26 =	vor.u32 v15, v26;
	v31 =	vadd.f32 v48, v19;
	v61 =	vmul.f32 $8.000000000e+00, v49;
	v40 =	vld.idx.msk [tilespmem:v57+s17+$0x0], $0xffff;
	[tilespmem:s29+$0x450] =	vst v29  }
0x17d: {  	v23 =	vor.u32 v15, v23;
	v29 =	vadd.f32 v30, v16;
	v30 =	vmul.f32 $8.000000000e+00, v41;
	v62 =	vld.idx.msk [tilespmem:v58+s17+$0x0], $0xffff;
	[tilespmem:s26+$0x450] =	vst v28  }
0x17e: {  	v25 =	vor.u32 v15, v25;
	[tilespmem:s6+$0x460] =	vst v31;
	v28 =	vadd.f32 v61, v27;
	v31 =	vmul.f32 $8.000000000e+00, v43;
	v63 =	vld.idx.msk [tilespmem:v59+s17+$0x0], $0xffff  }
0x17f: {  	v21 =	vor.u32 v15, v21;
	v18 =	vld.idx.msk [tilespmem:v18+s17+$0x0], $0xffff;
	[tilespmem:s9+$0x460] =	vst v29;
	v29 =	vadd.f32 v30, v20;
	v30 =	vmul.f32 $8.000000000e+00, v47  }
0x180: {  	v39 =	vor.u32 v15, v39;
	v17 =	vld.idx.msk [tilespmem:v17+s17+$0x0], $0xffff;
	[tilespmem:s7+$0x460] =	vst v28;
	v28 =	vadd.f32 v31, v24;
	v31 =	vmul.f32 $8.000000000e+00, v60  }
0x181: {  	v26 =	vld.idx.msk [tilespmem:v26+s17+$0x0], $0xffff;
	v30 =	vadd.f32 v30, v22;
	[tilespmem:s10+$0x460] =	vst v29;
	v29 =	vmul.f32 $8.000000000e+00, v40;
	v40 =	vor.u32 v15, v34  }
0x182: {  	v41 =	vor.u32 v15, v36;
	v23 =	vld.idx.msk [tilespmem:v23+s17+$0x0], $0xffff;
	[tilespmem:s12+$0x460] =	vst v28;
	v28 =	vadd.f32 v31, v38;
	v31 =	vmul.f32 $8.000000000e+00, v62  }
0x183: {  	v25 =	vld.idx.msk [tilespmem:v25+s17+$0x0], $0xffff;
	[tilespmem:s4+$0x460] =	vst v30;
	v29 =	vadd.f32 v29, v37;
	v30 =	vmul.f32 $8.000000000e+00, v63  }
0x184: {  	v42 =	vor.u32 v15, v32;
	v18 =	vmul.f32 $8.000000000e+00, v18;
	v21 =	vld.idx.msk [tilespmem:v21+s17+$0x0], $0xffff;
	[tilespmem:s22+$0x460] =	vst v28;
	v28 =	vadd.f32 v31, v33  }
0x185: {  	v17 =	vmul.f32 $8.000000000e+00, v17;
	[tilespmem:s23+$0x460] =	vst v29;
	v31 =	vld.idx.msk [tilespmem:v39+s17+$0x0], $0xffff;
	v30 =	vadd.f32 v30, v35  }
0x186: {  	v18 =	vadd.f32 v18, v19;
	v19 =	vmul.f32 $8.000000000e+00, v26;
	v26 =	vld.idx.msk [tilespmem:v40+s17+$0x0], $0xffff;
	[tilespmem:s29+$0x460] =	vst v28  }
0x187: {  	v16 =	vadd.f32 v17, v16;
	v17 =	vmul.f32 $8.000000000e+00, v23;
	v23 =	vld.idx.msk [tilespmem:v41+s17+$0x0], $0xffff;
	[tilespmem:s26+$0x460] =	vst v30  }
0x188: {  	[tilespmem:s6+$0x470] =	vst v18;
	v18 =	vadd.f32 v19, v27;
	v19 =	vmul.f32 $8.000000000e+00, v25  }
0x189: {  	v25 =	vld.idx.msk [tilespmem:v42+s17+$0x0], $0xffff;
	[tilespmem:s9+$0x470] =	vst v16;
	v16 =	vadd.f32 v17, v20;
	v17 =	vmul.f32 $8.000000000e+00, v21  }
0x18a: {  	[tilespmem:s7+$0x470] =	vst v18;
	v18 =	vadd.f32 v19, v24;
	v19 =	vmul.f32 $8.000000000e+00, v31  }
0x18b: {  	[tilespmem:s10+$0x470] =	vst v16;
	v16 =	vadd.f32 v17, v22;
	v17 =	vmul.f32 $8.000000000e+00, v26  }
0x18c: {  	[tilespmem:s12+$0x470] =	vst v18;
	v18 =	vadd.f32 v19, v38;
	v19 =	vmul.f32 $8.000000000e+00, v23  }
0x18d: {  	[tilespmem:s4+$0x470] =	vst v16;
	v16 =	vadd.f32 v17, v37  }
0x18e: {  	v17 =	vmul.f32 $8.000000000e+00, v25;
	[tilespmem:s22+$0x470] =	vst v18;
	v18 =	vadd.f32 v19, v33  }
0x18f: {  	s22 =	sshll.u32 s18, $0x8;
	[tilespmem:s23+$0x470] =	vst v16  }
0x190: {  	s24 =	sshll.u32 s14, $0xF;
	v16 =	vadd.f32 v17, v35;
	s1 =	sand.u32 $0xE00, s22;
	[tilespmem:s29+$0x470] =	vst v18;
	s29 =	rddreg [dreg:$0x2]  }
0x191: {  	s6 =	simm.s32 $0x8000;
	s7 =	simm.s32 $0x8200;
	s1 =	sadd.s32 s29, s1  }
0x192: {  	s4 =	simm.s32 $0x800;
	s18 =	sadd.s32 s8, s2;
	[tilespmem:s26+$0x470] =	vst v16;
	s1 =	sadd.s32 s24, s1  }
0x193: {  	[hbm4b:s1+s4] =	stream.strided.scatter [tilespmem:s7], [sflag:$0x3], $0x4000, s6, s4, $0x38;
	[tilespmem:$0x13400] =	vst v63  }
0x194: {  	s1 =	sadd.s32 @!p0 $0x2, s18;
	s4 =	simm.s32 @!p0 $0x100;
	_ =	swait.ge [sflag:s28], $0x2000  }
0x195: {  	s2 =	sshll.u32 @!p0 s1, $0x5;
	s3 =	sshll.u32 @!p0 s1, $0x8;
	[sflag:s28] =	ssyncset.done $0x0  }
0x196: {  	s1 =	sand.u32 @!p0 $0x70, s1;
	s2 =	sand.u32 @!p0 $0xFFFF000, s2;
	[sflag:s28] =	ssyncadd.s32 $0xFFFFE000  }
0x197: {  	s3 =	sand.u32 @!p0 $0xF00, s3;
	s1 =	sadd.s32 @!p0 s25, s1;
	_ =	swait.ge [sflag:s28], $0x2000  }
0x198: {  	s2 =	sor.u32 @!p0 s3, s2;
	s3 =	simm.s32 @!p0 $0x400;
	[sflag:s28] =	ssyncset.done $0x0  }
0x199: {  	s1 =	sadd.s32 @!p0 s2, s1;
	s2 =	simm.s32 @!p0 $0x80;
	[sflag:s28] =	ssyncadd.s32 $0xFFFFE000  }
0x19a: {  	[tilespmem:s4], [sflag:$0x6] =	stream.strided.gather @!p0 [hbm4b:s1+s2], $0x100, s3, s2, $0x38;
	[tilespmem:$0x13400] =	vst v63  }
0x19b: {  	s1 =	simm.s32 @!p0 $0x5  }
0x19c: {  	p1 =	seq.s32 @!p0 s0, $0x0;
	_ =	swait.ge @!p0 [sflag:s1], $0x100  }
0x19d: {  	s9 =	simm.s32 $0x3;
	s10 =	simm.s32 $0x1;
	[sflag:s1] =	ssyncset.done @!p0 $0x0  }
0x19e: {  	v16 =	vmov s9;
	s3 =	simm.s32 @!p0 $0x200;
	[sflag:s1] =	ssyncadd.s32 @!p0 $0xFFFFFF00;
	s1 =	simm.s32 @!p0 $0x0  }
0x19f: {  	v17 =	vmov s10;
	v16 =	vand.u32 $0x3F, v16;
	[tilespmem:s3], [sflag:$0x1] =	stream.indirect.gather @!p0 [hbm4b:s5+s2], $0x40, s1, s2, $0xb8;
	[tilespmem:$0x13400] =	vst v63  }
0x1a0: {  	s15 =	simm.s32 $0x2;
	s14 =	sshrl.u32 s18, $0x4;
	v17 =	vand.u32 $0x3D, v17;
	v31 =	vbroadcast v16, $0x0;
	s1 =	simm.s32 @!p0 $0x2200  }
0x1a1: {  	v21 =	vbroadcast v17, $0x0;
	[tilespmem:s1], [sflag:$0x1] =	stream.indirect.gather @!p0 [hbm4b:s5+s2], $0x40, s2, s2, $0xb8;
	[tilespmem:$0x13400] =	vst v63  }
0x1a2: {  	s12 =	sshll.u32 s14, $0x6;
	v17 =	vmov s15;
	v16 =	vor.u32 v0, v31;
	p0 =	por p0, !p1  }
0x1a3: {  	v33 =	vmov s12;
	v17 =	vand.u32 $0x3E, v17;
	v18 =	vor.u32 v0, v21;
	s1 =	simm.s32 @p0 $0x4  }
0x1a4: {  	v19 =	vbroadcast v17, $0x0;
	v20 =	vor.u32 v33, v31;
	_ =	swait.ge @p0 [sflag:s1], $0x4000  }
0x1a5: {  	s16 =	simm.s32 $0x0;
	v22 =	vor.u32 v33, v21;
	[sflag:s1] =	ssyncset.done @p0 $0x0  }
0x1a6: {  	v17 =	vmov s16;
	v24 =	vor.u32 v0, v19;
	[sflag:s1] =	ssyncadd.s32 @p0 $0xFFFFC000  }
0x1a7: {  	v17 =	vand.u32 $0x3C, v17;
	v16 =	vld.idx.msk [tilespmem:v16+s21+$0x0], $0xffff  }
0x1a8: {  	v17 =	vbroadcast v17, $0x0;
	v26 =	vor.u32 v33, v19;
	v25 =	vld.idx.msk [tilespmem:v18+s21+$0x0], $0xffff  }
0x1a9: {  	v23 =	vld.idx.msk [tilespmem:v20+s11+$0x0], $0xffff  }
0x1aa: {  	v27 =	vor.u32 v0, v17;
	v18 =	vld.idx.msk [tilespmem:v22+s11+$0x0], $0xffff  }
0x1ab: {  	v28 =	vor.u32 v33, v17;
	v22 =	vld.idx.msk [tilespmem:v24+s21+$0x0], $0xffff  }
0x1ac: {  	v24 =	vor.u32 v1, v31;
	v16 =	vmul.f32 $8.000000000e+00, v16  }
0x1ad: {  	s22 =	simm.s32 $0x180;
	s1 =	sand.u32 $0x3800, s16;
	v20 =	vld.idx.msk [tilespmem:v26+s11+$0x0], $0xffff;
	v26 =	vor.u32 v1, v21;
	v25 =	vmul.f32 $8.000000000e+00, v25  }
0x1ae: {  	s23 =	simm.s32 $0x80;
	s2 =	sand.u32 $0x380, s22;
	s1 =	sor.u32 $0xC200, s1;
	v16 =	vadd.f32 v16, v23  }
0x1af: {  	s24 =	sand.u32 $0x280, s23;
	v27 =	vld.idx.msk [tilespmem:v27+s21+$0x0], $0xffff;
	s7 =	sadd.s32 s2, s1;
	v25 =	vadd.f32 v25, v18  }
0x1b0: {  	v29 =	vor.u32 v1, v19;
	s10 =	sadd.s32 s24, s1;
	v22 =	vmul.f32 $8.000000000e+00, v22;
	[tilespmem:s7+$0x0] =	vst v16;
	v16 =	vld.idx.msk [tilespmem:v28+s11+$0x0], $0xffff  }
0x1b1: {  	s31 =	smov.u32 s25;
	s25 =	simm.s32 $0x100;
	[tilespmem:s10+$0x0] =	vst v25;
	v24 =	vld.idx.msk [tilespmem:v24+s21+$0x0], $0xffff  }
0x1b2: {  	s2 =	sand.u32 $0x300, s25;
	v22 =	vadd.f32 v22, v20;
	v25 =	vld.idx.msk [tilespmem:v26+s21+$0x0], $0xffff  }
0x1b3: {  	s6 =	sadd.s32 s2, s1  }
0x1b4: {  	v27 =	vmul.f32 $8.000000000e+00, v27;
	[tilespmem:s6+$0x0] =	vst v22;
	v26 =	vor.u32 v1, v17  }
0x1b5: {  	s26 =	simm.s32 $0x0;
	v22 =	vld.idx.msk [tilespmem:v29+s21+$0x0], $0xffff  }
0x1b6: {  	s2 =	sand.u32 $0x200, s26;
	v28 =	vor.u32 v2, v31;
	v27 =	vadd.f32 v27, v16;
	v24 =	vmul.f32 $8.000000000e+00, v24  }
0x1b7: {  	s9 =	sadd.s32 s2, s1;
	v29 =	vor.u32 v2, v21;
	v25 =	vmul.f32 $8.000000000e+00, v25  }
0x1b8: {  	[tilespmem:s9+$0x0] =	vst v27;
	v24 =	vadd.f32 v24, v23  }
0x1b9: {  	v26 =	vld.idx.msk [tilespmem:v26+s21+$0x0], $0xffff;
	v25 =	vadd.f32 v25, v18  }
0x1ba: {  	v22 =	vmul.f32 $8.000000000e+00, v22;
	[tilespmem:s7+$0x10] =	vst v24;
	v24 =	vor.u32 v2, v19  }
0x1bb: {  	[tilespmem:s10+$0x10] =	vst v25;
	v27 =	vld.idx.msk [tilespmem:v28+s21+$0x0], $0xffff  }
0x1bc: {  	v22 =	vadd.f32 v22, v20;
	v25 =	vld.idx.msk [tilespmem:v29+s21+$0x0], $0xffff;
	_ =	sdelay $0x1  }
0x1bd: {  	[tilespmem:s6+$0x10] =	vst v22;
	v28 =	vor.u32 v2, v17;
	v26 =	vmul.f32 $8.000000000e+00, v26  }
0x1be: {  	v22 =	vld.idx.msk [tilespmem:v24+s21+$0x0], $0xffff  }
0x1bf: {  	v26 =	vadd.f32 v26, v16;
	v24 =	vmul.f32 $8.000000000e+00, v27;
	v27 =	vor.u32 v3, v31  }
0x1c0: {  	v29 =	vor.u32 v3, v21;
	v25 =	vmul.f32 $8.000000000e+00, v25  }
0x1c1: {  	[tilespmem:s9+$0x10] =	vst v26;
	v24 =	vadd.f32 v24, v23  }
0x1c2: {  	v26 =	vld.idx.msk [tilespmem:v28+s21+$0x0], $0xffff;
	v25 =	vadd.f32 v25, v18  }
0x1c3: {  	[tilespmem:s7+$0x20] =	vst v24;
	v22 =	vmul.f32 $8.000000000e+00, v22;
	v24 =	vor.u32 v3, v19  }
0x1c4: {  	[tilespmem:s10+$0x20] =	vst v25;
	v27 =	vld.idx.msk [tilespmem:v27+s21+$0x0], $0xffff  }
0x1c5: {  	v25 =	vld.idx.msk [tilespmem:v29+s21+$0x0], $0xffff;
	v22 =	vadd.f32 v22, v20;
	_ =	sdelay $0x1  }
0x1c6: {  	v28 =	vor.u32 v3, v17;
	v26 =	vmul.f32 $8.000000000e+00, v26;
	[tilespmem:s6+$0x20] =	vst v22  }
0x1c7: {  	v22 =	vld.idx.msk [tilespmem:v24+s21+$0x0], $0xffff  }
0x1c8: {  	v26 =	vadd.f32 v26, v16;
	v24 =	vmul.f32 $8.000000000e+00, v27;
	v27 =	vor.u32 v4, v31  }
0x1c9: {  	v29 =	vor.u32 v4, v21;
	v25 =	vmul.f32 $8.000000000e+00, v25  }
0x1ca: {  	[tilespmem:s9+$0x20] =	vst v26;
	v24 =	vadd.f32 v24, v23  }
0x1cb: {  	v26 =	vld.idx.msk [tilespmem:v28+s21+$0x0], $0xffff;
	v25 =	vadd.f32 v25, v18  }
0x1cc: {  	[tilespmem:s7+$0x30] =	vst v24;
	v22 =	vmul.f32 $8.000000000e+00, v22;
	v24 =	vor.u32 v4, v19  }
0x1cd: {  	[tilespmem:s10+$0x30] =	vst v25;
	v27 =	vld.idx.msk [tilespmem:v27+s21+$0x0], $0xffff  }
0x1ce: {  	v25 =	vld.idx.msk [tilespmem:v29+s21+$0x0], $0xffff;
	v22 =	vadd.f32 v22, v20;
	_ =	sdelay $0x1  }
0x1cf: {  	v28 =	vor.u32 v4, v17;
	v26 =	vmul.f32 $8.000000000e+00, v26;
	[tilespmem:s6+$0x30] =	vst v22  }
0x1d0: {  	v22 =	vld.idx.msk [tilespmem:v24+s21+$0x0], $0xffff  }
0x1d1: {  	v26 =	vadd.f32 v26, v16;
	v24 =	vmul.f32 $8.000000000e+00, v27;
	v27 =	vor.u32 v5, v31  }
0x1d2: {  	v29 =	vor.u32 v5, v21;
	v25 =	vmul.f32 $8.000000000e+00, v25  }
0x1d3: {  	s29 =	simm.s32 $0x4;
	[tilespmem:s9+$0x30] =	vst v26;
	v24 =	vadd.f32 v24, v23  }
0x1d4: {  	v30 =	vmov s29;
	v28 =	vld.idx.msk [tilespmem:v28+s21+$0x0], $0xffff;
	v25 =	vadd.f32 v25, v18  }
0x1d5: {  	v43 =	vor.u32 v5, v19;
	s2 =	simm.s32 $0x5;
	v26 =	vand.u32 $0x3C, v30;
	[tilespmem:s7+$0x40] =	vst v24;
	v22 =	vmul.f32 $8.000000000e+00, v22  }
0x1d6: {  	v30 =	vmov s2;
	v24 =	vbroadcast v26, $0x0;
	[tilespmem:s10+$0x40] =	vst v25;
	v27 =	vld.idx.msk [tilespmem:v27+s21+$0x0], $0xffff  }
0x1d7: {  	v26 =	vand.u32 $0x3D, v30;
	v30 =	vld.idx.msk [tilespmem:v29+s21+$0x0], $0xffff;
	v22 =	vadd.f32 v22, v20  }
0x1d8: {  	v26 =	vbroadcast v26, $0x0;
	v44 =	vor.u32 v0, v24  }
0x1d9: {  	v46 =	vor.u32 v5, v17;
	s3 =	simm.s32 $0x7;
	v28 =	vmul.f32 $8.000000000e+00, v28;
	[tilespmem:s6+$0x40] =	vst v22  }
0x1da: {  	v47 =	vor.u32 v6, v31;
	v29 =	vmov s3;
	v50 =	vor.u32 v0, v26;
	v22 =	vld.idx.msk [tilespmem:v43+s21+$0x0], $0xffff  }
0x1db: {  	v29 =	vand.u32 $0x3F, v29;
	v28 =	vadd.f32 v28, v16;
	v27 =	vmul.f32 $8.000000000e+00, v27  }
0x1dc: {  	v48 =	vor.u32 v6, v21;
	s4 =	simm.s32 $0x6;
	v29 =	vbroadcast v29, $0x0;
	v30 =	vmul.f32 $8.000000000e+00, v30  }
0x1dd: {  	v49 =	vmov s4;
	v45 =	vor.u32 v33, v26;
	v34 =	vld.idx.msk [tilespmem:v44+s21+$0x0], $0xffff;
	[tilespmem:s9+$0x40] =	vst v28;
	v27 =	vadd.f32 v27, v23  }
0x1de: {  	v51 =	vor.u32 v0, v29;
	v28 =	vand.u32 $0x3E, v49;
	v36 =	vld.idx.msk [tilespmem:v46+s21+$0x0], $0xffff;
	v30 =	vadd.f32 v30, v18  }
0x1df: {  	v52 =	vor.u32 v6, v19;
	v28 =	vbroadcast v28, $0x0;
	v39 =	vld.idx.msk [tilespmem:v50+s21+$0x0], $0xffff;
	[tilespmem:s7+$0x50] =	vst v27;
	v27 =	vmul.f32 $8.000000000e+00, v22  }
0x1e0: {  	v53 =	vor.u32 v33, v29;
	[tilespmem:s10+$0x50] =	vst v30;
	v32 =	vld.idx.msk [tilespmem:v47+s21+$0x0], $0xffff  }
0x1e1: {  	v54 =	vor.u32 v0, v28;
	v37 =	vld.idx.msk [tilespmem:v48+s21+$0x0], $0xffff;
	v27 =	vadd.f32 v27, v20  }
0x1e2: {  	v22 =	vld.idx.msk [tilespmem:v45+s11+$0x0], $0xffff;
	v55 =	vor.u32 v33, v28  }
0x1e3: {  	v56 =	vor.u32 v6, v17;
	v38 =	vld.idx.msk [tilespmem:v51+s21+$0x0], $0xffff;
	v30 =	vmul.f32 $8.000000000e+00, v36;
	[tilespmem:s6+$0x50] =	vst v27  }
0x1e4: {  	v25 =	vor.u32 v33, v24;
	v40 =	vld.idx.msk [tilespmem:v52+s21+$0x0], $0xffff  }
0x1e5: {  	v57 =	vor.u32 v7, v31;
	v58 =	vadd.f32 v30, v16;
	v30 =	vld.idx.msk [tilespmem:v53+s11+$0x0], $0xffff;
	v27 =	vmul.f32 $8.000000000e+00, v32  }
0x1e6: {  	v60 =	vor.u32 v7, v21;
	v59 =	vld.idx.msk [tilespmem:v54+s21+$0x0], $0xffff;
	v37 =	vmul.f32 $8.000000000e+00, v37  }
0x1e7: {  	[tilespmem:s9+$0x50] =	vst v58;
	v61 =	vadd.f32 v27, v23;
	v27 =	vld.idx.msk [tilespmem:v55+s11+$0x0], $0xffff  }
0x1e8: {  	s2 =	simm.s32 $0x400;
	v62 =	vor.u32 v1, v29;
	v38 =	vmul.f32 $8.000000000e+00, v38;
	v36 =	vld.idx.msk [tilespmem:v56+s21+$0x0], $0xffff;
	v37 =	vadd.f32 v37, v18  }
0x1e9: {  	v63 =	vor.u32 v7, v19;
	s22 =	simm.s32 $0x380;
	s12 =	sand.u32 $0x3800, s2;
	v25 =	vld.idx.msk [tilespmem:v25+s11+$0x0], $0xffff;
	[tilespmem:s7+$0x60] =	vst v61;
	v40 =	vmul.f32 $8.000000000e+00, v40  }
0x1ea: {  	s15 =	sand.u32 $0x380, s22;
	s1 =	sor.u32 $0xC200, s12;
	v48 =	vor.u32 v1, v26;
	v39 =	vmul.f32 $8.000000000e+00, v39;
	v38 =	vadd.f32 v38, v30;
	[tilespmem:s10+$0x60] =	vst v37;
	v32 =	vld.idx.msk [tilespmem:v57+s21+$0x0], $0xffff  }
0x1eb: {  	s16 =	simm.s32 $0x280;
	s12 =	sadd.s32 s15, s1;
	v49 =	vor.u32 v1, v28;
	v35 =	vmul.f32 $8.000000000e+00, v59;
	v41 =	vld.idx.msk [tilespmem:v60+s21+$0x0], $0xffff;
	v40 =	vadd.f32 v40, v20  }
0x1ec: {  	s23 =	simm.s32 $0x300;
	s4 =	sand.u32 $0x280, s16;
	v50 =	vor.u32 v1, v24;
	v34 =	vmul.f32 $8.000000000e+00, v34;
	v39 =	vadd.f32 v39, v22;
	[tilespmem:s12+$0x0] =	vst v38  }
0x1ed: {  	s24 =	simm.s32 $0x200;
	s16 =	sadd.s32 s4, s1;
	s3 =	sand.u32 $0x300, s23;
	v51 =	vor.u32 v7, v17;
	v36 =	vmul.f32 $8.000000000e+00, v36;
	v42 =	vld.idx.msk [tilespmem:v62+s21+$0x0], $0xffff;
	v35 =	vadd.f32 v35, v27;
	[tilespmem:s6+$0x60] =	vst v40  }
0x1ee: {  	s15 =	sand.u32 $0x200, s24;
	s4 =	sadd.s32 s3, s1;
	v34 =	vadd.f32 v34, v25;
	[tilespmem:s16+$0x0] =	vst v39;
	v52 =	vld.idx.msk [tilespmem:v63+s21+$0x0], $0xffff  }
0x1ef: {  	s30 =	sadd.s32 s15, s1;
	v53 =	vor.u32 v8, v31;
	v54 =	vld.idx.msk [tilespmem:v48+s21+$0x0], $0xffff;
	v36 =	vadd.f32 v36, v16;
	[tilespmem:s4+$0x0] =	vst v35;
	v32 =	vmul.f32 $8.000000000e+00, v32  }
0x1f0: {  	[tilespmem:s30+$0x0] =	vst v34;
	v57 =	vor.u32 v8, v21;
	v55 =	vld.idx.msk [tilespmem:v49+s21+$0x0], $0xffff;
	v56 =	vmul.f32 $8.000000000e+00, v41  }
0x1f1: {  	v58 =	vld.idx.msk [tilespmem:v50+s21+$0x0], $0xffff;
	[tilespmem:s9+$0x60] =	vst v36;
	v32 =	vadd.f32 v32, v23  }
0x1f2: {  	v60 =	vor.u32 v2, v29;
	v59 =	vmul.f32 $8.000000000e+00, v42;
	v38 =	vld.idx.msk [tilespmem:v51+s21+$0x0], $0xffff;
	v35 =	vadd.f32 v56, v18  }
0x1f3: {  	v62 =	vor.u32 v8, v19;
	[tilespmem:s7+$0x70] =	vst v32;
	v61 =	vmul.f32 $8.000000000e+00, v52  }
0x1f4: {  	v43 =	vmul.f32 $8.000000000e+00, v54;
	v63 =	vor.u32 v2, v26;
	v36 =	vadd.f32 v59, v30;
	[tilespmem:s10+$0x70] =	vst v35;
	v40 =	vld.idx.msk [tilespmem:v53+s21+$0x0], $0xffff  }
0x1f5: {  	v48 =	vor.u32 v2, v28;
	v35 =	vld.idx.msk [tilespmem:v57+s21+$0x0], $0xffff;
	v34 =	vmul.f32 $8.000000000e+00, v55;
	v32 =	vadd.f32 v61, v20  }
0x1f6: {  	v50 =	vor.u32 v2, v24;
	v43 =	vadd.f32 v43, v22;
	v49 =	vmul.f32 $8.000000000e+00, v58;
	[tilespmem:s12+$0x10] =	vst v36  }
0x1f7: {  	v53 =	vor.u32 v8, v17;
	v42 =	vld.idx.msk [tilespmem:v60+s21+$0x0], $0xffff;
	v51 =	vadd.f32 v34, v27;
	v52 =	vmul.f32 $8.000000000e+00, v38;
	[tilespmem:s6+$0x70] =	vst v32  }
0x1f8: {  	[tilespmem:s16+$0x10] =	vst v43;
	v36 =	vadd.f32 v49, v25;
	v39 =	vld.idx.msk [tilespmem:v62+s21+$0x0], $0xffff  }
0x1f9: {  	v54 =	vor.u32 v9, v31;
	v44 =	vld.idx.msk [tilespmem:v63+s21+$0x0], $0xffff;
	[tilespmem:s4+$0x10] =	vst v51;
	v55 =	vadd.f32 v52, v16;
	v40 =	vmul.f32 $8.000000000e+00, v40  }
0x1fa: {  	v57 =	vor.u32 v9, v21;
	[tilespmem:s30+$0x10] =	vst v36;
	v56 =	vld.idx.msk [tilespmem:v48+s21+$0x0], $0xffff;
	v35 =	vmul.f32 $8.000000000e+00, v35  }
0x1fb: {  	v59 =	vld.idx.msk [tilespmem:v50+s21+$0x0], $0xffff;
	[tilespmem:s9+$0x70] =	vst v55;
	v58 =	vadd.f32 v40, v23  }
0x1fc: {  	v61 =	vor.u32 v3, v29;
	v60 =	vmul.f32 $8.000000000e+00, v42;
	v38 =	vld.idx.msk [tilespmem:v53+s21+$0x0], $0xffff;
	v35 =	vadd.f32 v35, v18  }
0x1fd: {  	v63 =	vor.u32 v9, v19;
	[tilespmem:s7+$0x400] =	vst v58;
	v62 =	vmul.f32 $8.000000000e+00, v39  }
0x1fe: {  	v49 =	vmul.f32 $8.000000000e+00, v44;
	v50 =	vor.u32 v3, v26;
	v32 =	vadd.f32 v60, v30;
	[tilespmem:s10+$0x400] =	vst v35;
	v48 =	vld.idx.msk [tilespmem:v54+s21+$0x0], $0xffff  }
0x1ff: {  	v52 =	vor.u32 v3, v28;
	v35 =	vld.idx.msk [tilespmem:v57+s21+$0x0], $0xffff;
	v34 =	vmul.f32 $8.000000000e+00, v56;
	v51 =	vadd.f32 v62, v20  }
0x200: {  	v43 =	vadd.f32 v49, v22;
	v53 =	vmul.f32 $8.000000000e+00, v59;
	v54 =	vor.u32 v3, v24;
	[tilespmem:s12+$0x20] =	vst v32  }
0x201: {  	v56 =	vor.u32 v9, v17;
	v41 =	vld.idx.msk [tilespmem:v61+s21+$0x0], $0xffff;
	v34 =	vadd.f32 v34, v27;
	v55 =	vmul.f32 $8.000000000e+00, v38;
	[tilespmem:s6+$0x400] =	vst v51  }
0x202: {  	[tilespmem:s16+$0x20] =	vst v43;
	v32 =	vadd.f32 v53, v25;
	v39 =	vld.idx.msk [tilespmem:v63+s21+$0x0], $0xffff  }
0x203: {  	s26 =	simm.s32 $0x9;
	v44 =	vld.idx.msk [tilespmem:v50+s21+$0x0], $0xffff;
	v57 =	vor.u32 v10, v31;
	[tilespmem:s4+$0x20] =	vst v34;
	v59 =	vadd.f32 v55, v16;
	v42 =	vmul.f32 $8.000000000e+00, v48  }
0x204: {  	s25 =	simm.s32 $0x8;
	v45 =	vmov s26;
	v62 =	vor.u32 v10, v21;
	[tilespmem:s30+$0x20] =	vst v32;
	v60 =	vld.idx.msk [tilespmem:v52+s21+$0x0], $0xffff;
	v61 =	vmul.f32 $8.000000000e+00, v35  }
0x205: {  	v58 =	vmov s25;
	v50 =	vor.u32 v4, v29;
	v40 =	vld.idx.msk [tilespmem:v54+s21+$0x0], $0xffff;
	[tilespmem:s9+$0x400] =	vst v59;
	v63 =	vadd.f32 v42, v23  }
0x206: {  	v55 =	vor.u32 v10, v19;
	v49 =	vmul.f32 $8.000000000e+00, v41;
	v38 =	vld.idx.msk [tilespmem:v56+s21+$0x0], $0xffff;
	v53 =	vadd.f32 v61, v18  }
0x207: {  	v48 =	vand.u32 $0x3C, v58;
	v58 =	vor.u32 v4, v26;
	[tilespmem:s7+$0x410] =	vst v63;
	v54 =	vmul.f32 $8.000000000e+00, v39  }
0x208: {  	v52 =	vor.u32 v4, v24;
	v34 =	vadd.f32 v49, v30;
	[tilespmem:s10+$0x410] =	vst v53;
	v56 =	vld.idx.msk [tilespmem:v57+s21+$0x0], $0xffff;
	v57 =	vmul.f32 $8.000000000e+00, v44  }
0x209: {  	v59 =	vor.u32 v4, v28;
	v35 =	vld.idx.msk [tilespmem:v62+s21+$0x0], $0xffff;
	v36 =	vmul.f32 $8.000000000e+00, v60;
	v37 =	vadd.f32 v54, v20  }
0x20a: {  	v32 =	vbroadcast v48, $0x0;
	v51 =	vmul.f32 $8.000000000e+00, v40;
	[tilespmem:s12+$0x30] =	vst v34;
	v43 =	vadd.f32 v57, v22  }
0x20b: {  	s29 =	simm.s32 $0xA;
	v61 =	vor.u32 v10, v17;
	v41 =	vld.idx.msk [tilespmem:v50+s21+$0x0], $0xffff;
	v36 =	vadd.f32 v36, v27;
	v60 =	vmul.f32 $8.000000000e+00, v38;
	[tilespmem:s6+$0x410] =	vst v37  }
0x20c: {  	v63 =	vor.u32 v33, v32;
	v62 =	vmov s29;
	v34 =	vadd.f32 v51, v25;
	[tilespmem:s16+$0x30] =	vst v43;
	v39 =	vld.idx.msk [tilespmem:v55+s21+$0x0], $0xffff  }
0x20d: {  	v43 =	vor.u32 v11, v31;
	[tilespmem:s4+$0x30] =	vst v36;
	v53 =	vadd.f32 v60, v16;
	v42 =	vmul.f32 $8.000000000e+00, v56;
	v44 =	vld.idx.msk [tilespmem:v58+s21+$0x0], $0xffff  }
0x20e: {  	v51 =	vor.u32 v11, v19;
	[tilespmem:s30+$0x30] =	vst v34;
	v55 =	vor.u32 v11, v21;
	v37 =	vld.idx.msk [tilespmem:v59+s21+$0x0], $0xffff;
	v54 =	vmul.f32 $8.000000000e+00, v35  }
0x20f: {  	v57 =	vand.u32 $0x3D, v45;
	v59 =	vor.u32 v0, v32;
	v49 =	vld.idx.msk [tilespmem:v52+s21+$0x0], $0xffff;
	[tilespmem:s9+$0x410] =	vst v53;
	v56 =	vadd.f32 v42, v23  }
0x210: {  	v60 =	vmul.f32 $8.000000000e+00, v41;
	v41 =	vor.u32 v5, v29;
	v38 =	vld.idx.msk [tilespmem:v61+s21+$0x0], $0xffff;
	v61 =	vadd.f32 v54, v18  }
0x211: {  	v34 =	vbroadcast v57, $0x0;
	v58 =	vand.u32 $0x3E, v62;
	v35 =	vld.idx.msk [tilespmem:v63+s11+$0x0], $0xffff;
	[tilespmem:s7+$0x420] =	vst v56;
	v39 =	vmul.f32 $8.000000000e+00, v39  }
0x212: {  	v63 =	vor.u32 v5, v26;
	v56 =	vadd.f32 v60, v30;
	[tilespmem:s10+$0x420] =	vst v61;
	v43 =	vld.idx.msk [tilespmem:v43+s21+$0x0], $0xffff;
	v62 =	vmul.f32 $8.000000000e+00, v44  }
0x213: {  	v36 =	vbroadcast v58, $0x0;
	v57 =	vor.u32 v33, v34;
	v58 =	vld.idx.msk [tilespmem:v55+s21+$0x0], $0xffff;
	v39 =	vadd.f32 v39, v20  }
0x214: {  	v46 =	vld.idx.msk [tilespmem:v59+s21+$0x0], $0xffff;
	v37 =	vmul.f32 $8.000000000e+00, v37;
	v59 =	vor.u32 v5, v28;
	[tilespmem:s12+$0x40] =	vst v56;
	v42 =	vadd.f32 v62, v22  }
0x215: {  	v47 =	vor.u32 v6, v26;
	v60 =	vor.u32 v5, v24;
	v49 =	vmul.f32 $8.000000000e+00, v49;
	v50 =	vld.idx.msk [tilespmem:v41+s21+$0x0], $0xffff;
	[tilespmem:s6+$0x420] =	vst v39  }
0x216: {  	v40 =	vor.u32 v11, v17;
	v61 =	vadd.f32 v37, v27;
	v38 =	vmul.f32 $8.000000000e+00, v38;
	[tilespmem:s16+$0x40] =	vst v42;
	v44 =	vld.idx.msk [tilespmem:v51+s21+$0x0], $0xffff  }
0x217: {  	v54 =	vor.u32 v0, v34;
	v62 =	vadd.f32 v49, v25;
	v49 =	vld.idx.msk [tilespmem:v63+s21+$0x0], $0xffff;
	v63 =	vmul.f32 $8.000000000e+00, v43  }
0x218: {  	v37 =	vld.idx.msk [tilespmem:v57+s11+$0x0], $0xffff;
	[tilespmem:s4+$0x40] =	vst v61;
	v38 =	vadd.f32 v38, v16;
	v43 =	vor.u32 v12, v31  }
0x219: {  	v53 =	vor.u32 v33, v36;
	[tilespmem:s30+$0x40] =	vst v62;
	v51 =	vld.idx.msk [tilespmem:v59+s21+$0x0], $0xffff;
	v45 =	vadd.f32 v63, v23  }
0x21a: {  	s23 =	simm.s32 $0xC;
	s1 =	simm.s32 $0xB;
	v41 =	vor.u32 v12, v19;
	v42 =	vor.u32 v12, v21;
	v48 =	vmul.f32 $8.000000000e+00, v58;
	v52 =	vld.idx.msk [tilespmem:v60+s21+$0x0], $0xffff;
	[tilespmem:s9+$0x420] =	vst v38  }
.LBB2_5:
0x21b: {  	v38 =	vmov s1;
	v39 =	vmul.f32 $8.000000000e+00, v50;
	v50 =	vor.u32 v6, v29;
	[tilespmem:s7+$0x430] =	vst v45;
	v45 =	vmovc v23  }
0x21c: {  	p0 =	slt.u32 s23, $0x3C;
	v55 =	vld.idx.msk [tilespmem:v40+s21+$0x0], $0xffff;
	v23 =	vmovc v30;
	v48 =	vadd.f32 v48, v18;
	v56 =	vmul.f32 $8.000000000e+00, v44;
	v40 =	vmovc v17;
	v17 =	vmov v24  }
0x21d: {  	v24 =	vmovc v32;
	v44 =	vmovc v21;
	v32 =	vmov s23;
	v30 =	vand.u32 $0x3F, v38;
	v57 =	vld.idx.msk [tilespmem:v43+s21+$0x0], $0xffff;
	v58 =	vor.u32 v6, v17  }
0x21e: {  	v21 =	vmovc v26;
	v26 =	vmovc v34;
	v38 =	vld.idx.msk [tilespmem:v53+s11+$0x0], $0xffff;
	v43 =	vbroadcast v30, $0x0;
	v30 =	vmul.f32 $8.000000000e+00, v49;
	v39 =	vadd.f32 v39, v23  }
0x21f: {  	v32 =	vand.u32 $0x3C, v32;
	v53 =	vor.u32 v0, v36;
	v49 =	vld.idx.msk [tilespmem:v54+s21+$0x0], $0xffff;
	[tilespmem:s10+$0x430] =	vst v48;
	v48 =	vadd.f32 v56, v20  }
0x220: {  	v51 =	vmul.f32 $8.000000000e+00, v51;
	v54 =	vor.u32 v0, v43;
	v30 =	vadd.f32 v30, v22;
	[tilespmem:s12+$0x50] =	vst v39;
	v39 =	vld.idx.msk [tilespmem:v42+s21+$0x0], $0xffff  }
0x221: {  	v59 =	vor.u32 v13, v44;
	v42 =	vmul.f32 $8.000000000e+00, v52;
	v52 =	vor.u32 v6, v28;
	v50 =	vld.idx.msk [tilespmem:v50+s21+$0x0], $0xffff;
	[tilespmem:s6+$0x430] =	vst v48  }
0x222: {  	v34 =	vor.u32 v33, v43;
	v48 =	vmul.f32 $8.000000000e+00, v55;
	[tilespmem:s16+$0x50] =	vst v30;
	v30 =	vadd.f32 v51, v27;
	v51 =	vld.idx.msk [tilespmem:v41+s21+$0x0], $0xffff  }
0x223: {  	s1 =	sadd.s32 $0x1, s23;
	v56 =	vor.u32 v13, v31;
	v42 =	vadd.f32 v42, v25;
	v55 =	vmul.f32 $8.000000000e+00, v57;
	v41 =	vmovc v19;
	v47 =	vld.idx.msk [tilespmem:v47+s21+$0x0], $0xffff  }
0x224: {  	v60 =	vor.u32 v1, v24;
	v57 =	vmov s1;
	s1 =	sadd.s32 $0x2, s23;
	v19 =	vmovc v28;
	v53 =	vld.idx.msk [tilespmem:v53+s21+$0x0], $0xffff;
	[tilespmem:s4+$0x50] =	vst v30;
	v30 =	vadd.f32 v48, v16  }
0x225: {  	v28 =	vmovc v36;
	v48 =	vmov s1;
	v55 =	vadd.f32 v55, v45;
	v54 =	vld.idx.msk [tilespmem:v54+s21+$0x0], $0xffff;
	[tilespmem:s30+$0x50] =	vst v42;
	v42 =	vor.u32 v12, v40  }
0x226: {  	v36 =	vor.u32 v7, v17;
	v61 =	vor.u32 v13, v41;
	v62 =	vmul.f32 $8.000000000e+00, v39;
	v52 =	vld.idx.msk [tilespmem:v52+s21+$0x0], $0xffff;
	[tilespmem:s9+$0x430] =	vst v30  }
0x227: {  	v30 =	vld.idx.msk [tilespmem:v34+s11+$0x0], $0xffff;
	v34 =	vmul.f32 $8.000000000e+00, v50;
	v50 =	vor.u32 v7, v29;
	[tilespmem:s7+$0x440] =	vst v55;
	v51 =	vmul.f32 $8.000000000e+00, v51  }
0x228: {  	v39 =	vmov v16;
	v55 =	vadd.f32 v62, v18;
	v62 =	vor.u32 v7, v21;
	v56 =	vld.idx.msk [tilespmem:v56+s21+$0x0], $0xffff  }
0x229: {  	v16 =	vmovc v25;
	v47 =	vmul.f32 $8.000000000e+00, v47;
	v58 =	vld.idx.msk [tilespmem:v58+s21+$0x0], $0xffff;
	v34 =	vadd.f32 v34, v23;
	v25 =	vadd.f32 v51, v20  }
0x22a: {  	v32 =	vbroadcast v32, $0x0;
	v63 =	vor.u32 v7, v19;
	v42 =	vld.idx.msk [tilespmem:v42+s21+$0x0], $0xffff;
	[tilespmem:s10+$0x440] =	vst v55  }
0x22b: {  	s2 =	sadd.s32 $0x400, s2;
	v51 =	vmul.f32 $8.000000000e+00, v54;
	v54 =	vor.u32 v1, v43;
	v47 =	vadd.f32 v47, v22;
	[tilespmem:s12+$0x60] =	vst v34;
	v34 =	vld.idx.msk [tilespmem:v59+s21+$0x0], $0xffff  }
0x22c: {  	s22 =	sadd.s32 $0x200, s22;
	s1 =	sand.u32 $0x3800, s2;
	v55 =	vor.u32 v1, v26;
	v59 =	vor.u32 v1, v28;
	v52 =	vmul.f32 $8.000000000e+00, v52;
	v50 =	vld.idx.msk [tilespmem:v50+s21+$0x0], $0xffff;
	[tilespmem:s6+$0x440] =	vst v25  }
0x22d: {  	v46 =	vmul.f32 $8.000000000e+00, v46;
	s15 =	sadd.s32 $0xFFFFFE80, s22;
	v49 =	vmul.f32 $8.000000000e+00, v49;
	s24 =	sor.u32 $0xC200, s1;
	s1 =	sand.u32 $0x380, s22;
	v51 =	vadd.f32 v51, v30;
	[tilespmem:s16+$0x60] =	vst v47;
	v47 =	vld.idx.msk [tilespmem:v61+s21+$0x0], $0xffff;
	v25 =	vmovc v35  }
0x22e: {  	s26 =	sadd.s32 $0xFFFFFF00, s22;
	s29 =	sadd.s32 $0xFFFFFF80, s22;
	s3 =	sadd.s32 s1, s24;
	v52 =	vadd.f32 v52, v27;
	v56 =	vmul.f32 $8.000000000e+00, v56;
	v35 =	vmovc v18;
	v61 =	vld.idx.msk [tilespmem:v62+s21+$0x0], $0xffff;
	v62 =	vor.u32 v14, v31  }
0x22f: {  	s29 =	sand.u32 $0x300, s29;
	s1 =	sand.u32 $0x200, s15;
	v49 =	vadd.f32 v49, v37;
	s15 =	sand.u32 $0x280, s26;
	v53 =	vmul.f32 $8.000000000e+00, v53;
	v18 =	vmovc v22;
	v22 =	vmovc v37;
	[tilespmem:s3+$0x0] =	vst v51;
	v51 =	vmul.f32 $8.000000000e+00, v58  }
0x230: {  	s26 =	sadd.s32 s1, s24;
	s1 =	sadd.s32 s15, s24;
	s15 =	sadd.s32 s29, s24;
	v37 =	vadd.f32 v46, v25;
	v42 =	vmul.f32 $8.000000000e+00, v42;
	v46 =	vld.idx.msk [tilespmem:v54+s21+$0x0], $0xffff;
	[tilespmem:s4+$0x60] =	vst v52;
	v52 =	vadd.f32 v56, v45  }
0x231: {  	v34 =	vmul.f32 $8.000000000e+00, v34;
	[tilespmem:s1+$0x0] =	vst v49;
	v49 =	vadd.f32 v53, v38;
	v51 =	vadd.f32 v51, v16;
	v53 =	vld.idx.msk [tilespmem:v63+s21+$0x0], $0xffff  }
0x232: {  	v50 =	vmul.f32 $8.000000000e+00, v50;
	v42 =	vadd.f32 v42, v39;
	v54 =	vld.idx.msk [tilespmem:v55+s21+$0x0], $0xffff;
	v55 =	vor.u32 v8, v29;
	[tilespmem:s7+$0x450] =	vst v52  }
0x233: {  	v34 =	vadd.f32 v34, v35;
	v47 =	vmul.f32 $8.000000000e+00, v47;
	[tilespmem:s15+$0x0] =	vst v49;
	v49 =	vor.u32 v13, v40;
	v52 =	vld.idx.msk [tilespmem:v62+s21+$0x0], $0xffff  }
0x234: {  	v58 =	vor.u32 v8, v21;
	v56 =	vmul.f32 $8.000000000e+00, v61;
	v50 =	vadd.f32 v50, v23;
	[tilespmem:s26+$0x0] =	vst v37;
	v37 =	vld.idx.msk [tilespmem:v59+s21+$0x0], $0xffff  }
0x235: {  	v57 =	vand.u32 $0x3D, v57;
	v47 =	vadd.f32 v47, v20;
	v59 =	vld.idx.msk [tilespmem:v60+s21+$0x0], $0xffff;
	[tilespmem:s30+$0x60] =	vst v51;
	v51 =	vor.u32 v14, v44  }
0x236: {  	v46 =	vmul.f32 $8.000000000e+00, v46;
	v60 =	vor.u32 v2, v43;
	v56 =	vadd.f32 v56, v18;
	v61 =	vld.idx.msk [tilespmem:v36+s21+$0x0], $0xffff;
	[tilespmem:s12+$0x70] =	vst v50  }
0x237: {  	v36 =	vand.u32 $0x3E, v48;
	v48 =	vmul.f32 $8.000000000e+00, v53;
	v50 =	vor.u32 v8, v19;
	v53 =	vld.idx.msk [tilespmem:v55+s21+$0x0], $0xffff;
	[tilespmem:s9+$0x440] =	vst v42  }
0x238: {  	v42 =	vmul.f32 $8.000000000e+00, v54;
	v54 =	vor.u32 v2, v26;
	v46 =	vadd.f32 v46, v30;
	[tilespmem:s16+$0x70] =	vst v56;
	v49 =	vld.idx.msk [tilespmem:v49+s21+$0x0], $0xffff  }
0x239: {  	v31 =	vor.u32 v15, v31;
	v48 =	vadd.f32 v48, v27;
	v55 =	vld.idx.msk [tilespmem:v58+s21+$0x0], $0xffff;
	[tilespmem:s10+$0x450] =	vst v34;
	v34 =	vmul.f32 $8.000000000e+00, v52  }
0x23a: {  	v42 =	vadd.f32 v42, v22;
	v37 =	vmul.f32 $8.000000000e+00, v37;
	v52 =	vor.u32 v2, v28;
	[tilespmem:s3+$0x10] =	vst v46;
	v46 =	vld.idx.msk [tilespmem:v51+s21+$0x0], $0xffff  }
0x23b: {  	v56 =	vor.u32 v2, v24;
	v51 =	vmul.f32 $8.000000000e+00, v59;
	v58 =	vld.idx.msk [tilespmem:v60+s21+$0x0], $0xffff;
	[tilespmem:s4+$0x70] =	vst v48;
	v34 =	vadd.f32 v34, v45  }
0x23c: {  	v37 =	vadd.f32 v37, v38;
	v48 =	vor.u32 v8, v17;
	[tilespmem:s1+$0x10] =	vst v42;
	v42 =	vmul.f32 $8.000000000e+00, v61;
	v50 =	vld.idx.msk [tilespmem:v50+s21+$0x0], $0xffff  }
0x23d: {  	v59 =	vor.u32 v9, v29;
	v51 =	vadd.f32 v51, v25;
	v53 =	vmul.f32 $8.000000000e+00, v53;
	v54 =	vld.idx.msk [tilespmem:v54+s21+$0x0], $0xffff;
	[tilespmem:s7+$0x460] =	vst v34  }
0x23e: {  	[tilespmem:s15+$0x10] =	vst v37;
	v34 =	vadd.f32 v42, v16;
	v37 =	vmul.f32 $8.000000000e+00, v49;
	v42 =	vor.u32 v14, v41;
	v31 =	vld.idx.msk [tilespmem:v31+s21+$0x0], $0xffff  }
0x23f: {  	v53 =	vadd.f32 v53, v23;
	[tilespmem:s26+$0x10] =	vst v51;
	v49 =	vld.idx.msk [tilespmem:v52+s21+$0x0], $0xffff;
	v51 =	vmul.f32 $8.000000000e+00, v55;
	v52 =	vor.u32 v9, v21  }
0x240: {  	v55 =	vld.idx.msk [tilespmem:v56+s21+$0x0], $0xffff;
	[tilespmem:s30+$0x70] =	vst v34;
	v37 =	vadd.f32 v37, v39;
	v56 =	vor.u32 v14, v40;
	v34 =	vmul.f32 $8.000000000e+00, v46  }
0x241: {  	v46 =	vmul.f32 $8.000000000e+00, v58;
	v58 =	vor.u32 v3, v43;
	v48 =	vld.idx.msk [tilespmem:v48+s21+$0x0], $0xffff;
	v51 =	vadd.f32 v51, v18;
	[tilespmem:s12+$0x400] =	vst v53  }
0x242: {  	v50 =	vmul.f32 $8.000000000e+00, v50;
	v53 =	vor.u32 v9, v19;
	v59 =	vld.idx.msk [tilespmem:v59+s21+$0x0], $0xffff;
	v60 =	vadd.f32 v34, v35;
	[tilespmem:s6+$0x450] =	vst v47  }
0x243: {  	v47 =	vmul.f32 $8.000000000e+00, v54;
	v54 =	vor.u32 v3, v26;
	v46 =	vadd.f32 v46, v30;
	[tilespmem:s16+$0x400] =	vst v51;
	v42 =	vld.idx.msk [tilespmem:v42+s21+$0x0], $0xffff  }
0x244: {  	v34 =	vbroadcast v57, $0x0;
	v50 =	vadd.f32 v50, v27;
	v51 =	vld.idx.msk [tilespmem:v52+s21+$0x0], $0xffff;
	[tilespmem:s9+$0x450] =	vst v37;
	v37 =	vmul.f32 $8.000000000e+00, v31;
	v31 =	vmovc v29  }
0x245: {  	v29 =	vadd.f32 v47, v22;
	v47 =	vmul.f32 $8.000000000e+00, v49;
	v49 =	vor.u32 v3, v28;
	[tilespmem:s3+$0x20] =	vst v46;
	v46 =	vld.idx.msk [tilespmem:v56+s21+$0x0], $0xffff  }
0x246: {  	v52 =	vmul.f32 $8.000000000e+00, v55;
	v55 =	vor.u32 v3, v24;
	v56 =	vld.idx.msk [tilespmem:v58+s21+$0x0], $0xffff;
	[tilespmem:s4+$0x400] =	vst v50;
	v37 =	vadd.f32 v37, v45  }
0x247: {  	v57 =	vadd.f32 v47, v38;
	v45 =	vmul.f32 $8.000000000e+00, v48;
	v47 =	vor.u32 v9, v17;
	[tilespmem:s1+$0x20] =	vst v29;
	v48 =	vld.idx.msk [tilespmem:v53+s21+$0x0], $0xffff  }
0x248: {  	v50 =	vadd.f32 v52, v25;
	v53 =	vmul.f32 $8.000000000e+00, v59;
	v52 =	vld.idx.msk [tilespmem:v54+s21+$0x0], $0xffff;
	v54 =	vor.u32 v10, v31;
	[tilespmem:s7+$0x470] =	vst v37;
	s7 =	smov.u32 s12;
	s12 =	smov.u32 s3  }
0x249: {  	v44 =	vor.u32 v15, v44;
	v37 =	vadd.f32 v45, v16;
	v42 =	vmul.f32 $8.000000000e+00, v42;
	v29 =	vmovc v43;
	[tilespmem:s15+$0x20] =	vst v57  }
0x24a: {  	v45 =	vmul.f32 $8.000000000e+00, v51;
	[tilespmem:s26+$0x20] =	vst v50;
	v43 =	vld.idx.msk [tilespmem:v49+s21+$0x0], $0xffff;
	v49 =	vor.u32 v10, v21;
	v50 =	vadd.f32 v53, v23  }
0x24b: {  	v41 =	vor.u32 v15, v41;
	v42 =	vadd.f32 v42, v20;
	v51 =	vld.idx.msk [tilespmem:v55+s21+$0x0], $0xffff;
	[tilespmem:s30+$0x400] =	vst v37;
	v37 =	vmul.f32 $8.000000000e+00, v46  }
0x24c: {  	v53 =	vor.u32 v4, v29;
	v46 =	vmul.f32 $8.000000000e+00, v56;
	v45 =	vadd.f32 v45, v18;
	v47 =	vld.idx.msk [tilespmem:v47+s21+$0x0], $0xffff;
	[tilespmem:s7+$0x410] =	vst v50  }
0x24d: {  	v48 =	vmul.f32 $8.000000000e+00, v48;
	v50 =	vor.u32 v10, v19;
	v54 =	vld.idx.msk [tilespmem:v54+s21+$0x0], $0xffff;
	v37 =	vadd.f32 v37, v39;
	[tilespmem:s10+$0x460] =	vst v60  }
0x24e: {  	v55 =	vor.u32 v4, v26;
	v52 =	vmul.f32 $8.000000000e+00, v52;
	v46 =	vadd.f32 v46, v30;
	[tilespmem:s16+$0x410] =	vst v45;
	v44 =	vld.idx.msk [tilespmem:v44+s21+$0x0], $0xffff  }
0x24f: {  	v36 =	vbroadcast v36, $0x0;
	v48 =	vadd.f32 v48, v27;
	v45 =	vld.idx.msk [tilespmem:v49+s21+$0x0], $0xffff;
	v49 =	vor.u32 v15, v40;
	[tilespmem:s6+$0x460] =	vst v42  }
0x250: {  	v42 =	vadd.f32 v52, v22;
	v43 =	vmul.f32 $8.000000000e+00, v43;
	v52 =	vor.u32 v4, v28;
	[tilespmem:s12+$0x30] =	vst v46;
	v41 =	vld.idx.msk [tilespmem:v41+s21+$0x0], $0xffff  }
0x251: {  	v40 =	vor.u32 v11, v17;
	v46 =	vmul.f32 $8.000000000e+00, v51;
	v51 =	vor.u32 v4, v24;
	v53 =	vld.idx.msk [tilespmem:v53+s21+$0x0], $0xffff;
	[tilespmem:s4+$0x410] =	vst v48  }
0x252: {  	[tilespmem:s1+$0x30] =	vst v42;
	v42 =	vadd.f32 v43, v38;
	v43 =	vmul.f32 $8.000000000e+00, v47;
	v47 =	vor.u32 v10, v17;
	v48 =	vld.idx.msk [tilespmem:v50+s21+$0x0], $0xffff  }
0x253: {  	v46 =	vadd.f32 v46, v25;
	v54 =	vmul.f32 $8.000000000e+00, v54;
	v50 =	vld.idx.msk [tilespmem:v55+s21+$0x0], $0xffff;
	v55 =	vor.u32 v11, v31;
	[tilespmem:s9+$0x460] =	vst v37  }
0x254: {  	v37 =	vor.u32 v33, v32;
	v44 =	vmul.f32 $8.000000000e+00, v44;
	[tilespmem:s15+$0x30] =	vst v42;
	v42 =	vadd.f32 v43, v16;
	v43 =	vld.idx.msk [tilespmem:v49+s21+$0x0], $0xffff  }
0x255: {  	v45 =	vmul.f32 $8.000000000e+00, v45;
	[tilespmem:s26+$0x30] =	vst v46;
	v49 =	vld.idx.msk [tilespmem:v52+s21+$0x0], $0xffff;
	v46 =	vor.u32 v11, v21;
	v52 =	vadd.f32 v54, v23  }
0x256: {  	v54 =	vor.u32 v0, v32;
	v35 =	vadd.f32 v44, v35;
	v41 =	vmul.f32 $8.000000000e+00, v41;
	v51 =	vld.idx.msk [tilespmem:v51+s21+$0x0], $0xffff;
	[tilespmem:s30+$0x410] =	vst v42  }
0x257: {  	v44 =	vor.u32 v5, v29;
	v42 =	vmul.f32 $8.000000000e+00, v53;
	v45 =	vadd.f32 v45, v18;
	v47 =	vld.idx.msk [tilespmem:v47+s21+$0x0], $0xffff;
	[tilespmem:s7+$0x420] =	vst v52  }
0x258: {  	v48 =	vmul.f32 $8.000000000e+00, v48;
	v52 =	vor.u32 v11, v19;
	v20 =	vadd.f32 v41, v20;
	v53 =	vld.idx.msk [tilespmem:v55+s21+$0x0], $0xffff;
	[tilespmem:s10+$0x470] =	vst v35;
	s10 =	smov.u32 s16;
	s16 =	smov.u32 s1  }
0x259: {  	v41 =	vor.u32 v5, v26;
	v42 =	vadd.f32 v42, v30;
	v35 =	vld.idx.msk [tilespmem:v37+s11+$0x0], $0xffff;
	v37 =	vmul.f32 $8.000000000e+00, v50;
	[tilespmem:s10+$0x420] =	vst v45  }
0x25a: {  	v45 =	vor.u32 v33, v34;
	v48 =	vadd.f32 v48, v27;
	v43 =	vmul.f32 $8.000000000e+00, v43;
	v55 =	vld.idx.msk [tilespmem:v46+s21+$0x0], $0xffff;
	[tilespmem:s6+$0x470] =	vst v20;
	s6 =	smov.u32 s4;
	s4 =	smov.u32 s15  }
0x25b: {  	v56 =	vor.u32 v5, v28;
	v46 =	vld.idx.msk [tilespmem:v54+s21+$0x0], $0xffff;
	v20 =	vadd.f32 v37, v22;
	v37 =	vmul.f32 $8.000000000e+00, v49;
	[tilespmem:s12+$0x40] =	vst v42  }
0x25c: {  	v57 =	vor.u32 v5, v24;
	v49 =	vmul.f32 $8.000000000e+00, v51;
	v39 =	vadd.f32 v43, v39;
	v50 =	vld.idx.msk [tilespmem:v44+s21+$0x0], $0xffff;
	[tilespmem:s6+$0x420] =	vst v48  }
.Ltmp1:
0x25d: {  	v42 =	vor.u32 v12, v21;
	v47 =	vmul.f32 $8.000000000e+00, v47;
	[tilespmem:s16+$0x40] =	vst v20;
	v51 =	vadd.f32 v37, v38;
	v44 =	vld.idx.msk [tilespmem:v52+s21+$0x0], $0xffff;
	(pc) =	sbr.rel @p0 .LBB2_5-.Ltmp1, $4  }
0x25e: {  	v43 =	vor.u32 v12, v31;
	v48 =	vadd.f32 v49, v25;
	v49 =	vld.idx.msk [tilespmem:v41+s21+$0x0], $0xffff;
	v41 =	vmul.f32 $8.000000000e+00, v53;
	[tilespmem:s9+$0x470] =	vst v39;
	s9 =	smov.u32 s30;
	s30 =	smov.u32 s26  }
0x25f: {  	v53 =	vor.u32 v33, v36;
	v39 =	vadd.f32 v47, v16;
	v37 =	vld.idx.msk [tilespmem:v45+s11+$0x0], $0xffff;
	[tilespmem:s4+$0x40] =	vst v51;
	v20 =	vmov v27  }
0x260: {  	v54 =	vor.u32 v0, v34;
	[tilespmem:s30+$0x40] =	vst v48;
	v51 =	vld.idx.msk [tilespmem:v56+s21+$0x0], $0xffff;
	v48 =	vmul.f32 $8.000000000e+00, v55;
	v45 =	vadd.f32 v41, v23  }
0x261: {  	s1 =	sadd.s32 $0x3, s23;
	s23 =	sadd.s32 $0x4, s23;
	v47 =	vor.u32 v6, v26;
	v27 =	vmov v38;
	v41 =	vor.u32 v12, v19;
	v52 =	vld.idx.msk [tilespmem:v57+s21+$0x0], $0xffff;
	[tilespmem:s9+$0x420] =	vst v39  }
0x262: {  	v38 =	vmov s1  }
0x263: {  	v38 =	vand.u32 $0x3F, v38  }
0x264: {  	v39 =	vbroadcast v38, $0x0;
	_ =	sdelay $0x1  }
0x265: {  	v38 =	vor.u32 v0, v39  }
0x266: {  	v55 =	vor.u32 v0, v36  }
0x267: {  	v33 =	vor.u32 v33, v39;
	_ =	sdelay $0x1  }
0x268: {  	v54 =	vld.idx.msk [tilespmem:v54+s21+$0x0], $0xffff  }
0x269: {  	v56 =	vld.idx.msk [tilespmem:v38+s21+$0x0], $0xffff  }
0x26a: {  	v55 =	vld.idx.msk [tilespmem:v55+s21+$0x0], $0xffff  }
0x26b: {  	v38 =	vld.idx.msk [tilespmem:v33+s11+$0x0], $0xffff;
	_ =	sdelay $0x1  }
0x26c: {  	v33 =	vld.idx.msk [tilespmem:v53+s11+$0x0], $0xffff  }
0x26d: {  	s25 =	sadd.s32 $0x400, s2;
	v60 =	vor.u32 v1, v39;
	v63 =	vmul.f32 $8.000000000e+00, v56  }
0x26e: {  	v57 =	vor.u32 v1, v34;
	s3 =	sadd.s32 $0x200, s22;
	s1 =	sand.u32 $0x3800, s25;
	v54 =	vmul.f32 $8.000000000e+00, v54  }
0x26f: {  	v58 =	vor.u32 v1, v36;
	s26 =	sand.u32 $0x380, s3;
	s15 =	sadd.s32 $0xFFFFFF00, s3;
	s1 =	sor.u32 $0xC200, s1;
	v55 =	vmul.f32 $8.000000000e+00, v55;
	v53 =	vadd.f32 v63, v38  }
0x270: {  	v59 =	vor.u32 v1, v32;
	v46 =	vmul.f32 $8.000000000e+00, v46;
	s22 =	sadd.s32 $0xFFFFFF80, s3;
	s15 =	sand.u32 $0x280, s15;
	s2 =	sadd.s32 s26, s1;
	v54 =	vadd.f32 v54, v37  }
0x271: {  	s3 =	sadd.s32 $0xFFFFFE80, s3;
	s23 =	sand.u32 $0x300, s22;
	s29 =	sadd.s32 s15, s1;
	v61 =	vadd.f32 v55, v33;
	[tilespmem:s2+$0x0] =	vst v53  }
0x272: {  	s3 =	sand.u32 $0x200, s3;
	v46 =	vadd.f32 v46, v35;
	s26 =	sadd.s32 s23, s1;
	[tilespmem:s29+$0x0] =	vst v54;
	v62 =	vld.idx.msk [tilespmem:v60+s21+$0x0], $0xffff  }
0x273: {  	s15 =	sadd.s32 s3, s1;
	v54 =	vld.idx.msk [tilespmem:v57+s21+$0x0], $0xffff;
	[tilespmem:s26+$0x0] =	vst v61  }
0x274: {  	[tilespmem:s15+$0x0] =	vst v46;
	v63 =	vld.idx.msk [tilespmem:v58+s21+$0x0], $0xffff  }
0x275: {  	v60 =	vld.idx.msk [tilespmem:v59+s21+$0x0], $0xffff;
	_ =	sdelay $0x1  }
0x276: {  	v61 =	vor.u32 v2, v39;
	v55 =	vmul.f32 $8.000000000e+00, v62  }
0x277: {  	v54 =	vmul.f32 $8.000000000e+00, v54;
	v62 =	vor.u32 v2, v34  }
0x278: {  	v46 =	vmul.f32 $8.000000000e+00, v63;
	v63 =	vor.u32 v2, v36;
	v55 =	vadd.f32 v55, v38  }
0x279: {  	v54 =	vadd.f32 v54, v37;
	v53 =	vmul.f32 $8.000000000e+00, v60;
	v60 =	vor.u32 v2, v32  }
0x27a: {  	v46 =	vadd.f32 v46, v33;
	[tilespmem:s2+$0x10] =	vst v55  }
0x27b: {  	[tilespmem:s29+$0x10] =	vst v54;
	v53 =	vadd.f32 v53, v35;
	v55 =	vld.idx.msk [tilespmem:v61+s21+$0x0], $0xffff  }
0x27c: {  	[tilespmem:s26+$0x10] =	vst v46;
	v54 =	vld.idx.msk [tilespmem:v62+s21+$0x0], $0xffff  }
0x27d: {  	v46 =	vld.idx.msk [tilespmem:v63+s21+$0x0], $0xffff;
	[tilespmem:s15+$0x10] =	vst v53  }
0x27e: {  	v53 =	vld.idx.msk [tilespmem:v60+s21+$0x0], $0xffff;
	_ =	sdelay $0x1  }
0x27f: {  	v61 =	vor.u32 v3, v39;
	v55 =	vmul.f32 $8.000000000e+00, v55  }
0x280: {  	v62 =	vor.u32 v3, v34;
	v54 =	vmul.f32 $8.000000000e+00, v54  }
0x281: {  	v63 =	vor.u32 v3, v36;
	v46 =	vmul.f32 $8.000000000e+00, v46;
	v55 =	vadd.f32 v55, v38  }
0x282: {  	v60 =	vor.u32 v3, v32;
	v53 =	vmul.f32 $8.000000000e+00, v53;
	v54 =	vadd.f32 v54, v37  }
0x283: {  	v46 =	vadd.f32 v46, v33;
	[tilespmem:s2+$0x20] =	vst v55  }
0x284: {  	v53 =	vadd.f32 v53, v35;
	[tilespmem:s29+$0x20] =	vst v54;
	v55 =	vld.idx.msk [tilespmem:v61+s21+$0x0], $0xffff  }
0x285: {  	[tilespmem:s26+$0x20] =	vst v46;
	v54 =	vld.idx.msk [tilespmem:v62+s21+$0x0], $0xffff  }
0x286: {  	v46 =	vld.idx.msk [tilespmem:v63+s21+$0x0], $0xffff;
	[tilespmem:s15+$0x20] =	vst v53  }
0x287: {  	v53 =	vld.idx.msk [tilespmem:v60+s21+$0x0], $0xffff;
	_ =	sdelay $0x1  }
0x288: {  	v61 =	vor.u32 v4, v39;
	v55 =	vmul.f32 $8.000000000e+00, v55  }
0x289: {  	v62 =	vor.u32 v4, v34;
	v54 =	vmul.f32 $8.000000000e+00, v54  }
0x28a: {  	v63 =	vor.u32 v4, v36;
	v46 =	vmul.f32 $8.000000000e+00, v46;
	v55 =	vadd.f32 v55, v38  }
0x28b: {  	v60 =	vor.u32 v4, v32;
	v53 =	vmul.f32 $8.000000000e+00, v53;
	v54 =	vadd.f32 v54, v37  }
0x28c: {  	v46 =	vadd.f32 v46, v33;
	[tilespmem:s2+$0x30] =	vst v55  }
0x28d: {  	v53 =	vadd.f32 v53, v35;
	[tilespmem:s29+$0x30] =	vst v54;
	v55 =	vld.idx.msk [tilespmem:v61+s21+$0x0], $0xffff  }
0x28e: {  	[tilespmem:s26+$0x30] =	vst v46;
	v54 =	vld.idx.msk [tilespmem:v62+s21+$0x0], $0xffff  }
0x28f: {  	v46 =	vld.idx.msk [tilespmem:v63+s21+$0x0], $0xffff;
	[tilespmem:s15+$0x30] =	vst v53  }
0x290: {  	v53 =	vld.idx.msk [tilespmem:v60+s21+$0x0], $0xffff;
	_ =	sdelay $0x1  }
0x291: {  	v61 =	vor.u32 v5, v39;
	v55 =	vmul.f32 $8.000000000e+00, v55  }
0x292: {  	v62 =	vor.u32 v5, v34;
	v54 =	vmul.f32 $8.000000000e+00, v54  }
0x293: {  	v63 =	vor.u32 v5, v36;
	v46 =	vmul.f32 $8.000000000e+00, v46;
	v55 =	vadd.f32 v55, v38  }
0x294: {  	v53 =	vmul.f32 $8.000000000e+00, v53;
	v54 =	vadd.f32 v54, v37  }
0x295: {  	v60 =	vor.u32 v5, v32;
	v46 =	vadd.f32 v46, v33;
	[tilespmem:s2+$0x40] =	vst v55  }
0x296: {  	v53 =	vadd.f32 v53, v35;
	[tilespmem:s29+$0x40] =	vst v54;
	v55 =	vld.idx.msk [tilespmem:v61+s21+$0x0], $0xffff  }
0x297: {  	v50 =	vmul.f32 $8.000000000e+00, v50;
	[tilespmem:s26+$0x40] =	vst v46;
	v61 =	vor.u32 v6, v29;
	v56 =	vld.idx.msk [tilespmem:v62+s21+$0x0], $0xffff  }
0x298: {  	v51 =	vmul.f32 $8.000000000e+00, v51;
	[tilespmem:s15+$0x40] =	vst v53;
	v53 =	vor.u32 v6, v28;
	v62 =	vmul.f32 $8.000000000e+00, v49;
	v49 =	vld.idx.msk [tilespmem:v63+s21+$0x0], $0xffff  }
0x299: {  	v50 =	vadd.f32 v50, v30  }
0x29a: {  	v52 =	vmul.f32 $8.000000000e+00, v52;
	v58 =	vor.u32 v6, v24;
	v57 =	vld.idx.msk [tilespmem:v60+s21+$0x0], $0xffff;
	v63 =	vadd.f32 v51, v27  }
0x29b: {  	[tilespmem:s12+$0x50] =	vst v50;
	v46 =	vadd.f32 v62, v22;
	v60 =	vmul.f32 $8.000000000e+00, v55;
	v55 =	vor.u32 v6, v39  }
0x29c: {  	[tilespmem:s4+$0x50] =	vst v63;
	v54 =	vld.idx.msk [tilespmem:v61+s21+$0x0], $0xffff;
	v61 =	vadd.f32 v52, v25;
	v52 =	vor.u32 v6, v34;
	v56 =	vmul.f32 $8.000000000e+00, v56  }
0x29d: {  	v51 =	vor.u32 v6, v36;
	[tilespmem:s16+$0x50] =	vst v46;
	v46 =	vld.idx.msk [tilespmem:v53+s21+$0x0], $0xffff;
	v49 =	vmul.f32 $8.000000000e+00, v49;
	v62 =	vadd.f32 v60, v38  }
0x29e: {  	v47 =	vld.idx.msk [tilespmem:v47+s21+$0x0], $0xffff;
	[tilespmem:s30+$0x50] =	vst v61;
	v63 =	vadd.f32 v56, v37  }
0x29f: {  	v60 =	vmul.f32 $8.000000000e+00, v57;
	v61 =	vor.u32 v6, v32;
	v49 =	vadd.f32 v49, v33;
	v58 =	vld.idx.msk [tilespmem:v58+s21+$0x0], $0xffff;
	[tilespmem:s2+$0x50] =	vst v62  }
0x2a0: {  	[tilespmem:s29+$0x50] =	vst v63;
	v50 =	vld.idx.msk [tilespmem:v55+s21+$0x0], $0xffff  }
0x2a1: {  	v62 =	vadd.f32 v60, v35;
	[tilespmem:s26+$0x50] =	vst v49;
	v54 =	vmul.f32 $8.000000000e+00, v54;
	v55 =	vor.u32 v7, v29;
	v52 =	vld.idx.msk [tilespmem:v52+s21+$0x0], $0xffff  }
0x2a2: {  	v48 =	vadd.f32 v48, v18;
	v53 =	vor.u32 v7, v28;
	v46 =	vmul.f32 $8.000000000e+00, v46;
	v51 =	vld.idx.msk [tilespmem:v51+s21+$0x0], $0xffff  }
0x2a3: {  	v49 =	vor.u32 v7, v26;
	v47 =	vmul.f32 $8.000000000e+00, v47;
	[tilespmem:s15+$0x50] =	vst v62;
	v63 =	vadd.f32 v54, v30  }
0x2a4: {  	[tilespmem:s10+$0x430] =	vst v48;
	v48 =	vor.u32 v7, v24;
	v54 =	vld.idx.msk [tilespmem:v61+s21+$0x0], $0xffff;
	v61 =	vadd.f32 v46, v27;
	v60 =	vmul.f32 $8.000000000e+00, v58  }
0x2a5: {  	v40 =	vld.idx.msk [tilespmem:v40+s21+$0x0], $0xffff;
	v47 =	vadd.f32 v47, v22;
	[tilespmem:s12+$0x60] =	vst v63;
	v62 =	vmul.f32 $8.000000000e+00, v50;
	v50 =	vor.u32 v7, v39  }
0x2a6: {  	v56 =	vor.u32 v7, v34;
	[tilespmem:s4+$0x60] =	vst v61;
	v55 =	vld.idx.msk [tilespmem:v55+s21+$0x0], $0xffff;
	v63 =	vadd.f32 v60, v25;
	v52 =	vmul.f32 $8.000000000e+00, v52  }
0x2a7: {  	[tilespmem:s16+$0x60] =	vst v47;
	v60 =	vor.u32 v7, v36;
	v51 =	vmul.f32 $8.000000000e+00, v51;
	v53 =	vld.idx.msk [tilespmem:v53+s21+$0x0], $0xffff;
	v59 =	vadd.f32 v62, v38  }
0x2a8: {  	v49 =	vld.idx.msk [tilespmem:v49+s21+$0x0], $0xffff;
	[tilespmem:s30+$0x60] =	vst v63;
	v52 =	vadd.f32 v52, v37  }
0x2a9: {  	v61 =	vor.u32 v7, v32;
	v54 =	vmul.f32 $8.000000000e+00, v54;
	v62 =	vadd.f32 v51, v33;
	v48 =	vld.idx.msk [tilespmem:v48+s21+$0x0], $0xffff;
	[tilespmem:s2+$0x60] =	vst v59  }
0x2aa: {  	v44 =	vmul.f32 $8.000000000e+00, v44;
	[tilespmem:s29+$0x60] =	vst v52;
	v50 =	vld.idx.msk [tilespmem:v50+s21+$0x0], $0xffff  }
0x2ab: {  	v63 =	vadd.f32 v54, v35;
	v54 =	vor.u32 v8, v29;
	[tilespmem:s26+$0x60] =	vst v62;
	v57 =	vmul.f32 $8.000000000e+00, v55;
	v55 =	vld.idx.msk [tilespmem:v56+s21+$0x0], $0xffff  }
0x2ac: {  	[tilespmem:s7+$0x430] =	vst v45;
	v44 =	vadd.f32 v44, v20;
	v52 =	vor.u32 v8, v28;
	v46 =	vld.idx.msk [tilespmem:v60+s21+$0x0], $0xffff;
	v60 =	vmul.f32 $8.000000000e+00, v53  }
0x2ad: {  	v43 =	vld.idx.msk [tilespmem:v43+s21+$0x0], $0xffff;
	v58 =	vmul.f32 $8.000000000e+00, v49;
	v49 =	vor.u32 v8, v26;
	[tilespmem:s15+$0x60] =	vst v63;
	v59 =	vadd.f32 v57, v30  }
0x2ae: {  	[tilespmem:s6+$0x430] =	vst v44;
	v47 =	vld.idx.msk [tilespmem:v61+s21+$0x0], $0xffff;
	v63 =	vadd.f32 v60, v27;
	v62 =	vmul.f32 $8.000000000e+00, v48;
	v48 =	vor.u32 v8, v24  }
0x2af: {  	v42 =	vld.idx.msk [tilespmem:v42+s21+$0x0], $0xffff;
	v61 =	vadd.f32 v58, v22;
	v57 =	vor.u32 v8, v39;
	[tilespmem:s12+$0x70] =	vst v59;
	v50 =	vmul.f32 $8.000000000e+00, v50  }
0x2b0: {  	[tilespmem:s4+$0x70] =	vst v63;
	v53 =	vld.idx.msk [tilespmem:v54+s21+$0x0], $0xffff;
	v58 =	vadd.f32 v62, v25;
	v59 =	vmul.f32 $8.000000000e+00, v55;
	v54 =	vor.u32 v8, v34  }
0x2b1: {  	[tilespmem:s16+$0x70] =	vst v61;
	v46 =	vmul.f32 $8.000000000e+00, v46;
	v52 =	vld.idx.msk [tilespmem:v52+s21+$0x0], $0xffff;
	v60 =	vadd.f32 v50, v38;
	v50 =	vor.u32 v8, v36  }
0x2b2: {  	v40 =	vmul.f32 $8.000000000e+00, v40;
	v49 =	vld.idx.msk [tilespmem:v49+s21+$0x0], $0xffff;
	[tilespmem:s30+$0x70] =	vst v58;
	v61 =	vadd.f32 v59, v37  }
0x2b3: {  	v62 =	vmul.f32 $8.000000000e+00, v47;
	v47 =	vor.u32 v8, v32;
	v63 =	vadd.f32 v46, v33;
	v48 =	vld.idx.msk [tilespmem:v48+s21+$0x0], $0xffff;
	[tilespmem:s2+$0x70] =	vst v60  }
0x2b4: {  	v43 =	vmul.f32 $8.000000000e+00, v43;
	v40 =	vadd.f32 v40, v16;
	v46 =	vor.u32 v13, v31;
	[tilespmem:s29+$0x70] =	vst v61;
	v51 =	vld.idx.msk [tilespmem:v57+s21+$0x0], $0xffff  }
0x2b5: {  	v59 =	vor.u32 v9, v29;
	[tilespmem:s26+$0x70] =	vst v63;
	v57 =	vadd.f32 v62, v35;
	v58 =	vmul.f32 $8.000000000e+00, v53;
	v54 =	vld.idx.msk [tilespmem:v54+s21+$0x0], $0xffff  }
0x2b6: {  	v45 =	vor.u32 v9, v28;
	v43 =	vadd.f32 v43, v23;
	[tilespmem:s9+$0x430] =	vst v40;
	v62 =	vmul.f32 $8.000000000e+00, v52;
	v50 =	vld.idx.msk [tilespmem:v50+s21+$0x0], $0xffff  }
0x2b7: {  	v41 =	vld.idx.msk [tilespmem:v41+s21+$0x0], $0xffff;
	v60 =	vmul.f32 $8.000000000e+00, v49;
	v49 =	vor.u32 v9, v26;
	[tilespmem:s15+$0x70] =	vst v57;
	v61 =	vadd.f32 v58, v30  }
0x2b8: {  	[tilespmem:s7+$0x440] =	vst v43;
	v57 =	vadd.f32 v62, v27;
	v47 =	vld.idx.msk [tilespmem:v47+s21+$0x0], $0xffff;
	v56 =	vmul.f32 $8.000000000e+00, v48;
	v48 =	vor.u32 v9, v24  }
0x2b9: {  	v63 =	vadd.f32 v60, v22;
	v46 =	vld.idx.msk [tilespmem:v46+s21+$0x0], $0xffff;
	[tilespmem:s12+$0x400] =	vst v61;
	v58 =	vmul.f32 $8.000000000e+00, v51;
	v51 =	vor.u32 v9, v39  }
0x2ba: {  	v53 =	vor.u32 v9, v34;
	[tilespmem:s4+$0x400] =	vst v57;
	v52 =	vld.idx.msk [tilespmem:v59+s21+$0x0], $0xffff;
	v59 =	vadd.f32 v56, v25;
	v60 =	vmul.f32 $8.000000000e+00, v54  }
0x2bb: {  	[tilespmem:s16+$0x400] =	vst v63;
	v45 =	vld.idx.msk [tilespmem:v45+s21+$0x0], $0xffff;
	v61 =	vadd.f32 v58, v38;
	v62 =	vmul.f32 $8.000000000e+00, v50;
	v50 =	vor.u32 v9, v36  }
0x2bc: {  	v42 =	vmul.f32 $8.000000000e+00, v42;
	v49 =	vld.idx.msk [tilespmem:v49+s21+$0x0], $0xffff;
	[tilespmem:s30+$0x400] =	vst v59;
	v63 =	vadd.f32 v60, v37;
	v60 =	vor.u32 v13, v21  }
0x2bd: {  	v57 =	vmul.f32 $8.000000000e+00, v47;
	v47 =	vor.u32 v9, v32;
	v48 =	vld.idx.msk [tilespmem:v48+s21+$0x0], $0xffff;
	[tilespmem:s2+$0x400] =	vst v61;
	v59 =	vadd.f32 v62, v33  }
0x2be: {  	v42 =	vadd.f32 v42, v18;
	v41 =	vmul.f32 $8.000000000e+00, v41;
	v58 =	vor.u32 v12, v17;
	[tilespmem:s29+$0x400] =	vst v63;
	v51 =	vld.idx.msk [tilespmem:v51+s21+$0x0], $0xffff  }
0x2bf: {  	v61 =	vadd.f32 v57, v35;
	v62 =	vmul.f32 $8.000000000e+00, v52;
	v52 =	vor.u32 v10, v29;
	v53 =	vld.idx.msk [tilespmem:v53+s21+$0x0], $0xffff;
	[tilespmem:s26+$0x400] =	vst v59  }
0x2c0: {  	v44 =	vor.u32 v10, v28;
	[tilespmem:s10+$0x440] =	vst v42;
	v41 =	vadd.f32 v41, v20;
	v57 =	vmul.f32 $8.000000000e+00, v45;
	v50 =	vld.idx.msk [tilespmem:v50+s21+$0x0], $0xffff  }
0x2c1: {  	v46 =	vmul.f32 $8.000000000e+00, v46;
	[tilespmem:s15+$0x400] =	vst v61;
	v56 =	vadd.f32 v62, v30;
	v43 =	vld.idx.msk [tilespmem:v60+s21+$0x0], $0xffff  }
0x2c2: {  	[tilespmem:s6+$0x440] =	vst v41;
	v55 =	vmul.f32 $8.000000000e+00, v49;
	v49 =	vor.u32 v10, v26;
	v60 =	vadd.f32 v57, v27;
	v45 =	vld.idx.msk [tilespmem:v47+s21+$0x0], $0xffff  }
0x2c3: {  	v63 =	vadd.f32 v46, v23;
	v47 =	vld.idx.msk [tilespmem:v58+s21+$0x0], $0xffff;
	v59 =	vmul.f32 $8.000000000e+00, v48;
	v48 =	vor.u32 v10, v24;
	[tilespmem:s12+$0x410] =	vst v56  }
0x2c4: {  	v62 =	vor.u32 v10, v39;
	v58 =	vadd.f32 v55, v22;
	[tilespmem:s4+$0x410] =	vst v60;
	v61 =	vmul.f32 $8.000000000e+00, v51;
	v52 =	vld.idx.msk [tilespmem:v52+s21+$0x0], $0xffff  }
0x2c5: {  	[tilespmem:s7+$0x450] =	vst v63;
	v63 =	vadd.f32 v59, v25;
	v56 =	vmul.f32 $8.000000000e+00, v53;
	v53 =	vor.u32 v10, v34;
	v44 =	vld.idx.msk [tilespmem:v44+s21+$0x0], $0xffff  }
0x2c6: {  	v42 =	vor.u32 v13, v19;
	[tilespmem:s16+$0x410] =	vst v58;
	v57 =	vadd.f32 v61, v38;
	v58 =	vmul.f32 $8.000000000e+00, v50  }
0x2c7: {  	v49 =	vld.idx.msk [tilespmem:v49+s21+$0x0], $0xffff;
	v50 =	vor.u32 v10, v36;
	[tilespmem:s30+$0x410] =	vst v63;
	v59 =	vadd.f32 v56, v37;
	v45 =	vmul.f32 $8.000000000e+00, v45  }
0x2c8: {  	v46 =	vor.u32 v10, v32;
	v47 =	vmul.f32 $8.000000000e+00, v47;
	v48 =	vld.idx.msk [tilespmem:v48+s21+$0x0], $0xffff;
	[tilespmem:s2+$0x410] =	vst v57;
	v60 =	vadd.f32 v58, v33  }
0x2c9: {  	v54 =	vor.u32 v14, v31;
	[tilespmem:s29+$0x410] =	vst v59;
	v51 =	vld.idx.msk [tilespmem:v62+s21+$0x0], $0xffff;
	v61 =	vadd.f32 v45, v35;
	v63 =	vmul.f32 $8.000000000e+00, v52  }
0x2ca: {  	v56 =	vor.u32 v11, v29;
	v62 =	vadd.f32 v47, v16;
	v53 =	vld.idx.msk [tilespmem:v53+s21+$0x0], $0xffff;
	v44 =	vmul.f32 $8.000000000e+00, v44;
	[tilespmem:s26+$0x410] =	vst v60  }
0x2cb: {  	v42 =	vld.idx.msk [tilespmem:v42+s21+$0x0], $0xffff;
	v43 =	vmul.f32 $8.000000000e+00, v43;
	v45 =	vor.u32 v11, v28;
	[tilespmem:s15+$0x410] =	vst v61;
	v60 =	vadd.f32 v63, v30  }
0x2cc: {  	v59 =	vor.u32 v11, v26;
	v58 =	vmul.f32 $8.000000000e+00, v49;
	v50 =	vld.idx.msk [tilespmem:v50+s21+$0x0], $0xffff;
	[tilespmem:s9+$0x440] =	vst v62;
	v61 =	vadd.f32 v44, v27  }
0x2cd: {  	v41 =	vor.u32 v11, v24;
	v57 =	vadd.f32 v43, v18;
	v46 =	vld.idx.msk [tilespmem:v46+s21+$0x0], $0xffff;
	v48 =	vmul.f32 $8.000000000e+00, v48;
	[tilespmem:s12+$0x420] =	vst v60  }
0x2ce: {  	v47 =	vld.idx.msk [tilespmem:v54+s21+$0x0], $0xffff;
	v43 =	vadd.f32 v58, v22;
	[tilespmem:s4+$0x420] =	vst v61;
	v61 =	vor.u32 v13, v17;
	v62 =	vmul.f32 $8.000000000e+00, v51  }
0x2cf: {  	[tilespmem:s10+$0x450] =	vst v57;
	v51 =	vor.u32 v11, v39;
	v52 =	vld.idx.msk [tilespmem:v56+s21+$0x0], $0xffff;
	v63 =	vadd.f32 v48, v25;
	v56 =	vmul.f32 $8.000000000e+00, v53  }
0x2d0: {  	v57 =	vor.u32 v11, v34;
	[tilespmem:s16+$0x420] =	vst v43;
	v45 =	vld.idx.msk [tilespmem:v45+s21+$0x0], $0xffff;
	v58 =	vadd.f32 v62, v38  }
0x2d1: {  	v60 =	vor.u32 v11, v36;
	v49 =	vld.idx.msk [tilespmem:v59+s21+$0x0], $0xffff;
	v59 =	vmul.f32 $8.000000000e+00, v50;
	[tilespmem:s30+$0x420] =	vst v63;
	v48 =	vadd.f32 v56, v37  }
0x2d2: {  	v43 =	vor.u32 v11, v32;
	v46 =	vmul.f32 $8.000000000e+00, v46;
	v41 =	vld.idx.msk [tilespmem:v41+s21+$0x0], $0xffff;
	[tilespmem:s2+$0x420] =	vst v58  }
0x2d3: {  	v31 =	vor.u32 v15, v31;
	v47 =	vmul.f32 $8.000000000e+00, v47;
	v62 =	vadd.f32 v59, v33;
	[tilespmem:s29+$0x420] =	vst v48;
	v48 =	vld.idx.msk [tilespmem:v61+s21+$0x0], $0xffff  }
0x2d4: {  	v42 =	vmul.f32 $8.000000000e+00, v42;
	v44 =	vld.idx.msk [tilespmem:v51+s21+$0x0], $0xffff;
	v46 =	vadd.f32 v46, v35  }
0x2d5: {  	v47 =	vadd.f32 v47, v23;
	v56 =	vor.u32 v12, v29;
	v63 =	vmul.f32 $8.000000000e+00, v52;
	v52 =	vld.idx.msk [tilespmem:v57+s21+$0x0], $0xffff;
	[tilespmem:s26+$0x420] =	vst v62  }
0x2d6: {  	v58 =	vor.u32 v12, v26;
	v57 =	vadd.f32 v42, v20;
	v49 =	vmul.f32 $8.000000000e+00, v49;
	v50 =	vld.idx.msk [tilespmem:v60+s21+$0x0], $0xffff;
	[tilespmem:s15+$0x420] =	vst v46  }
0x2d7: {  	[tilespmem:s7+$0x460] =	vst v47;
	v45 =	vmul.f32 $8.000000000e+00, v45;
	v59 =	vadd.f32 v63, v30;
	v60 =	vor.u32 v12, v28;
	v43 =	vld.idx.msk [tilespmem:v43+s21+$0x0], $0xffff  }
0x2d8: {  	v31 =	vld.idx.msk [tilespmem:v31+s21+$0x0], $0xffff;
	v62 =	vor.u32 v12, v24;
	[tilespmem:s6+$0x450] =	vst v57;
	v61 =	vadd.f32 v49, v22;
	v41 =	vmul.f32 $8.000000000e+00, v41  }
0x2d9: {  	v45 =	vadd.f32 v45, v27;
	v63 =	vor.u32 v12, v39;
	[tilespmem:s12+$0x430] =	vst v59;
	v44 =	vmul.f32 $8.000000000e+00, v44  }
0x2da: {  	v57 =	vor.u32 v12, v34;
	v51 =	vld.idx.msk [tilespmem:v56+s21+$0x0], $0xffff;
	[tilespmem:s16+$0x430] =	vst v61;
	v56 =	vadd.f32 v41, v25;
	v52 =	vmul.f32 $8.000000000e+00, v52  }
0x2db: {  	[tilespmem:s4+$0x430] =	vst v45;
	v42 =	vld.idx.msk [tilespmem:v58+s21+$0x0], $0xffff;
	v58 =	vor.u32 v12, v36;
	v44 =	vadd.f32 v44, v38;
	v50 =	vmul.f32 $8.000000000e+00, v50  }
0x2dc: {  	v47 =	vld.idx.msk [tilespmem:v60+s21+$0x0], $0xffff;
	[tilespmem:s30+$0x430] =	vst v56;
	v59 =	vadd.f32 v52, v37;
	v52 =	vor.u32 v12, v32;
	v43 =	vmul.f32 $8.000000000e+00, v43  }
0x2dd: {  	v31 =	vmul.f32 $8.000000000e+00, v31;
	v60 =	vor.u32 v14, v21;
	v49 =	vld.idx.msk [tilespmem:v62+s21+$0x0], $0xffff;
	[tilespmem:s2+$0x430] =	vst v44;
	v61 =	vadd.f32 v50, v33  }
0x2de: {  	v48 =	vmul.f32 $8.000000000e+00, v48;
	v50 =	vor.u32 v14, v19;
	[tilespmem:s29+$0x430] =	vst v59;
	v46 =	vld.idx.msk [tilespmem:v63+s21+$0x0], $0xffff;
	v62 =	vadd.f32 v43, v35  }
0x2df: {  	v55 =	vadd.f32 v31, v23;
	v54 =	vmul.f32 $8.000000000e+00, v51;
	v51 =	vor.u32 v13, v29;
	v41 =	vld.idx.msk [tilespmem:v57+s21+$0x0], $0xffff;
	[tilespmem:s26+$0x430] =	vst v61  }
0x2e0: {  	v63 =	vadd.f32 v48, v16;
	v57 =	vor.u32 v13, v26;
	v56 =	vmul.f32 $8.000000000e+00, v42;
	v44 =	vld.idx.msk [tilespmem:v58+s21+$0x0], $0xffff;
	[tilespmem:s15+$0x430] =	vst v62  }
0x2e1: {  	v45 =	vor.u32 v13, v28;
	[tilespmem:s7+$0x470] =	vst v55;
	v58 =	vadd.f32 v54, v30;
	v59 =	vmul.f32 $8.000000000e+00, v47;
	v47 =	vld.idx.msk [tilespmem:v52+s21+$0x0], $0xffff  }
0x2e2: {  	[tilespmem:s9+$0x450] =	vst v63;
	v48 =	vld.idx.msk [tilespmem:v60+s21+$0x0], $0xffff;
	v62 =	vor.u32 v13, v24;
	v60 =	vadd.f32 v56, v22;
	v61 =	vmul.f32 $8.000000000e+00, v49  }
0x2e3: {  	v50 =	vld.idx.msk [tilespmem:v50+s21+$0x0], $0xffff;
	[tilespmem:s12+$0x440] =	vst v58;
	v63 =	vadd.f32 v59, v27;
	v54 =	vmul.f32 $8.000000000e+00, v46;
	v46 =	vor.u32 v13, v39  }
0x2e4: {  	v51 =	vld.idx.msk [tilespmem:v51+s21+$0x0], $0xffff;
	[tilespmem:s16+$0x440] =	vst v60;
	v55 =	vadd.f32 v61, v25;
	v56 =	vmul.f32 $8.000000000e+00, v41;
	v41 =	vor.u32 v13, v34  }
0x2e5: {  	v59 =	vor.u32 v13, v36;
	v42 =	vld.idx.msk [tilespmem:v57+s21+$0x0], $0xffff;
	[tilespmem:s4+$0x440] =	vst v63;
	v57 =	vadd.f32 v54, v38;
	v58 =	vmul.f32 $8.000000000e+00, v44  }
0x2e6: {  	v45 =	vld.idx.msk [tilespmem:v45+s21+$0x0], $0xffff;
	[tilespmem:s30+$0x440] =	vst v55;
	v60 =	vadd.f32 v56, v37;
	v61 =	vmul.f32 $8.000000000e+00, v47;
	v47 =	vor.u32 v13, v32  }
0x2e7: {  	v52 =	vor.u32 v14, v17;
	v48 =	vmul.f32 $8.000000000e+00, v48;
	v49 =	vld.idx.msk [tilespmem:v62+s21+$0x0], $0xffff;
	[tilespmem:s2+$0x440] =	vst v57;
	v62 =	vadd.f32 v58, v33  }
0x2e8: {  	v21 =	vor.u32 v15, v21;
	v63 =	vmul.f32 $8.000000000e+00, v50;
	[tilespmem:s29+$0x440] =	vst v60;
	v46 =	vld.idx.msk [tilespmem:v46+s21+$0x0], $0xffff;
	v53 =	vadd.f32 v61, v35  }
0x2e9: {  	v56 =	vor.u32 v14, v29;
	v54 =	vadd.f32 v48, v18;
	v55 =	vmul.f32 $8.000000000e+00, v51;
	v41 =	vld.idx.msk [tilespmem:v41+s21+$0x0], $0xffff;
	[tilespmem:s26+$0x440] =	vst v62  }
0x2ea: {  	v58 =	vor.u32 v14, v26;
	v57 =	vadd.f32 v63, v20;
	v42 =	vmul.f32 $8.000000000e+00, v42;
	v44 =	vld.idx.msk [tilespmem:v59+s21+$0x0], $0xffff;
	[tilespmem:s15+$0x440] =	vst v53  }
0x2eb: {  	v61 =	vor.u32 v14, v28;
	[tilespmem:s10+$0x460] =	vst v54;
	v59 =	vadd.f32 v55, v30;
	v60 =	vmul.f32 $8.000000000e+00, v45;
	v47 =	vld.idx.msk [tilespmem:v47+s21+$0x0], $0xffff  }
0x2ec: {  	v48 =	vld.idx.msk [tilespmem:v52+s21+$0x0], $0xffff;
	v52 =	vor.u32 v14, v24;
	[tilespmem:s6+$0x460] =	vst v57;
	v62 =	vadd.f32 v42, v22;
	v63 =	vmul.f32 $8.000000000e+00, v49  }
0x2ed: {  	v21 =	vld.idx.msk [tilespmem:v21+s21+$0x0], $0xffff;
	v55 =	vor.u32 v14, v39;
	[tilespmem:s12+$0x450] =	vst v59;
	v53 =	vadd.f32 v60, v27;
	v54 =	vmul.f32 $8.000000000e+00, v46  }
0x2ee: {  	v57 =	vor.u32 v14, v34;
	v50 =	vld.idx.msk [tilespmem:v56+s21+$0x0], $0xffff;
	[tilespmem:s16+$0x450] =	vst v62;
	v56 =	vadd.f32 v63, v25;
	v41 =	vmul.f32 $8.000000000e+00, v41  }
0x2ef: {  	v60 =	vor.u32 v14, v36;
	v43 =	vld.idx.msk [tilespmem:v58+s21+$0x0], $0xffff;
	[tilespmem:s4+$0x450] =	vst v53;
	v58 =	vadd.f32 v54, v38;
	v59 =	vmul.f32 $8.000000000e+00, v44  }
0x2f0: {  	v45 =	vld.idx.msk [tilespmem:v61+s21+$0x0], $0xffff;
	[tilespmem:s30+$0x450] =	vst v56;
	v61 =	vadd.f32 v41, v37;
	v62 =	vmul.f32 $8.000000000e+00, v47;
	v47 =	vor.u32 v14, v32  }
0x2f1: {  	v19 =	vor.u32 v15, v19;
	v48 =	vmul.f32 $8.000000000e+00, v48;
	v49 =	vld.idx.msk [tilespmem:v52+s21+$0x0], $0xffff;
	[tilespmem:s2+$0x450] =	vst v58;
	v63 =	vadd.f32 v59, v33  }
0x2f2: {  	v17 =	vor.u32 v15, v17;
	v21 =	vmul.f32 $8.000000000e+00, v21;
	[tilespmem:s29+$0x450] =	vst v61;
	v51 =	vld.idx.msk [tilespmem:v55+s21+$0x0], $0xffff;
	v52 =	vadd.f32 v62, v35  }
0x2f3: {  	v53 =	vadd.f32 v48, v16;
	v54 =	vmul.f32 $8.000000000e+00, v50;
	v55 =	vor.u32 v15, v29;
	v42 =	vld.idx.msk [tilespmem:v57+s21+$0x0], $0xffff;
	[tilespmem:s26+$0x450] =	vst v63  }
0x2f4: {  	v56 =	vadd.f32 v21, v18;
	v58 =	vor.u32 v15, v26;
	v57 =	vmul.f32 $8.000000000e+00, v43;
	v59 =	vld.idx.msk [tilespmem:v60+s21+$0x0], $0xffff;
	[tilespmem:s15+$0x450] =	vst v52  }
0x2f5: {  	[tilespmem:s9+$0x460] =	vst v53;
	v62 =	vor.u32 v15, v28;
	v60 =	vadd.f32 v54, v30;
	v61 =	vmul.f32 $8.000000000e+00, v45;
	v63 =	vld.idx.msk [tilespmem:v47+s21+$0x0], $0xffff  }
0x2f6: {  	v19 =	vld.idx.msk [tilespmem:v19+s21+$0x0], $0xffff;
	v46 =	vor.u32 v15, v24;
	[tilespmem:s10+$0x470] =	vst v56;
	v44 =	vadd.f32 v57, v22;
	v45 =	vmul.f32 $8.000000000e+00, v49  }
0x2f7: {  	v39 =	vor.u32 v15, v39;
	v17 =	vld.idx.msk [tilespmem:v17+s21+$0x0], $0xffff;
	[tilespmem:s12+$0x460] =	vst v60;
	v47 =	vadd.f32 v61, v27;
	v31 =	vmul.f32 $8.000000000e+00, v51  }
0x2f8: {  	v49 =	vor.u32 v15, v34;
	v29 =	vld.idx.msk [tilespmem:v55+s21+$0x0], $0xffff;
	v21 =	vadd.f32 v45, v25;
	[tilespmem:s16+$0x460] =	vst v44;
	v48 =	vmul.f32 $8.000000000e+00, v42  }
0x2f9: {  	v50 =	vor.u32 v15, v36;
	v23 =	vld.idx.msk [tilespmem:v58+s21+$0x0], $0xffff;
	[tilespmem:s4+$0x460] =	vst v47;
	v31 =	vadd.f32 v31, v38;
	v26 =	vmul.f32 $8.000000000e+00, v59  }
0x2fa: {  	v52 =	vor.u32 v15, v32;
	v28 =	vld.idx.msk [tilespmem:v62+s21+$0x0], $0xffff;
	[tilespmem:s30+$0x460] =	vst v21;
	v18 =	vadd.f32 v48, v37;
	v51 =	vmul.f32 $8.000000000e+00, v63  }
0x2fb: {  	v19 =	vmul.f32 $8.000000000e+00, v19;
	v24 =	vld.idx.msk [tilespmem:v46+s21+$0x0], $0xffff;
	[tilespmem:s2+$0x460] =	vst v31;
	v26 =	vadd.f32 v26, v33  }
0x2fc: {  	v17 =	vmul.f32 $8.000000000e+00, v17;
	[tilespmem:s29+$0x460] =	vst v18;
	v31 =	vld.idx.msk [tilespmem:v39+s21+$0x0], $0xffff;
	v21 =	vadd.f32 v51, v35  }
0x2fd: {  	v53 =	vadd.f32 v19, v20;
	v54 =	vmul.f32 $8.000000000e+00, v29;
	v55 =	vld.idx.msk [tilespmem:v49+s21+$0x0], $0xffff;
	[tilespmem:s26+$0x460] =	vst v26  }
0x2fe: {  	v16 =	vadd.f32 v17, v16;
	v17 =	vmul.f32 $8.000000000e+00, v23;
	v56 =	vld.idx.msk [tilespmem:v50+s21+$0x0], $0xffff;
	[tilespmem:s15+$0x460] =	vst v21  }
0x2ff: {  	[tilespmem:s6+$0x470] =	vst v53;
	v57 =	vadd.f32 v54, v30;
	v58 =	vmul.f32 $8.000000000e+00, v28;
	v21 =	vld.idx.msk [tilespmem:v52+s21+$0x0], $0xffff  }
0x300: {  	[tilespmem:s9+$0x470] =	vst v16;
	v16 =	vadd.f32 v17, v22;
	v17 =	vmul.f32 $8.000000000e+00, v24  }
0x301: {  	[tilespmem:s12+$0x470] =	vst v57;
	v59 =	vadd.f32 v58, v27;
	v60 =	vmul.f32 $8.000000000e+00, v31  }
0x302: {  	[tilespmem:s16+$0x470] =	vst v16;
	v16 =	vadd.f32 v17, v25;
	v17 =	vmul.f32 $8.000000000e+00, v55  }
0x303: {  	s0 =	sadd.s32 $0x1, s0;
	[tilespmem:s4+$0x470] =	vst v59;
	v61 =	vadd.f32 v60, v38;
	v62 =	vmul.f32 $8.000000000e+00, v56  }
0x304: {  	s18 =	sshll.u32 s18, $0x8;
	p0 =	sne.s32 s0, $0x32;
	[tilespmem:s30+$0x470] =	vst v16;
	v16 =	vadd.f32 v17, v37;
	v17 =	vmul.f32 $8.000000000e+00, v21  }
.Ltmp2:
0x305: {  	s25 =	rddreg [dreg:$0x2];
	s1 =	sand.u32 $0xF00, s18;
	[tilespmem:s2+$0x470] =	vst v61;
	v63 =	vadd.f32 v62, v33;
	(pc) =	sbr.rel @p0 .LBB2_2-.Ltmp2, $4  }
0x306: {  	s24 =	sshll.u32 s14, $0xF;
	s1 =	sadd.s32 s25, s1;
	[tilespmem:s29+$0x470] =	vst v16;
	v16 =	vadd.f32 v17, v35  }
0x307: {  	s1 =	sadd.s32 s24, s1;
	[tilespmem:s26+$0x470] =	vst v63  }
0x308: {  	s30 =	simm.s32 $0xC200;
	s29 =	simm.s32 $0x8000;
	s26 =	simm.s32 $0x800;
	[tilespmem:s15+$0x470] =	vst v16  }
0x309: {  	[hbm4b:s1+s26] =	stream.strided.scatter [tilespmem:s30], [sflag:$0x4], $0x4000, s29, s26, $0x38;
	[tilespmem:$0x13400] =	vst v63  }
0x30a: {  	s0 =	simm.s32 $0x3  }
0x30b: {  	_ =	swait.ge [sflag:s0], $0x4000  }
0x30c: {  	[sflag:s0] =	ssyncset.done $0x0  }
0x30d: {  	s1 =	simm.s32 $0x4;
	[sflag:s0] =	ssyncadd.s32 $0xFFFFC000  }
0x30e: {  	_ =	swait.ge [sflag:s1], $0x4000  }
0x30f: {  	s2 =	rddreg [dreg:$0x8]  }
0x310: {  	s30 =	rddreg [dreg:$0x7];
	s2 =	sadd.s32 $0x1, s2  }
0x311: {  	p0 =	sne.s32 s2, s30  }
.Ltmp3:
0x312: {  	_ = 	snop;
	(pc) =	sbr.rel @p0 .LBB2_1-.Ltmp3, $3  }
0x313: {  	_ =	sdelay $0x1  }
0x314: {  	[sflag:s1] =	ssyncset.done $0x0  }
0x315: {  	[sflag:s1] =	ssyncadd.s32 $0xFFFFC000  }
0x316: {  	_ =	sfence.sel $0x180000  }
0x317: {  	[bflag:$0x0] =	sbarrier.arrive $0xFFFF  }
0x318: {  	_ =	strace $0x90000047  }
0x319: {  	s0 =	stileid.u32;
	[bflag:$0x2] =	sbarrier.arrive $0xFFFF  }
0x31a: {  	p0 =	sne.s32 s0, $0x0;
	s0 =	rddreg [dreg:$0x3]  }
0x31b: {  	s0 =	sadd.s32 @!p0 $0x100000, s0  }
0x31c: {  	[sflag:s0] =	ssyncadd.tile.s32 @!p0 $0x1;
	_ =	shalt  }
.Lfunc_end2:
_tile_overlayer_lowered:
.L_overlay_start_2:
0x31d: {  	(tag) =	ssettag $0x2  }
0x31e: {  	s0 =	rddreg [dreg:$0x0];
	s2 =	stileid.u32  }
0x31f: {  	s1 =	rddreg [dreg:$0x1];
	p0 =	sne.s32 s2, $0x0  }
0x320: {  	s3 =	rddreg [dreg:$0x2];
	[bflag:$0x3] =	sbarrier.arrive $0xFFFF;
	s2 =	simm.s32 @!p0 $0x1C07  }
0x321: {  	[timem:s3], [sflag:s2] =	dma.local @!p0 [hbm:s0], s1  }
0x322: {  	s0 =	simm.s32 @!p0 $0x7  }
0x323: {  	_ =	swait.ge @!p0 [sflag:s0], s1  }
0x324: {  	s1 =	ssub.s32 @!p0 $0x0, s1;
	[sflag:s0] =	ssyncset.done @!p0 $0x0  }
0x325: {  	[sflag:s0] =	ssyncadd.s32 @!p0 s1  }
0x326: {  	[bflag:$0x3] =	sbarrier.arrive $0xFFFF  }
0x327: {  	_ =	shalt  }

</sc_bundles>
